<compile_context>
chip_gen: v7x
topology: tpu7x:2x2x1
jax: 0.10.2.dev20260603
libtpu: 0.0.44.dev20260713+nightly
codegen_flags: <defaults>
</compile_context>

<pallas_src>
import functools
import jax
import jax.numpy as jnp
from jax import lax
from jax.experimental import pallas as pl
from jax.experimental.pallas import tpu as pltpu
from jax.experimental.pallas import tpu_sc as plsc

N_NODES = 100000
N_EDGES = 3200000
NC = 2
NS = 16
NW = NC * NS
CHUNK = 512
NCHUNKS = N_EDGES // CHUNK
SUB = 128
NSUB = CHUNK // SUB
NTE = N_EDGES // SUB
MPITCH = 16
TILE_ROWS = 6256


def _sc_body(tc_hbm, sc_hbm, ei_hbm, out_hbm,
             tc_buf, sc_buf, ei_buf, m_buf, accum, sem_in0, sem_in1, sem_sc):
    c = lax.axis_index("c")
    s = lax.axis_index("s")
    tid = c * NS + s
    sems = (sem_in0, sem_in1)

    def zero_row(e, carry):
        m_buf[0, e, pl.ds(0, 16)] = jnp.zeros((16,), jnp.float32)
        return carry

    lax.fori_loop(0, SUB, zero_row, 0, unroll=8)
    base_r = pl.multiple_of(
        jnp.where(s == NS - 1, N_NODES - TILE_ROWS, s * TILE_ROWS), 8)

    def zinit_body(k, carry):
        r0 = pl.multiple_of(base_r + k * SUB, 8)
        pltpu.sync_copy(m_buf.at[0], accum.at[pl.ds(r0, SUB), :])
        return carry

    lax.fori_loop(0, TILE_ROWS // SUB, zinit_body, 0)
    r1 = pl.multiple_of(base_r + (TILE_ROWS // SUB) * SUB, 8)
    pltpu.sync_copy(m_buf.at[0, pl.ds(0, TILE_ROWS % SUB), :],
                    accum.at[pl.ds(r1, TILE_ROWS % SUB), :])
    plsc.subcore_barrier()

    def in_copies(chunk_id, slot, sem):
        r0 = chunk_id * NSUB
        base_e = chunk_id * CHUNK
        return (
            pltpu.make_async_copy(
                tc_hbm.at[0, pl.ds(r0, NSUB), :, :],
                tc_buf.at[slot, :, pl.ds(0, 8), :], sem),
            pltpu.make_async_copy(
                tc_hbm.at[1, pl.ds(r0, NSUB), :, :],
                tc_buf.at[slot, :, pl.ds(8, 8), :], sem),
            pltpu.make_async_copy(sc_hbm.at[pl.ds(base_e, CHUNK)],
                                  sc_buf.at[slot], sem),
            pltpu.make_async_copy(ei_hbm.at[pl.ds(r0, NSUB), :, :],
                                  ei_buf.at[slot], sem),
        )

    for cp in in_copies(tid, 0, sem_in0):
        cp.start()

    def compute_chunk(slot):
        def blk_body(blk, bc):
            mref = m_buf.at[blk]

            def grp_body(grp, gc):
                iota = lax.iota(jnp.int32, 16)
                el0 = grp * 16
                el_vec = el0 + iota
                v = sc_buf[slot, pl.ds(blk * SUB + el0, 16)]
                for f in range(16):
                    tcv = tc_buf[slot, blk, f, pl.ds(el0, 16)]
                    plsc.store_scatter(
                        mref, [el_vec, jnp.full((16,), f, jnp.int32)],
                        tcv * v)
                return gc

            lax.fori_loop(0, SUB // 16, grp_body, 0, unroll=2)
            pltpu.async_copy(m_buf.at[blk],
                             accum.at[ei_buf.at[slot, blk, 1]],
                             sem_sc, add=True)
            return bc

        lax.fori_loop(0, NSUB, blk_body, 0)

        def drain_body(blk, bc):
            pltpu.make_async_copy(m_buf.at[blk],
                                  accum.at[ei_buf.at[slot, blk, 1]],
                                  sem_sc).wait()
            return bc

        lax.fori_loop(0, NSUB, drain_body, 0)

    n_outer = (NCHUNKS // NW + 1) // 2

    def outer_body(i2, carry):
        for h in (0, 1):
            cid = tid + (2 * i2 + h) * NW
            nid = cid + NW

            @pl.when(cid < NCHUNKS)
            def _process():
                for cp in in_copies(cid, h, sems[h]):
                    cp.wait()

                @pl.when(nid < NCHUNKS)
                def _prefetch():
                    for cp in in_copies(nid, 1 - h, sems[1 - h]):
                        cp.start()

                compute_chunk(h)
        return carry

    lax.fori_loop(0, n_outer, outer_body, 0)
    plsc.subcore_barrier()

    def dump_body(k, carry):
        r2 = pl.multiple_of(base_r + k * 256, 8)
        pltpu.sync_copy(accum.at[pl.ds(r2, 256), :],
                        out_hbm.at[c, pl.ds(r2, 256), :])
        return carry

    lax.fori_loop(0, TILE_ROWS // 256, dump_body, 0)
    r3 = pl.multiple_of(base_r + (TILE_ROWS // 256) * 256, 8)
    pltpu.sync_copy(accum.at[pl.ds(r3, TILE_ROWS % 256), :],
                    out_hbm.at[c, pl.ds(r3, TILE_ROWS % 256), :])


def _segment_sum_sc(tc4, sc_flat, ei3):
    mesh = plsc.VectorSubcoreMesh(core_axis_name="c", subcore_axis_name="s")
    run = pl.kernel(
        _sc_body,
        out_type=jax.ShapeDtypeStruct((NC, N_NODES, 16), jnp.float32),
        mesh=mesh,
        scratch_types=[
            pltpu.VMEM((2, NSUB, 16, SUB), jnp.float32),
            pltpu.VMEM((2, CHUNK), jnp.float32),
            pltpu.VMEM((2, NSUB, NC, SUB), jnp.int32),
            pltpu.VMEM((NSUB, SUB, MPITCH), jnp.float32),
            pltpu.VMEM_SHARED((N_NODES, 16), jnp.float32),
            pltpu.SemaphoreType.DMA,
            pltpu.SemaphoreType.DMA,
            pltpu.SemaphoreType.DMA,
        ],
        compiler_params=pltpu.CompilerParams(use_tc_tiling_on_sc=False,
                                             needs_layout_passes=False),
    )
    return run(tc4, sc_flat, ei3)


ROW_BLK = 2000
N_BLKS = N_NODES // ROW_BLK


def _mlp_body(p_ref, wg_ref, bg_ref, w2_ref, b2_ref, w3_ref, b3_ref, o_ref):
    a = p_ref[0] + p_ref[1]
    h = jnp.dot(a, wg_ref[:], preferred_element_type=jnp.float32) + bg_ref[:]
    h = jnp.maximum(h, 0.0)
    h = jnp.dot(h, w2_ref[:], preferred_element_type=jnp.float32) + b2_ref[:]
    h = jnp.dot(h, w3_ref[:], preferred_element_type=jnp.float32) + b3_ref[:]
    m = jnp.max(h, axis=1, keepdims=True)
    e = jnp.exp(h - m)
    o_ref[:, :] = e / jnp.sum(e, axis=1, keepdims=True)


def _mlp_softmax(partials, W_gcn, b_gcn, W_fc2, b_fc2, W_fc3, b_fc3):
    full = lambda shape: pl.BlockSpec(shape, lambda i: (0,) * len(shape))
    return pl.pallas_call(
        _mlp_body,
        grid=(N_BLKS,),
        in_specs=[
            pl.BlockSpec((NC, ROW_BLK, 16), lambda i: (0, i, 0)),
            full((16, 128)), full((1, 128)),
            full((128, 32)), full((1, 32)),
            full((32, 4)), full((1, 4)),
        ],
        out_specs=pl.BlockSpec((ROW_BLK, 4), lambda i: (i, 0)),
        out_shape=jax.ShapeDtypeStruct((N_NODES, 4), jnp.float32),
    )(partials, W_gcn, b_gcn.reshape(1, 128), W_fc2, b_fc2.reshape(1, 32),
      W_fc3, b_fc3.reshape(1, 4))


def kernel(x, feat, edge_index, edge_sc, edge_tc, W_fc1, b_fc1, W_feat,
           b_feat, W_gcn, b_gcn, W_fc2, b_fc2, W_fc3, b_fc3):
    tc4 = edge_tc.T.reshape(NC, 8, NTE, SUB).transpose(0, 2, 1, 3)
    sc_flat = edge_sc.reshape(N_EDGES)
    ei3 = edge_index.reshape(NC, NTE, SUB).transpose(1, 0, 2)
    partials = _segment_sum_sc(tc4, sc_flat, ei3)
    return _mlp_softmax(partials, W_gcn, b_gcn, W_fc2, b_fc2, W_fc3, b_fc3)

# --- scband reference (transcript-rebuilt; emitter-appended) ---
"""Pipeline reference for scband-gnn-21861383536723 (READ-ONLY COPY).

The authoritative reference and input builder live on the scoring server;
editing this copy changes nothing except your own understanding.
"""

import jax, jax.numpy as jnp
import numpy as np

N_NODES = 100000
N_EDGES = 3200000

def setup_inputs(seed: int = 0) -> dict:
    key = jax.random.key(seed)
    ks = jax.random.split(key, 16)
    x = jax.random.normal(ks[0], (N_NODES, 4), dtype=jnp.float32)
    feat = jax.random.normal(ks[1], (N_NODES, 5), dtype=jnp.float32)
    edge_index = jax.random.randint(ks[2], (2, N_EDGES), 0, N_NODES, dtype=jnp.int64)
    edge_sc = jax.random.normal(ks[3], (N_EDGES, 1), dtype=jnp.float32)
    edge_tc = jax.random.normal(ks[4], (N_EDGES, 16), dtype=jnp.float32)
    def lin(k, fan_in, fan_out):
        s = 1.0 / np.sqrt(fan_in)
        kw, kb = jax.random.split(k)
        W = jax.random.uniform(kw, (fan_in, fan_out), minval=-s, maxval=s, dtype=jnp.float32)
        b = jax.random.uniform(kb, (fan_out,), minval=-s, maxval=s, dtype=jnp.float32)
        return W, b
    W_fc1, b_fc1 = lin(ks[5], 4, 128)
    W_feat, b_feat = lin(ks[6], 5, 128)
    W_gcn, b_gcn = lin(ks[7], 16, 128)
    W_fc2, b_fc2 = lin(ks[8], 128, 32)
    W_fc3, b_fc3 = lin(ks[9], 32, 4)
    return {"x": x, "feat": feat, "edge_index": edge_index, "edge_sc": edge_sc, "edge_tc": edge_tc,
            "W_fc1": W_fc1, "b_fc1": b_fc1, "W_feat": W_feat, "b_feat": b_feat,
            "W_gcn": W_gcn, "b_gcn": b_gcn, "W_fc2": W_fc2, "b_fc2": b_fc2,
            "W_fc3": W_fc3, "b_fc3": b_fc3}

def reference(x, feat, edge_index, edge_sc, edge_tc,
              W_fc1, b_fc1, W_feat, b_feat, W_gcn, b_gcn,
              W_fc2, b_fc2, W_fc3, b_fc3):
    n_nodes = x.shape[0]
    # fc1 branch (stored in self.store in the torch module, not used downstream)
    h_store = jax.nn.relu(x @ W_fc1 + b_fc1)
    # fcfeat1: computed and stored as g.ndata['h'], but the GCN layer reads 'a' (edge aggregation),
    # so feat does not affect the output (faithful to the torch module)
    f = feat @ W_feat + b_feat
    # GCNLayer: message m = SC * concat(16 TC edge scalars), reduce sum onto dst nodes
    m = edge_sc * edge_tc  # [E, 16]
    dst = edge_index[1]
    a = jax.ops.segment_sum(m, dst, num_segments=n_nodes)  # [N, 16]
    h = a @ W_gcn + b_gcn  # gcn.linear: 16 -> 128
    h = jax.nn.relu(h)
    h = h @ W_fc2 + b_fc2
    h = h @ W_fc3 + b_fc3
    out = jax.nn.softmax(h, axis=1)
    return out

if __name__ == "__main__":
    import jax
    _d = setup_inputs()
    print(jax.jit(kernel)(*tuple(_d.values())))

</pallas_src>

<mosaic_0001>
#map = affine_map<(d0, d1) -> (0, 0, 0, 0)>
#map1 = affine_map<(d0, d1) -> (0)>
#map2 = affine_map<(d0, d1) -> (0, 0, 0)>
module attributes {stable_mosaic.version = 14 : i64} {
  func.func @_sc_body(%arg0: i32, %arg1: i32, %arg2: memref<2x25000x8x128xf32, #tpu.memory_space<hbm>>, %arg3: memref<3200000xf32, #tpu.memory_space<hbm>>, %arg4: memref<25000x2x128xi32, #tpu.memory_space<hbm>>, %arg5: memref<2x100000x16xf32, #tpu.memory_space<hbm>>, %arg6: memref<2x4x16x128xf32, #tpu.memory_space<vmem>>, %arg7: memref<2x512xf32, #tpu.memory_space<vmem>>, %arg8: memref<2x4x2x128xi32, #tpu.memory_space<vmem>>, %arg9: memref<4x128x16xf32, #tpu.memory_space<vmem>>, %arg10: memref<100000x16xf32, #tpu.memory_space<vmem_shared>>, %arg11: memref<!tpu.dma_semaphore, #tpu.memory_space<semaphore_mem>>, %arg12: memref<!tpu.dma_semaphore, #tpu.memory_space<semaphore_mem>>, %arg13: memref<!tpu.dma_semaphore, #tpu.memory_space<semaphore_mem>>) attributes {dimension_semantics = [#tpu.dimension_semantics<core_parallel>, #tpu.dimension_semantics<subcore_parallel>], iteration_bounds = array<i64: 2, 16>, scalar_prefetch = 0 : i64, scratch_operands = 8 : i64, tpu.core_type = #tpu.core_type<sc_vector_subcore>, window_params = [{transform_indices = #map}, {transform_indices = #map1}, {transform_indices = #map2}, {transform_indices = #map2}]} {
    %mul3A = arith.constant 16 : i32
    %mul3A_0 = arith.muli %arg0, %mul3A : i32
    %add3A = arith.addi %mul3A_0, %arg1 : i32
    %scan3A = arith.constant 0 : i32
    %scan3A_1 = arith.constant 0 : i32
    %scan3A_2 = arith.constant 128 : i32
    %scan3A_3 = arith.addi %scan3A_1, %scan3A_2 : i32
    %scan3A_4 = arith.constant 8 : i32
    scf.for %scan3A_103 = %scan3A_1 to %scan3A_3 step %scan3A_4  : i32 {
      %broadcast_in_dim3A = arith.constant 0.000000e+00 : f32
      %broadcast_in_dim3A_104 = vector.broadcast %broadcast_in_dim3A : f32 to vector<16xf32>
      %swap3A = arith.constant 0 : i32
      %swap3A_105 = arith.index_cast %swap3A : i32 to index
      %swap3A_106 = arith.index_cast %scan3A_103 : i32 to index
      %swap3A_107 = arith.constant 0 : index
      %swap3A_108 = tpu.vector_load %arg9[%swap3A_105, %swap3A_106, %swap3A_107] {strides = array<i32>} : memref<4x128x16xf32, #tpu.memory_space<vmem>>, vector<16xf32>,
      tpu.vector_store %arg9[%swap3A_105, %swap3A_106, %swap3A_107], %broadcast_in_dim3A_104 {strides = array<i32>} : memref<4x128x16xf32, #tpu.memory_space<vmem>>, vector<16xf32>,
      %scan3A_109 = arith.constant 1 : i32
      %scan3A_110 = arith.addi %scan3A_103, %scan3A_109 : i32
      %broadcast_in_dim3A_111 = arith.constant 0.000000e+00 : f32
      %broadcast_in_dim3A_112 = vector.broadcast %broadcast_in_dim3A_111 : f32 to vector<16xf32>
      %swap3A_113 = arith.constant 0 : i32
      %swap3A_114 = arith.index_cast %swap3A_113 : i32 to index
      %swap3A_115 = arith.index_cast %scan3A_110 : i32 to index
      %swap3A_116 = arith.constant 0 : index
      %swap3A_117 = tpu.vector_load %arg9[%swap3A_114, %swap3A_115, %swap3A_116] {strides = array<i32>} : memref<4x128x16xf32, #tpu.memory_space<vmem>>, vector<16xf32>,
      tpu.vector_store %arg9[%swap3A_114, %swap3A_115, %swap3A_116], %broadcast_in_dim3A_112 {strides = array<i32>} : memref<4x128x16xf32, #tpu.memory_space<vmem>>, vector<16xf32>,
      %scan3A_118 = arith.constant 2 : i32
      %scan3A_119 = arith.addi %scan3A_103, %scan3A_118 : i32
      %broadcast_in_dim3A_120 = arith.constant 0.000000e+00 : f32
      %broadcast_in_dim3A_121 = vector.broadcast %broadcast_in_dim3A_120 : f32 to vector<16xf32>
      %swap3A_122 = arith.constant 0 : i32
      %swap3A_123 = arith.index_cast %swap3A_122 : i32 to index
      %swap3A_124 = arith.index_cast %scan3A_119 : i32 to index
      %swap3A_125 = arith.constant 0 : index
      %swap3A_126 = tpu.vector_load %arg9[%swap3A_123, %swap3A_124, %swap3A_125] {strides = array<i32>} : memref<4x128x16xf32, #tpu.memory_space<vmem>>, vector<16xf32>,
      tpu.vector_store %arg9[%swap3A_123, %swap3A_124, %swap3A_125], %broadcast_in_dim3A_121 {strides = array<i32>} : memref<4x128x16xf32, #tpu.memory_space<vmem>>, vector<16xf32>,
      %scan3A_127 = arith.constant 3 : i32
      %scan3A_128 = arith.addi %scan3A_103, %scan3A_127 : i32
      %broadcast_in_dim3A_129 = arith.constant 0.000000e+00 : f32
      %broadcast_in_dim3A_130 = vector.broadcast %broadcast_in_dim3A_129 : f32 to vector<16xf32>
      %swap3A_131 = arith.constant 0 : i32
      %swap3A_132 = arith.index_cast %swap3A_131 : i32 to index
      %swap3A_133 = arith.index_cast %scan3A_128 : i32 to index
      %swap3A_134 = arith.constant 0 : index
      %swap3A_135 = tpu.vector_load %arg9[%swap3A_132, %swap3A_133, %swap3A_134] {strides = array<i32>} : memref<4x128x16xf32, #tpu.memory_space<vmem>>, vector<16xf32>,
      tpu.vector_store %arg9[%swap3A_132, %swap3A_133, %swap3A_134], %broadcast_in_dim3A_130 {strides = array<i32>} : memref<4x128x16xf32, #tpu.memory_space<vmem>>, vector<16xf32>,
      %scan3A_136 = arith.constant 4 : i32
      %scan3A_137 = arith.addi %scan3A_103, %scan3A_136 : i32
      %broadcast_in_dim3A_138 = arith.constant 0.000000e+00 : f32
      %broadcast_in_dim3A_139 = vector.broadcast %broadcast_in_dim3A_138 : f32 to vector<16xf32>
      %swap3A_140 = arith.constant 0 : i32
      %swap3A_141 = arith.index_cast %swap3A_140 : i32 to index
      %swap3A_142 = arith.index_cast %scan3A_137 : i32 to index
      %swap3A_143 = arith.constant 0 : index
      %swap3A_144 = tpu.vector_load %arg9[%swap3A_141, %swap3A_142, %swap3A_143] {strides = array<i32>} : memref<4x128x16xf32, #tpu.memory_space<vmem>>, vector<16xf32>,
      tpu.vector_store %arg9[%swap3A_141, %swap3A_142, %swap3A_143], %broadcast_in_dim3A_139 {strides = array<i32>} : memref<4x128x16xf32, #tpu.memory_space<vmem>>, vector<16xf32>,
      %scan3A_145 = arith.constant 5 : i32
      %scan3A_146 = arith.addi %scan3A_103, %scan3A_145 : i32
      %broadcast_in_dim3A_147 = arith.constant 0.000000e+00 : f32
      %broadcast_in_dim3A_148 = vector.broadcast %broadcast_in_dim3A_147 : f32 to vector<16xf32>
      %swap3A_149 = arith.constant 0 : i32
      %swap3A_150 = arith.index_cast %swap3A_149 : i32 to index
      %swap3A_151 = arith.index_cast %scan3A_146 : i32 to index
      %swap3A_152 = arith.constant 0 : index
      %swap3A_153 = tpu.vector_load %arg9[%swap3A_150, %swap3A_151, %swap3A_152] {strides = array<i32>} : memref<4x128x16xf32, #tpu.memory_space<vmem>>, vector<16xf32>,
      tpu.vector_store %arg9[%swap3A_150, %swap3A_151, %swap3A_152], %broadcast_in_dim3A_148 {strides = array<i32>} : memref<4x128x16xf32, #tpu.memory_space<vmem>>, vector<16xf32>,
      %scan3A_154 = arith.constant 6 : i32
      %scan3A_155 = arith.addi %scan3A_103, %scan3A_154 : i32
      %broadcast_in_dim3A_156 = arith.constant 0.000000e+00 : f32
      %broadcast_in_dim3A_157 = vector.broadcast %broadcast_in_dim3A_156 : f32 to vector<16xf32>
      %swap3A_158 = arith.constant 0 : i32
      %swap3A_159 = arith.index_cast %swap3A_158 : i32 to index
      %swap3A_160 = arith.index_cast %scan3A_155 : i32 to index
      %swap3A_161 = arith.constant 0 : index
      %swap3A_162 = tpu.vector_load %arg9[%swap3A_159, %swap3A_160, %swap3A_161] {strides = array<i32>} : memref<4x128x16xf32, #tpu.memory_space<vmem>>, vector<16xf32>,
      tpu.vector_store %arg9[%swap3A_159, %swap3A_160, %swap3A_161], %broadcast_in_dim3A_157 {strides = array<i32>} : memref<4x128x16xf32, #tpu.memory_space<vmem>>, vector<16xf32>,
      %scan3A_163 = arith.constant 7 : i32
      %scan3A_164 = arith.addi %scan3A_103, %scan3A_163 : i32
      %broadcast_in_dim3A_165 = arith.constant 0.000000e+00 : f32
      %broadcast_in_dim3A_166 = vector.broadcast %broadcast_in_dim3A_165 : f32 to vector<16xf32>
      %swap3A_167 = arith.constant 0 : i32
      %swap3A_168 = arith.index_cast %swap3A_167 : i32 to index
      %swap3A_169 = arith.index_cast %scan3A_164 : i32 to index
      %swap3A_170 = arith.constant 0 : index
      %swap3A_171 = tpu.vector_load %arg9[%swap3A_168, %swap3A_169, %swap3A_170] {strides = array<i32>} : memref<4x128x16xf32, #tpu.memory_space<vmem>>, vector<16xf32>,
      tpu.vector_store %arg9[%swap3A_168, %swap3A_169, %swap3A_170], %broadcast_in_dim3A_166 {strides = array<i32>} : memref<4x128x16xf32, #tpu.memory_space<vmem>>, vector<16xf32>,
    }
    %scan3A_5 = arith.constant 128 : i32
    %eq3A = arith.constant 15 : i32
    %eq3A_6 = arith.cmpi eq, %arg1, %eq3A : i32
    %mul3A_7 = arith.constant 6256 : i32
    %mul3A_8 = arith.muli %arg1, %mul3A_7 : i32
    %jit3A = arith.constant 93744 : i32
    %select_n3A = arith.select %eq3A_6, %jit3A, %mul3A_8 : i32
    %multiple_of3A = tpu.assume_multiple %select_n3A, 8 : i32
    %scan3A_9 = arith.constant 0 : i32
    %scan3A_10 = arith.constant 0 : i32
    %scan3A_11 = arith.constant 48 : i32
    %scan3A_12 = arith.addi %scan3A_10, %scan3A_11 : i32
    %scan3A_13 = arith.constant 1 : i32
    scf.for %scan3A_103 = %scan3A_10 to %scan3A_12 step %scan3A_13  : i32 {
      %mul3A_104 = arith.constant 128 : i32
      %mul3A_105 = arith.muli %scan3A_103, %mul3A_104 : i32
      %add3A_106 = arith.addi %multiple_of3A, %mul3A_105 : i32
      %multiple_of3A_107 = tpu.assume_multiple %add3A_106, 8 : i32
      %run_scoped3A_108 = arith.constant 0 : i32
      "tpu.region"() ({
        %run_scoped3A_109 = tpu.sem_alloc : memref<!tpu.dma_semaphore, #tpu.memory_space<semaphore_mem>>
        %dma_start3A_110 = arith.constant 0 : i32
        %dma_start3A_111 = arith.constant 0 : i32
        %dma_start3A_112 = tpu.memref_slice %arg9[%run_scoped3A_108, %dma_start3A_110, %dma_start3A_111] : memref<4x128x16xf32, #tpu.memory_space<vmem>> -> memref<1x128x16xf32, #tpu.memory_space<vmem>>
        %dma_start3A_113 = tpu.memref_squeeze %dma_start3A_112 : memref<1x128x16xf32, #tpu.memory_space<vmem>> -> memref<128x16xf32, #tpu.memory_space<vmem>>
        %dma_start3A_114 = arith.constant 0 : i32
        %dma_start3A_115 = tpu.memref_slice %arg10[%multiple_of3A_107, %dma_start3A_114] : memref<100000x16xf32, #tpu.memory_space<vmem_shared>> -> memref<128x16xf32, #tpu.memory_space<vmem_shared>>
        %dma_start3A_116 = arith.constant 0 : i32
        %dma_start3A_117 = tpu.memref_slice %arg10[%multiple_of3A_107, %dma_start3A_116] : memref<100000x16xf32, #tpu.memory_space<vmem_shared>> -> memref<128x16xf32, #tpu.memory_space<vmem_shared>>
        %dma_start3A_118 = arith.constant 0 : i32
        %dma_start3A_119 = arith.constant 0 : i32
        %dma_start3A_120 = tpu.memref_slice %arg9[%run_scoped3A_108, %dma_start3A_118, %dma_start3A_119] : memref<4x128x16xf32, #tpu.memory_space<vmem>> -> memref<1x128x16xf32, #tpu.memory_space<vmem>>
        %dma_start3A_121 = tpu.memref_squeeze %dma_start3A_120 : memref<1x128x16xf32, #tpu.memory_space<vmem>> -> memref<128x16xf32, #tpu.memory_space<vmem>>
        tpu.enqueue_dma source(%dma_start3A_121 : memref<128x16xf32, #tpu.memory_space<vmem>>) target(%dma_start3A_117 : memref<128x16xf32, #tpu.memory_space<vmem_shared>>) target_semaphore(%run_scoped3A_109 : memref<!tpu.dma_semaphore, #tpu.memory_space<semaphore_mem>>)
        %dma_wait3A = arith.constant 0 : i32
        %dma_wait3A_122 = arith.constant 0 : i32
        %dma_wait3A_123 = tpu.memref_slice %arg9[%run_scoped3A_108, %dma_wait3A, %dma_wait3A_122] : memref<4x128x16xf32, #tpu.memory_space<vmem>> -> memref<1x128x16xf32, #tpu.memory_space<vmem>>
        %dma_wait3A_124 = tpu.memref_squeeze %dma_wait3A_123 : memref<1x128x16xf32, #tpu.memory_space<vmem>> -> memref<128x16xf32, #tpu.memory_space<vmem>>
        %dma_wait3A_125 = arith.constant 0 : i32
        %dma_wait3A_126 = tpu.memref_slice %arg10[%multiple_of3A_107, %dma_wait3A_125] : memref<100000x16xf32, #tpu.memory_space<vmem_shared>> -> memref<128x16xf32, #tpu.memory_space<vmem_shared>>
        %dma_wait3A_127 = arith.constant 0 : i32
        %dma_wait3A_128 = tpu.memref_slice %arg10[%multiple_of3A_107, %dma_wait3A_127] : memref<100000x16xf32, #tpu.memory_space<vmem_shared>> -> memref<128x16xf32, #tpu.memory_space<vmem_shared>>
        %dma_wait3A_129 = arith.constant 0 : i32
        %dma_wait3A_130 = arith.constant 0 : i32
        %dma_wait3A_131 = tpu.memref_slice %arg9[%run_scoped3A_108, %dma_wait3A_129, %dma_wait3A_130] : memref<4x128x16xf32, #tpu.memory_space<vmem>> -> memref<1x128x16xf32, #tpu.memory_space<vmem>>
        %dma_wait3A_132 = tpu.memref_squeeze %dma_wait3A_131 : memref<1x128x16xf32, #tpu.memory_space<vmem>> -> memref<128x16xf32, #tpu.memory_space<vmem>>
        tpu.wait_dma2 semaphore(%run_scoped3A_109 : memref<!tpu.dma_semaphore, #tpu.memory_space<semaphore_mem>>) src(%dma_wait3A_132 : memref<128x16xf32, #tpu.memory_space<vmem>>) dst(%dma_wait3A_128 : memref<128x16xf32, #tpu.memory_space<vmem_shared>>)
        tpu.yield
      }) : () -> ()
    }
    %scan3A_14 = arith.constant 48 : i32
    %add3A_15 = arith.constant 6144 : i32
    %add3A_16 = arith.addi %multiple_of3A, %add3A_15 : i32
    %multiple_of3A_17 = tpu.assume_multiple %add3A_16, 8 : i32
    %run_scoped3A = arith.constant 0 : i32
    "tpu.region"() ({
      %run_scoped3A_103 = tpu.sem_alloc : memref<!tpu.dma_semaphore, #tpu.memory_space<semaphore_mem>>
      %dma_start3A_104 = arith.constant 0 : i32
      %dma_start3A_105 = arith.constant 0 : i32
      %dma_start3A_106 = tpu.memref_slice %arg9[%run_scoped3A, %dma_start3A_104, %dma_start3A_105] : memref<4x128x16xf32, #tpu.memory_space<vmem>> -> memref<1x112x16xf32, #tpu.memory_space<vmem>>
      %dma_start3A_107 = tpu.memref_squeeze %dma_start3A_106 : memref<1x112x16xf32, #tpu.memory_space<vmem>> -> memref<112x16xf32, #tpu.memory_space<vmem>>
      %dma_start3A_108 = arith.constant 0 : i32
      %dma_start3A_109 = tpu.memref_slice %arg10[%multiple_of3A_17, %dma_start3A_108] : memref<100000x16xf32, #tpu.memory_space<vmem_shared>> -> memref<112x16xf32, #tpu.memory_space<vmem_shared>>
      %dma_start3A_110 = arith.constant 0 : i32
      %dma_start3A_111 = tpu.memref_slice %arg10[%multiple_of3A_17, %dma_start3A_110] : memref<100000x16xf32, #tpu.memory_space<vmem_shared>> -> memref<112x16xf32, #tpu.memory_space<vmem_shared>>
      %dma_start3A_112 = arith.constant 0 : i32
      %dma_start3A_113 = arith.constant 0 : i32
      %dma_start3A_114 = tpu.memref_slice %arg9[%run_scoped3A, %dma_start3A_112, %dma_start3A_113] : memref<4x128x16xf32, #tpu.memory_space<vmem>> -> memref<1x112x16xf32, #tpu.memory_space<vmem>>
      %dma_start3A_115 = tpu.memref_squeeze %dma_start3A_114 : memref<1x112x16xf32, #tpu.memory_space<vmem>> -> memref<112x16xf32, #tpu.memory_space<vmem>>
      tpu.enqueue_dma source(%dma_start3A_115 : memref<112x16xf32, #tpu.memory_space<vmem>>) target(%dma_start3A_111 : memref<112x16xf32, #tpu.memory_space<vmem_shared>>) target_semaphore(%run_scoped3A_103 : memref<!tpu.dma_semaphore, #tpu.memory_space<semaphore_mem>>)
      %dma_wait3A = arith.constant 0 : i32
      %dma_wait3A_116 = arith.constant 0 : i32
      %dma_wait3A_117 = tpu.memref_slice %arg9[%run_scoped3A, %dma_wait3A, %dma_wait3A_116] : memref<4x128x16xf32, #tpu.memory_space<vmem>> -> memref<1x112x16xf32, #tpu.memory_space<vmem>>
      %dma_wait3A_118 = tpu.memref_squeeze %dma_wait3A_117 : memref<1x112x16xf32, #tpu.memory_space<vmem>> -> memref<112x16xf32, #tpu.memory_space<vmem>>
      %dma_wait3A_119 = arith.constant 0 : i32
      %dma_wait3A_120 = tpu.memref_slice %arg10[%multiple_of3A_17, %dma_wait3A_119] : memref<100000x16xf32, #tpu.memory_space<vmem_shared>> -> memref<112x16xf32, #tpu.memory_space<vmem_shared>>
      %dma_wait3A_121 = arith.constant 0 : i32
      %dma_wait3A_122 = tpu.memref_slice %arg10[%multiple_of3A_17, %dma_wait3A_121] : memref<100000x16xf32, #tpu.memory_space<vmem_shared>> -> memref<112x16xf32, #tpu.memory_space<vmem_shared>>
      %dma_wait3A_123 = arith.constant 0 : i32
      %dma_wait3A_124 = arith.constant 0 : i32
      %dma_wait3A_125 = tpu.memref_slice %arg9[%run_scoped3A, %dma_wait3A_123, %dma_wait3A_124] : memref<4x128x16xf32, #tpu.memory_space<vmem>> -> memref<1x112x16xf32, #tpu.memory_space<vmem>>
      %dma_wait3A_126 = tpu.memref_squeeze %dma_wait3A_125 : memref<1x112x16xf32, #tpu.memory_space<vmem>> -> memref<112x16xf32, #tpu.memory_space<vmem>>
      tpu.wait_dma2 semaphore(%run_scoped3A_103 : memref<!tpu.dma_semaphore, #tpu.memory_space<semaphore_mem>>) src(%dma_wait3A_126 : memref<112x16xf32, #tpu.memory_space<vmem>>) dst(%dma_wait3A_122 : memref<112x16xf32, #tpu.memory_space<vmem_shared>>)
      tpu.yield
    }) : () -> ()
    %barrier3A = arith.constant 0 : index
    tpu.barrier barrier_id(%barrier3A)
    %mul3A_18 = arith.constant 4 : i32
    %mul3A_19 = arith.muli %add3A, %mul3A_18 : i32
    %mul3A_20 = arith.constant 512 : i32
    %mul3A_21 = arith.muli %add3A, %mul3A_20 : i32
    %dma_start3A = arith.constant 0 : i32
    %dma_start3A_22 = arith.constant 0 : i32
    %dma_start3A_23 = arith.constant 0 : i32
    %dma_start3A_24 = arith.constant 0 : i32
    %dma_start3A_25 = arith.constant 0 : i32
    %dma_start3A_26 = tpu.memref_slice %arg6[%dma_start3A_22, %dma_start3A_23, %dma_start3A_24, %dma_start3A_25] : memref<2x4x16x128xf32, #tpu.memory_space<vmem>> -> memref<1x4x8x128xf32, #tpu.memory_space<vmem>>
    %dma_start3A_27 = tpu.memref_squeeze %dma_start3A_26 : memref<1x4x8x128xf32, #tpu.memory_space<vmem>> -> memref<4x8x128xf32, #tpu.memory_space<vmem>>
    %dma_start3A_28 = arith.constant 0 : i32
    %dma_start3A_29 = arith.constant 0 : i32
    %dma_start3A_30 = tpu.memref_slice %arg2[%dma_start3A, %mul3A_19, %dma_start3A_28, %dma_start3A_29] : memref<2x25000x8x128xf32, #tpu.memory_space<hbm>> -> memref<1x4x8x128xf32, #tpu.memory_space<hbm>>
    %dma_start3A_31 = tpu.memref_squeeze %dma_start3A_30 : memref<1x4x8x128xf32, #tpu.memory_space<hbm>> -> memref<4x8x128xf32, #tpu.memory_space<hbm>>
    %dma_start3A_32 = arith.constant 0 : i32
    %dma_start3A_33 = arith.constant 0 : i32
    %dma_start3A_34 = arith.constant 0 : i32
    %dma_start3A_35 = tpu.memref_slice %arg6[%dma_start3A_22, %dma_start3A_32, %dma_start3A_33, %dma_start3A_34] : memref<2x4x16x128xf32, #tpu.memory_space<vmem>> -> memref<1x4x8x128xf32, #tpu.memory_space<vmem>>
    %dma_start3A_36 = tpu.memref_squeeze %dma_start3A_35 : memref<1x4x8x128xf32, #tpu.memory_space<vmem>> -> memref<4x8x128xf32, #tpu.memory_space<vmem>>
    %dma_start3A_37 = arith.constant 0 : i32
    %dma_start3A_38 = arith.constant 0 : i32
    %dma_start3A_39 = tpu.memref_slice %arg2[%dma_start3A, %mul3A_19, %dma_start3A_37, %dma_start3A_38] : memref<2x25000x8x128xf32, #tpu.memory_space<hbm>> -> memref<1x4x8x128xf32, #tpu.memory_space<hbm>>
    %dma_start3A_40 = tpu.memref_squeeze %dma_start3A_39 : memref<1x4x8x128xf32, #tpu.memory_space<hbm>> -> memref<4x8x128xf32, #tpu.memory_space<hbm>>
    tpu.enqueue_dma source(%dma_start3A_40 : memref<4x8x128xf32, #tpu.memory_space<hbm>>) target(%dma_start3A_36 : memref<4x8x128xf32, #tpu.memory_space<vmem>>) target_semaphore(%arg11 : memref<!tpu.dma_semaphore, #tpu.memory_space<semaphore_mem>>)
    %dma_start3A_41 = arith.constant 1 : i32
    %dma_start3A_42 = arith.constant 0 : i32
    %dma_start3A_43 = arith.constant 0 : i32
    %dma_start3A_44 = arith.constant 8 : i32
    %dma_start3A_45 = arith.constant 0 : i32
    %dma_start3A_46 = tpu.memref_slice %arg6[%dma_start3A_42, %dma_start3A_43, %dma_start3A_44, %dma_start3A_45] : memref<2x4x16x128xf32, #tpu.memory_space<vmem>> -> memref<1x4x8x128xf32, #tpu.memory_space<vmem>>
    %dma_start3A_47 = tpu.memref_squeeze %dma_start3A_46 : memref<1x4x8x128xf32, #tpu.memory_space<vmem>> -> memref<4x8x128xf32, #tpu.memory_space<vmem>>
    %dma_start3A_48 = arith.constant 0 : i32
    %dma_start3A_49 = arith.constant 0 : i32
    %dma_start3A_50 = tpu.memref_slice %arg2[%dma_start3A_41, %mul3A_19, %dma_start3A_48, %dma_start3A_49] : memref<2x25000x8x128xf32, #tpu.memory_space<hbm>> -> memref<1x4x8x128xf32, #tpu.memory_space<hbm>>
    %dma_start3A_51 = tpu.memref_squeeze %dma_start3A_50 : memref<1x4x8x128xf32, #tpu.memory_space<hbm>> -> memref<4x8x128xf32, #tpu.memory_space<hbm>>
    %dma_start3A_52 = arith.constant 0 : i32
    %dma_start3A_53 = arith.constant 8 : i32
    %dma_start3A_54 = arith.constant 0 : i32
    %dma_start3A_55 = tpu.memref_slice %arg6[%dma_start3A_42, %dma_start3A_52, %dma_start3A_53, %dma_start3A_54] : memref<2x4x16x128xf32, #tpu.memory_space<vmem>> -> memref<1x4x8x128xf32, #tpu.memory_space<vmem>>
    %dma_start3A_56 = tpu.memref_squeeze %dma_start3A_55 : memref<1x4x8x128xf32, #tpu.memory_space<vmem>> -> memref<4x8x128xf32, #tpu.memory_space<vmem>>
    %dma_start3A_57 = arith.constant 0 : i32
    %dma_start3A_58 = arith.constant 0 : i32
    %dma_start3A_59 = tpu.memref_slice %arg2[%dma_start3A_41, %mul3A_19, %dma_start3A_57, %dma_start3A_58] : memref<2x25000x8x128xf32, #tpu.memory_space<hbm>> -> memref<1x4x8x128xf32, #tpu.memory_space<hbm>>
    %dma_start3A_60 = tpu.memref_squeeze %dma_start3A_59 : memref<1x4x8x128xf32, #tpu.memory_space<hbm>> -> memref<4x8x128xf32, #tpu.memory_space<hbm>>
    tpu.enqueue_dma source(%dma_start3A_60 : memref<4x8x128xf32, #tpu.memory_space<hbm>>) target(%dma_start3A_56 : memref<4x8x128xf32, #tpu.memory_space<vmem>>) target_semaphore(%arg11 : memref<!tpu.dma_semaphore, #tpu.memory_space<semaphore_mem>>)
    %dma_start3A_61 = arith.constant 0 : i32
    %dma_start3A_62 = arith.constant 0 : i32
    %dma_start3A_63 = tpu.memref_slice %arg7[%dma_start3A_61, %dma_start3A_62] : memref<2x512xf32, #tpu.memory_space<vmem>> -> memref<1x512xf32, #tpu.memory_space<vmem>>
    %dma_start3A_64 = tpu.memref_squeeze %dma_start3A_63 : memref<1x512xf32, #tpu.memory_space<vmem>> -> memref<512xf32, #tpu.memory_space<vmem>>
    %dma_start3A_65 = tpu.memref_slice %arg3[%mul3A_21] : memref<3200000xf32, #tpu.memory_space<hbm>> -> memref<512xf32, #tpu.memory_space<hbm>>
    %dma_start3A_66 = arith.constant 0 : i32
    %dma_start3A_67 = tpu.memref_slice %arg7[%dma_start3A_61, %dma_start3A_66] : memref<2x512xf32, #tpu.memory_space<vmem>> -> memref<1x512xf32, #tpu.memory_space<vmem>>
    %dma_start3A_68 = tpu.memref_squeeze %dma_start3A_67 : memref<1x512xf32, #tpu.memory_space<vmem>> -> memref<512xf32, #tpu.memory_space<vmem>>
    %dma_start3A_69 = tpu.memref_slice %arg3[%mul3A_21] : memref<3200000xf32, #tpu.memory_space<hbm>> -> memref<512xf32, #tpu.memory_space<hbm>>
    tpu.enqueue_dma source(%dma_start3A_69 : memref<512xf32, #tpu.memory_space<hbm>>) target(%dma_start3A_68 : memref<512xf32, #tpu.memory_space<vmem>>) target_semaphore(%arg11 : memref<!tpu.dma_semaphore, #tpu.memory_space<semaphore_mem>>)
    %dma_start3A_70 = arith.constant 0 : i32
    %dma_start3A_71 = arith.constant 0 : i32
    %dma_start3A_72 = arith.constant 0 : i32
    %dma_start3A_73 = arith.constant 0 : i32
    %dma_start3A_74 = tpu.memref_slice %arg8[%dma_start3A_70, %dma_start3A_71, %dma_start3A_72, %dma_start3A_73] : memref<2x4x2x128xi32, #tpu.memory_space<vmem>> -> memref<1x4x2x128xi32, #tpu.memory_space<vmem>>
    %dma_start3A_75 = tpu.memref_squeeze %dma_start3A_74 : memref<1x4x2x128xi32, #tpu.memory_space<vmem>> -> memref<4x2x128xi32, #tpu.memory_space<vmem>>
    %dma_start3A_76 = arith.constant 0 : i32
    %dma_start3A_77 = arith.constant 0 : i32
    %dma_start3A_78 = tpu.memref_slice %arg4[%mul3A_19, %dma_start3A_76, %dma_start3A_77] : memref<25000x2x128xi32, #tpu.memory_space<hbm>> -> memref<4x2x128xi32, #tpu.memory_space<hbm>>
    %dma_start3A_79 = arith.constant 0 : i32
    %dma_start3A_80 = arith.constant 0 : i32
    %dma_start3A_81 = arith.constant 0 : i32
    %dma_start3A_82 = tpu.memref_slice %arg8[%dma_start3A_70, %dma_start3A_79, %dma_start3A_80, %dma_start3A_81] : memref<2x4x2x128xi32, #tpu.memory_space<vmem>> -> memref<1x4x2x128xi32, #tpu.memory_space<vmem>>
    %dma_start3A_83 = tpu.memref_squeeze %dma_start3A_82 : memref<1x4x2x128xi32, #tpu.memory_space<vmem>> -> memref<4x2x128xi32, #tpu.memory_space<vmem>>
    %dma_start3A_84 = arith.constant 0 : i32
    %dma_start3A_85 = arith.constant 0 : i32
    %dma_start3A_86 = tpu.memref_slice %arg4[%mul3A_19, %dma_start3A_84, %dma_start3A_85] : memref<25000x2x128xi32, #tpu.memory_space<hbm>> -> memref<4x2x128xi32, #tpu.memory_space<hbm>>
    tpu.enqueue_dma source(%dma_start3A_86 : memref<4x2x128xi32, #tpu.memory_space<hbm>>) target(%dma_start3A_83 : memref<4x2x128xi32, #tpu.memory_space<vmem>>) target_semaphore(%arg11 : memref<!tpu.dma_semaphore, #tpu.memory_space<semaphore_mem>>)
    %scan3A_87 = arith.constant 0 : i32
    %scan3A_88 = arith.constant 0 : i32
    %scan3A_89 = arith.constant 98 : i32
    %scan3A_90 = arith.addi %scan3A_88, %scan3A_89 : i32
    %scan3A_91 = arith.constant 1 : i32
    scf.for %scan3A_103 = %scan3A_88 to %scan3A_90 step %scan3A_91  : i32 {
      %mul3A_104 = arith.constant 2 : i32
      %mul3A_105 = arith.muli %mul3A_104, %scan3A_103 : i32
      %add3A_106 = arith.constant 0 : i32
      %add3A_107 = arith.addi %mul3A_105, %add3A_106 : i32
      %mul3A_108 = arith.constant 32 : i32
      %mul3A_109 = arith.muli %add3A_107, %mul3A_108 : i32
      %add3A_110 = arith.addi %add3A, %mul3A_109 : i32
      %add3A_111 = arith.constant 32 : i32
      %add3A_112 = arith.addi %add3A_110, %add3A_111 : i32
      %lt3A = arith.constant 6250 : i32
      %lt3A_113 = arith.cmpi slt, %add3A_110, %lt3A : i32
      %convert_element_type3A = arith.extui %lt3A_113 : i1 to i32
      %cond3A = arith.constant 0 : i32
      %cond3A_114 = arith.cmpi ne, %convert_element_type3A, %cond3A : i32
      scf.if %cond3A_114 {
        %mul3A_129 = arith.constant 4 : i32
        %mul3A_130 = arith.muli %add3A_110, %mul3A_129 : i32
        %mul3A_131 = arith.constant 512 : i32
        %mul3A_132 = arith.muli %add3A_110, %mul3A_131 : i32
        %dma_wait3A = arith.constant 0 : i32
        %dma_wait3A_133 = arith.constant 0 : i32
        %dma_wait3A_134 = arith.constant 0 : i32
        %dma_wait3A_135 = arith.constant 0 : i32
        %dma_wait3A_136 = arith.constant 0 : i32
        %dma_wait3A_137 = tpu.memref_slice %arg6[%dma_wait3A_133, %dma_wait3A_134, %dma_wait3A_135, %dma_wait3A_136] : memref<2x4x16x128xf32, #tpu.memory_space<vmem>> -> memref<1x4x8x128xf32, #tpu.memory_space<vmem>>
        %dma_wait3A_138 = tpu.memref_squeeze %dma_wait3A_137 : memref<1x4x8x128xf32, #tpu.memory_space<vmem>> -> memref<4x8x128xf32, #tpu.memory_space<vmem>>
        %dma_wait3A_139 = arith.constant 0 : i32
        %dma_wait3A_140 = arith.constant 0 : i32
        %dma_wait3A_141 = tpu.memref_slice %arg2[%dma_wait3A, %mul3A_130, %dma_wait3A_139, %dma_wait3A_140] : memref<2x25000x8x128xf32, #tpu.memory_space<hbm>> -> memref<1x4x8x128xf32, #tpu.memory_space<hbm>>
        %dma_wait3A_142 = tpu.memref_squeeze %dma_wait3A_141 : memref<1x4x8x128xf32, #tpu.memory_space<hbm>> -> memref<4x8x128xf32, #tpu.memory_space<hbm>>
        %dma_wait3A_143 = arith.constant 0 : i32
        %dma_wait3A_144 = arith.constant 0 : i32
        %dma_wait3A_145 = arith.constant 0 : i32
        %dma_wait3A_146 = tpu.memref_slice %arg6[%dma_wait3A_133, %dma_wait3A_143, %dma_wait3A_144, %dma_wait3A_145] : memref<2x4x16x128xf32, #tpu.memory_space<vmem>> -> memref<1x4x8x128xf32, #tpu.memory_space<vmem>>
        %dma_wait3A_147 = tpu.memref_squeeze %dma_wait3A_146 : memref<1x4x8x128xf32, #tpu.memory_space<vmem>> -> memref<4x8x128xf32, #tpu.memory_space<vmem>>
        %dma_wait3A_148 = arith.constant 0 : i32
        %dma_wait3A_149 = arith.constant 0 : i32
        %dma_wait3A_150 = tpu.memref_slice %arg2[%dma_wait3A, %mul3A_130, %dma_wait3A_148, %dma_wait3A_149] : memref<2x25000x8x128xf32, #tpu.memory_space<hbm>> -> memref<1x4x8x128xf32, #tpu.memory_space<hbm>>
        %dma_wait3A_151 = tpu.memref_squeeze %dma_wait3A_150 : memref<1x4x8x128xf32, #tpu.memory_space<hbm>> -> memref<4x8x128xf32, #tpu.memory_space<hbm>>
        tpu.wait_dma2 semaphore(%arg11 : memref<!tpu.dma_semaphore, #tpu.memory_space<semaphore_mem>>) src(%dma_wait3A_151 : memref<4x8x128xf32, #tpu.memory_space<hbm>>) dst(%dma_wait3A_147 : memref<4x8x128xf32, #tpu.memory_space<vmem>>)
        %dma_wait3A_152 = arith.constant 1 : i32
        %dma_wait3A_153 = arith.constant 0 : i32
        %dma_wait3A_154 = arith.constant 0 : i32
        %dma_wait3A_155 = arith.constant 8 : i32
        %dma_wait3A_156 = arith.constant 0 : i32
        %dma_wait3A_157 = tpu.memref_slice %arg6[%dma_wait3A_153, %dma_wait3A_154, %dma_wait3A_155, %dma_wait3A_156] : memref<2x4x16x128xf32, #tpu.memory_space<vmem>> -> memref<1x4x8x128xf32, #tpu.memory_space<vmem>>
        %dma_wait3A_158 = tpu.memref_squeeze %dma_wait3A_157 : memref<1x4x8x128xf32, #tpu.memory_space<vmem>> -> memref<4x8x128xf32, #tpu.memory_space<vmem>>
        %dma_wait3A_159 = arith.constant 0 : i32
        %dma_wait3A_160 = arith.constant 0 : i32
        %dma_wait3A_161 = tpu.memref_slice %arg2[%dma_wait3A_152, %mul3A_130, %dma_wait3A_159, %dma_wait3A_160] : memref<2x25000x8x128xf32, #tpu.memory_space<hbm>> -> memref<1x4x8x128xf32, #tpu.memory_space<hbm>>
        %dma_wait3A_162 = tpu.memref_squeeze %dma_wait3A_161 : memref<1x4x8x128xf32, #tpu.memory_space<hbm>> -> memref<4x8x128xf32, #tpu.memory_space<hbm>>
        %dma_wait3A_163 = arith.constant 0 : i32
        %dma_wait3A_164 = arith.constant 8 : i32
        %dma_wait3A_165 = arith.constant 0 : i32
        %dma_wait3A_166 = tpu.memref_slice %arg6[%dma_wait3A_153, %dma_wait3A_163, %dma_wait3A_164, %dma_wait3A_165] : memref<2x4x16x128xf32, #tpu.memory_space<vmem>> -> memref<1x4x8x128xf32, #tpu.memory_space<vmem>>
        %dma_wait3A_167 = tpu.memref_squeeze %dma_wait3A_166 : memref<1x4x8x128xf32, #tpu.memory_space<vmem>> -> memref<4x8x128xf32, #tpu.memory_space<vmem>>
        %dma_wait3A_168 = arith.constant 0 : i32
        %dma_wait3A_169 = arith.constant 0 : i32
        %dma_wait3A_170 = tpu.memref_slice %arg2[%dma_wait3A_152, %mul3A_130, %dma_wait3A_168, %dma_wait3A_169] : memref<2x25000x8x128xf32, #tpu.memory_space<hbm>> -> memref<1x4x8x128xf32, #tpu.memory_space<hbm>>
        %dma_wait3A_171 = tpu.memref_squeeze %dma_wait3A_170 : memref<1x4x8x128xf32, #tpu.memory_space<hbm>> -> memref<4x8x128xf32, #tpu.memory_space<hbm>>
        tpu.wait_dma2 semaphore(%arg11 : memref<!tpu.dma_semaphore, #tpu.memory_space<semaphore_mem>>) src(%dma_wait3A_171 : memref<4x8x128xf32, #tpu.memory_space<hbm>>) dst(%dma_wait3A_167 : memref<4x8x128xf32, #tpu.memory_space<vmem>>)
        %dma_wait3A_172 = arith.constant 0 : i32
        %dma_wait3A_173 = arith.constant 0 : i32
        %dma_wait3A_174 = tpu.memref_slice %arg7[%dma_wait3A_172, %dma_wait3A_173] : memref<2x512xf32, #tpu.memory_space<vmem>> -> memref<1x512xf32, #tpu.memory_space<vmem>>
        %dma_wait3A_175 = tpu.memref_squeeze %dma_wait3A_174 : memref<1x512xf32, #tpu.memory_space<vmem>> -> memref<512xf32, #tpu.memory_space<vmem>>
        %dma_wait3A_176 = tpu.memref_slice %arg3[%mul3A_132] : memref<3200000xf32, #tpu.memory_space<hbm>> -> memref<512xf32, #tpu.memory_space<hbm>>
        %dma_wait3A_177 = arith.constant 0 : i32
        %dma_wait3A_178 = tpu.memref_slice %arg7[%dma_wait3A_172, %dma_wait3A_177] : memref<2x512xf32, #tpu.memory_space<vmem>> -> memref<1x512xf32, #tpu.memory_space<vmem>>
        %dma_wait3A_179 = tpu.memref_squeeze %dma_wait3A_178 : memref<1x512xf32, #tpu.memory_space<vmem>> -> memref<512xf32, #tpu.memory_space<vmem>>
        %dma_wait3A_180 = tpu.memref_slice %arg3[%mul3A_132] : memref<3200000xf32, #tpu.memory_space<hbm>> -> memref<512xf32, #tpu.memory_space<hbm>>
        tpu.wait_dma2 semaphore(%arg11 : memref<!tpu.dma_semaphore, #tpu.memory_space<semaphore_mem>>) src(%dma_wait3A_180 : memref<512xf32, #tpu.memory_space<hbm>>) dst(%dma_wait3A_179 : memref<512xf32, #tpu.memory_space<vmem>>)
        %dma_wait3A_181 = arith.constant 0 : i32
        %dma_wait3A_182 = arith.constant 0 : i32
        %dma_wait3A_183 = arith.constant 0 : i32
        %dma_wait3A_184 = arith.constant 0 : i32
        %dma_wait3A_185 = tpu.memref_slice %arg8[%dma_wait3A_181, %dma_wait3A_182, %dma_wait3A_183, %dma_wait3A_184] : memref<2x4x2x128xi32, #tpu.memory_space<vmem>> -> memref<1x4x2x128xi32, #tpu.memory_space<vmem>>
        %dma_wait3A_186 = tpu.memref_squeeze %dma_wait3A_185 : memref<1x4x2x128xi32, #tpu.memory_space<vmem>> -> memref<4x2x128xi32, #tpu.memory_space<vmem>>
        %dma_wait3A_187 = arith.constant 0 : i32
        %dma_wait3A_188 = arith.constant 0 : i32
        %dma_wait3A_189 = tpu.memref_slice %arg4[%mul3A_130, %dma_wait3A_187, %dma_wait3A_188] : memref<25000x2x128xi32, #tpu.memory_space<hbm>> -> memref<4x2x128xi32, #tpu.memory_space<hbm>>
        %dma_wait3A_190 = arith.constant 0 : i32
        %dma_wait3A_191 = arith.constant 0 : i32
        %dma_wait3A_192 = arith.constant 0 : i32
        %dma_wait3A_193 = tpu.memref_slice %arg8[%dma_wait3A_181, %dma_wait3A_190, %dma_wait3A_191, %dma_wait3A_192] : memref<2x4x2x128xi32, #tpu.memory_space<vmem>> -> memref<1x4x2x128xi32, #tpu.memory_space<vmem>>
        %dma_wait3A_194 = tpu.memref_squeeze %dma_wait3A_193 : memref<1x4x2x128xi32, #tpu.memory_space<vmem>> -> memref<4x2x128xi32, #tpu.memory_space<vmem>>
        %dma_wait3A_195 = arith.constant 0 : i32
        %dma_wait3A_196 = arith.constant 0 : i32
        %dma_wait3A_197 = tpu.memref_slice %arg4[%mul3A_130, %dma_wait3A_195, %dma_wait3A_196] : memref<25000x2x128xi32, #tpu.memory_space<hbm>> -> memref<4x2x128xi32, #tpu.memory_space<hbm>>
        tpu.wait_dma2 semaphore(%arg11 : memref<!tpu.dma_semaphore, #tpu.memory_space<semaphore_mem>>) src(%dma_wait3A_197 : memref<4x2x128xi32, #tpu.memory_space<hbm>>) dst(%dma_wait3A_194 : memref<4x2x128xi32, #tpu.memory_space<vmem>>)
        %lt3A_198 = arith.constant 6250 : i32
        %lt3A_199 = arith.cmpi slt, %add3A_112, %lt3A_198 : i32
        %convert_element_type3A_200 = arith.extui %lt3A_199 : i1 to i32
        %cond3A_201 = arith.constant 0 : i32
        %cond3A_202 = arith.cmpi ne, %convert_element_type3A_200, %cond3A_201 : i32
        scf.if %cond3A_202 {
          %mul3A_215 = arith.constant 4 : i32
          %mul3A_216 = arith.muli %add3A_112, %mul3A_215 : i32
          %mul3A_217 = arith.constant 512 : i32
          %mul3A_218 = arith.muli %add3A_112, %mul3A_217 : i32
          %dma_start3A_219 = arith.constant 0 : i32
          %dma_start3A_220 = arith.constant 1 : i32
          %dma_start3A_221 = arith.constant 0 : i32
          %dma_start3A_222 = arith.constant 0 : i32
          %dma_start3A_223 = arith.constant 0 : i32
          %dma_start3A_224 = tpu.memref_slice %arg6[%dma_start3A_220, %dma_start3A_221, %dma_start3A_222, %dma_start3A_223] : memref<2x4x16x128xf32, #tpu.memory_space<vmem>> -> memref<1x4x8x128xf32, #tpu.memory_space<vmem>>
          %dma_start3A_225 = tpu.memref_squeeze %dma_start3A_224 : memref<1x4x8x128xf32, #tpu.memory_space<vmem>> -> memref<4x8x128xf32, #tpu.memory_space<vmem>>
          %dma_start3A_226 = arith.constant 0 : i32
          %dma_start3A_227 = arith.constant 0 : i32
          %dma_start3A_228 = tpu.memref_slice %arg2[%dma_start3A_219, %mul3A_216, %dma_start3A_226, %dma_start3A_227] : memref<2x25000x8x128xf32, #tpu.memory_space<hbm>> -> memref<1x4x8x128xf32, #tpu.memory_space<hbm>>
          %dma_start3A_229 = tpu.memref_squeeze %dma_start3A_228 : memref<1x4x8x128xf32, #tpu.memory_space<hbm>> -> memref<4x8x128xf32, #tpu.memory_space<hbm>>
          %dma_start3A_230 = arith.constant 0 : i32
          %dma_start3A_231 = arith.constant 0 : i32
          %dma_start3A_232 = arith.constant 0 : i32
          %dma_start3A_233 = tpu.memref_slice %arg6[%dma_start3A_220, %dma_start3A_230, %dma_start3A_231, %dma_start3A_232] : memref<2x4x16x128xf32, #tpu.memory_space<vmem>> -> memref<1x4x8x128xf32, #tpu.memory_space<vmem>>
          %dma_start3A_234 = tpu.memref_squeeze %dma_start3A_233 : memref<1x4x8x128xf32, #tpu.memory_space<vmem>> -> memref<4x8x128xf32, #tpu.memory_space<vmem>>
          %dma_start3A_235 = arith.constant 0 : i32
          %dma_start3A_236 = arith.constant 0 : i32
          %dma_start3A_237 = tpu.memref_slice %arg2[%dma_start3A_219, %mul3A_216, %dma_start3A_235, %dma_start3A_236] : memref<2x25000x8x128xf32, #tpu.memory_space<hbm>> -> memref<1x4x8x128xf32, #tpu.memory_space<hbm>>
          %dma_start3A_238 = tpu.memref_squeeze %dma_start3A_237 : memref<1x4x8x128xf32, #tpu.memory_space<hbm>> -> memref<4x8x128xf32, #tpu.memory_space<hbm>>
          tpu.enqueue_dma source(%dma_start3A_238 : memref<4x8x128xf32, #tpu.memory_space<hbm>>) target(%dma_start3A_234 : memref<4x8x128xf32, #tpu.memory_space<vmem>>) target_semaphore(%arg12 : memref<!tpu.dma_semaphore, #tpu.memory_space<semaphore_mem>>)
          %dma_start3A_239 = arith.constant 1 : i32
          %dma_start3A_240 = arith.constant 1 : i32
          %dma_start3A_241 = arith.constant 0 : i32
          %dma_start3A_242 = arith.constant 8 : i32
          %dma_start3A_243 = arith.constant 0 : i32
          %dma_start3A_244 = tpu.memref_slice %arg6[%dma_start3A_240, %dma_start3A_241, %dma_start3A_242, %dma_start3A_243] : memref<2x4x16x128xf32, #tpu.memory_space<vmem>> -> memref<1x4x8x128xf32, #tpu.memory_space<vmem>>
          %dma_start3A_245 = tpu.memref_squeeze %dma_start3A_244 : memref<1x4x8x128xf32, #tpu.memory_space<vmem>> -> memref<4x8x128xf32, #tpu.memory_space<vmem>>
          %dma_start3A_246 = arith.constant 0 : i32
          %dma_start3A_247 = arith.constant 0 : i32
          %dma_start3A_248 = tpu.memref_slice %arg2[%dma_start3A_239, %mul3A_216, %dma_start3A_246, %dma_start3A_247] : memref<2x25000x8x128xf32, #tpu.memory_space<hbm>> -> memref<1x4x8x128xf32, #tpu.memory_space<hbm>>
          %dma_start3A_249 = tpu.memref_squeeze %dma_start3A_248 : memref<1x4x8x128xf32, #tpu.memory_space<hbm>> -> memref<4x8x128xf32, #tpu.memory_space<hbm>>
          %dma_start3A_250 = arith.constant 0 : i32
          %dma_start3A_251 = arith.constant 8 : i32
          %dma_start3A_252 = arith.constant 0 : i32
          %dma_start3A_253 = tpu.memref_slice %arg6[%dma_start3A_240, %dma_start3A_250, %dma_start3A_251, %dma_start3A_252] : memref<2x4x16x128xf32, #tpu.memory_space<vmem>> -> memref<1x4x8x128xf32, #tpu.memory_space<vmem>>
          %dma_start3A_254 = tpu.memref_squeeze %dma_start3A_253 : memref<1x4x8x128xf32, #tpu.memory_space<vmem>> -> memref<4x8x128xf32, #tpu.memory_space<vmem>>
          %dma_start3A_255 = arith.constant 0 : i32
          %dma_start3A_256 = arith.constant 0 : i32
          %dma_start3A_257 = tpu.memref_slice %arg2[%dma_start3A_239, %mul3A_216, %dma_start3A_255, %dma_start3A_256] : memref<2x25000x8x128xf32, #tpu.memory_space<hbm>> -> memref<1x4x8x128xf32, #tpu.memory_space<hbm>>
          %dma_start3A_258 = tpu.memref_squeeze %dma_start3A_257 : memref<1x4x8x128xf32, #tpu.memory_space<hbm>> -> memref<4x8x128xf32, #tpu.memory_space<hbm>>
          tpu.enqueue_dma source(%dma_start3A_258 : memref<4x8x128xf32, #tpu.memory_space<hbm>>) target(%dma_start3A_254 : memref<4x8x128xf32, #tpu.memory_space<vmem>>) target_semaphore(%arg12 : memref<!tpu.dma_semaphore, #tpu.memory_space<semaphore_mem>>)
          %dma_start3A_259 = arith.constant 1 : i32
          %dma_start3A_260 = arith.constant 0 : i32
          %dma_start3A_261 = tpu.memref_slice %arg7[%dma_start3A_259, %dma_start3A_260] : memref<2x512xf32, #tpu.memory_space<vmem>> -> memref<1x512xf32, #tpu.memory_space<vmem>>
          %dma_start3A_262 = tpu.memref_squeeze %dma_start3A_261 : memref<1x512xf32, #tpu.memory_space<vmem>> -> memref<512xf32, #tpu.memory_space<vmem>>
          %dma_start3A_263 = tpu.memref_slice %arg3[%mul3A_218] : memref<3200000xf32, #tpu.memory_space<hbm>> -> memref<512xf32, #tpu.memory_space<hbm>>
          %dma_start3A_264 = arith.constant 0 : i32
          %dma_start3A_265 = tpu.memref_slice %arg7[%dma_start3A_259, %dma_start3A_264] : memref<2x512xf32, #tpu.memory_space<vmem>> -> memref<1x512xf32, #tpu.memory_space<vmem>>
          %dma_start3A_266 = tpu.memref_squeeze %dma_start3A_265 : memref<1x512xf32, #tpu.memory_space<vmem>> -> memref<512xf32, #tpu.memory_space<vmem>>
          %dma_start3A_267 = tpu.memref_slice %arg3[%mul3A_218] : memref<3200000xf32, #tpu.memory_space<hbm>> -> memref<512xf32, #tpu.memory_space<hbm>>
          tpu.enqueue_dma source(%dma_start3A_267 : memref<512xf32, #tpu.memory_space<hbm>>) target(%dma_start3A_266 : memref<512xf32, #tpu.memory_space<vmem>>) target_semaphore(%arg12 : memref<!tpu.dma_semaphore, #tpu.memory_space<semaphore_mem>>)
          %dma_start3A_268 = arith.constant 1 : i32
          %dma_start3A_269 = arith.constant 0 : i32
          %dma_start3A_270 = arith.constant 0 : i32
          %dma_start3A_271 = arith.constant 0 : i32
          %dma_start3A_272 = tpu.memref_slice %arg8[%dma_start3A_268, %dma_start3A_269, %dma_start3A_270, %dma_start3A_271] : memref<2x4x2x128xi32, #tpu.memory_space<vmem>> -> memref<1x4x2x128xi32, #tpu.memory_space<vmem>>
          %dma_start3A_273 = tpu.memref_squeeze %dma_start3A_272 : memref<1x4x2x128xi32, #tpu.memory_space<vmem>> -> memref<4x2x128xi32, #tpu.memory_space<vmem>>
          %dma_start3A_274 = arith.constant 0 : i32
          %dma_start3A_275 = arith.constant 0 : i32
          %dma_start3A_276 = tpu.memref_slice %arg4[%mul3A_216, %dma_start3A_274, %dma_start3A_275] : memref<25000x2x128xi32, #tpu.memory_space<hbm>> -> memref<4x2x128xi32, #tpu.memory_space<hbm>>
          %dma_start3A_277 = arith.constant 0 : i32
          %dma_start3A_278 = arith.constant 0 : i32
          %dma_start3A_279 = arith.constant 0 : i32
          %dma_start3A_280 = tpu.memref_slice %arg8[%dma_start3A_268, %dma_start3A_277, %dma_start3A_278, %dma_start3A_279] : memref<2x4x2x128xi32, #tpu.memory_space<vmem>> -> memref<1x4x2x128xi32, #tpu.memory_space<vmem>>
          %dma_start3A_281 = tpu.memref_squeeze %dma_start3A_280 : memref<1x4x2x128xi32, #tpu.memory_space<vmem>> -> memref<4x2x128xi32, #tpu.memory_space<vmem>>
          %dma_start3A_282 = arith.constant 0 : i32
          %dma_start3A_283 = arith.constant 0 : i32
          %dma_start3A_284 = tpu.memref_slice %arg4[%mul3A_216, %dma_start3A_282, %dma_start3A_283] : memref<25000x2x128xi32, #tpu.memory_space<hbm>> -> memref<4x2x128xi32, #tpu.memory_space<hbm>>
          tpu.enqueue_dma source(%dma_start3A_284 : memref<4x2x128xi32, #tpu.memory_space<hbm>>) target(%dma_start3A_281 : memref<4x2x128xi32, #tpu.memory_space<vmem>>) target_semaphore(%arg12 : memref<!tpu.dma_semaphore, #tpu.memory_space<semaphore_mem>>)
        } else {
        }
        %scan3A_203 = arith.constant 0 : i32
        %scan3A_204 = arith.constant 0 : i32
        %scan3A_205 = arith.constant 4 : i32
        %scan3A_206 = arith.addi %scan3A_204, %scan3A_205 : i32
        %scan3A_207 = arith.constant 1 : i32
        scf.for %scan3A_215 = %scan3A_204 to %scan3A_206 step %scan3A_207  : i32 {
          %scan3A_216 = arith.constant 0 : i32
          %scan3A_217 = arith.constant 0 : i32
          %scan3A_218 = arith.constant 8 : i32
          %scan3A_219 = arith.addi %scan3A_217, %scan3A_218 : i32
          %scan3A_220 = arith.constant 2 : i32
          scf.for %scan3A_234 = %scan3A_217 to %scan3A_219 step %scan3A_220  : i32 {
            %iota3A = tpu.iota {dimensions = array<i32: 0>} : vector<16xi32>
            %mul3A_235 = arith.constant 16 : i32
            %mul3A_236 = arith.muli %scan3A_234, %mul3A_235 : i32
            %add3A_237 = vector.broadcast %mul3A_236 : i32 to vector<16xi32>
            %add3A_238 = arith.addi %add3A_237, %iota3A : vector<16xi32>
            %mul3A_239 = arith.constant 128 : i32
            %mul3A_240 = arith.muli %scan3A_215, %mul3A_239 : i32
            %add3A_241 = arith.addi %mul3A_240, %mul3A_236 : i32
            %get3A = arith.constant 0 : i32
            %get3A_242 = arith.index_cast %get3A : i32 to index
            %get3A_243 = arith.index_cast %add3A_241 : i32 to index
            %get3A_244 = tpu.vector_load %arg7[%get3A_242, %get3A_243] {strides = array<i32>} : memref<2x512xf32, #tpu.memory_space<vmem>>, vector<16xf32>,
            %get3A_245 = arith.constant 0 : i32
            %get3A_246 = arith.constant 0 : i32
            %get3A_247 = arith.index_cast %get3A_245 : i32 to index
            %get3A_248 = arith.index_cast %scan3A_215 : i32 to index
            %get3A_249 = arith.index_cast %get3A_246 : i32 to index
            %get3A_250 = arith.index_cast %mul3A_236 : i32 to index
            %get3A_251 = tpu.vector_load %arg6[%get3A_247, %get3A_248, %get3A_249, %get3A_250] {strides = array<i32>} : memref<2x4x16x128xf32, #tpu.memory_space<vmem>>, vector<16xf32>,
            %broadcast_in_dim3A = arith.constant 0 : i32
            %broadcast_in_dim3A_252 = vector.broadcast %broadcast_in_dim3A : i32 to vector<16xi32>
            %mul3A_253 = arith.mulf %get3A_251, %get3A_244 : vector<16xf32>
            %scatter3A = arith.constant 0 : i32
            %scatter3A_254 = arith.constant 0 : i32
            %scatter3A_255 = tpu.memref_slice %arg9[%scan3A_215, %scatter3A, %scatter3A_254] : memref<4x128x16xf32, #tpu.memory_space<vmem>> -> memref<1x128x16xf32, #tpu.memory_space<vmem>>
            %scatter3A_256 = tpu.memref_squeeze %scatter3A_255 : memref<1x128x16xf32, #tpu.memory_space<vmem>> -> memref<128x16xf32, #tpu.memory_space<vmem>>
            tpu.vector_store_idx %scatter3A_256[%add3A_238, %broadcast_in_dim3A_252], %mul3A_253 : memref<128x16xf32, #tpu.memory_space<vmem>>[vector<16xi32>, vector<16xi32>], vector<16xf32>,
            %get3A_257 = arith.constant 0 : i32
            %get3A_258 = arith.constant 1 : i32
            %get3A_259 = arith.index_cast %get3A_257 : i32 to index
            %get3A_260 = arith.index_cast %scan3A_215 : i32 to index
            %get3A_261 = arith.index_cast %get3A_258 : i32 to index
            %get3A_262 = arith.index_cast %mul3A_236 : i32 to index
            %get3A_263 = tpu.vector_load %arg6[%get3A_259, %get3A_260, %get3A_261, %get3A_262] {strides = array<i32>} : memref<2x4x16x128xf32, #tpu.memory_space<vmem>>, vector<16xf32>,
            %broadcast_in_dim3A_264 = arith.constant 1 : i32
            %broadcast_in_dim3A_265 = vector.broadcast %broadcast_in_dim3A_264 : i32 to vector<16xi32>
            %mul3A_266 = arith.mulf %get3A_263, %get3A_244 : vector<16xf32>
            %scatter3A_267 = arith.constant 0 : i32
            %scatter3A_268 = arith.constant 0 : i32
            %scatter3A_269 = tpu.memref_slice %arg9[%scan3A_215, %scatter3A_267, %scatter3A_268] : memref<4x128x16xf32, #tpu.memory_space<vmem>> -> memref<1x128x16xf32, #tpu.memory_space<vmem>>
            %scatter3A_270 = tpu.memref_squeeze %scatter3A_269 : memref<1x128x16xf32, #tpu.memory_space<vmem>> -> memref<128x16xf32, #tpu.memory_space<vmem>>
            tpu.vector_store_idx %scatter3A_270[%add3A_238, %broadcast_in_dim3A_265], %mul3A_266 : memref<128x16xf32, #tpu.memory_space<vmem>>[vector<16xi32>, vector<16xi32>], vector<16xf32>,
            %get3A_271 = arith.constant 0 : i32
            %get3A_272 = arith.constant 2 : i32
            %get3A_273 = arith.index_cast %get3A_271 : i32 to index
            %get3A_274 = arith.index_cast %scan3A_215 : i32 to index
            %get3A_275 = arith.index_cast %get3A_272 : i32 to index
            %get3A_276 = arith.index_cast %mul3A_236 : i32 to index
            %get3A_277 = tpu.vector_load %arg6[%get3A_273, %get3A_274, %get3A_275, %get3A_276] {strides = array<i32>} : memref<2x4x16x128xf32, #tpu.memory_space<vmem>>, vector<16xf32>,
            %broadcast_in_dim3A_278 = arith.constant 2 : i32
            %broadcast_in_dim3A_279 = vector.broadcast %broadcast_in_dim3A_278 : i32 to vector<16xi32>
            %mul3A_280 = arith.mulf %get3A_277, %get3A_244 : vector<16xf32>
            %scatter3A_281 = arith.constant 0 : i32
            %scatter3A_282 = arith.constant 0 : i32
            %scatter3A_283 = tpu.memref_slice %arg9[%scan3A_215, %scatter3A_281, %scatter3A_282] : memref<4x128x16xf32, #tpu.memory_space<vmem>> -> memref<1x128x16xf32, #tpu.memory_space<vmem>>
            %scatter3A_284 = tpu.memref_squeeze %scatter3A_283 : memref<1x128x16xf32, #tpu.memory_space<vmem>> -> memref<128x16xf32, #tpu.memory_space<vmem>>
            tpu.vector_store_idx %scatter3A_284[%add3A_238, %broadcast_in_dim3A_279], %mul3A_280 : memref<128x16xf32, #tpu.memory_space<vmem>>[vector<16xi32>, vector<16xi32>], vector<16xf32>,
            %get3A_285 = arith.constant 0 : i32
            %get3A_286 = arith.constant 3 : i32
            %get3A_287 = arith.index_cast %get3A_285 : i32 to index
            %get3A_288 = arith.index_cast %scan3A_215 : i32 to index
            %get3A_289 = arith.index_cast %get3A_286 : i32 to index
            %get3A_290 = arith.index_cast %mul3A_236 : i32 to index
            %get3A_291 = tpu.vector_load %arg6[%get3A_287, %get3A_288, %get3A_289, %get3A_290] {strides = array<i32>} : memref<2x4x16x128xf32, #tpu.memory_space<vmem>>, vector<16xf32>,
            %broadcast_in_dim3A_292 = arith.constant 3 : i32
            %broadcast_in_dim3A_293 = vector.broadcast %broadcast_in_dim3A_292 : i32 to vector<16xi32>
            %mul3A_294 = arith.mulf %get3A_291, %get3A_244 : vector<16xf32>
            %scatter3A_295 = arith.constant 0 : i32
            %scatter3A_296 = arith.constant 0 : i32
            %scatter3A_297 = tpu.memref_slice %arg9[%scan3A_215, %scatter3A_295, %scatter3A_296] : memref<4x128x16xf32, #tpu.memory_space<vmem>> -> memref<1x128x16xf32, #tpu.memory_space<vmem>>
            %scatter3A_298 = tpu.memref_squeeze %scatter3A_297 : memref<1x128x16xf32, #tpu.memory_space<vmem>> -> memref<128x16xf32, #tpu.memory_space<vmem>>
            tpu.vector_store_idx %scatter3A_298[%add3A_238, %broadcast_in_dim3A_293], %mul3A_294 : memref<128x16xf32, #tpu.memory_space<vmem>>[vector<16xi32>, vector<16xi32>], vector<16xf32>,
            %get3A_299 = arith.constant 0 : i32
            %get3A_300 = arith.constant 4 : i32
            %get3A_301 = arith.index_cast %get3A_299 : i32 to index
            %get3A_302 = arith.index_cast %scan3A_215 : i32 to index
            %get3A_303 = arith.index_cast %get3A_300 : i32 to index
            %get3A_304 = arith.index_cast %mul3A_236 : i32 to index
            %get3A_305 = tpu.vector_load %arg6[%get3A_301, %get3A_302, %get3A_303, %get3A_304] {strides = array<i32>} : memref<2x4x16x128xf32, #tpu.memory_space<vmem>>, vector<16xf32>,
            %broadcast_in_dim3A_306 = arith.constant 4 : i32
            %broadcast_in_dim3A_307 = vector.broadcast %broadcast_in_dim3A_306 : i32 to vector<16xi32>
            %mul3A_308 = arith.mulf %get3A_305, %get3A_244 : vector<16xf32>
            %scatter3A_309 = arith.constant 0 : i32
            %scatter3A_310 = arith.constant 0 : i32
            %scatter3A_311 = tpu.memref_slice %arg9[%scan3A_215, %scatter3A_309, %scatter3A_310] : memref<4x128x16xf32, #tpu.memory_space<vmem>> -> memref<1x128x16xf32, #tpu.memory_space<vmem>>
            %scatter3A_312 = tpu.memref_squeeze %scatter3A_311 : memref<1x128x16xf32, #tpu.memory_space<vmem>> -> memref<128x16xf32, #tpu.memory_space<vmem>>
            tpu.vector_store_idx %scatter3A_312[%add3A_238, %broadcast_in_dim3A_307], %mul3A_308 : memref<128x16xf32, #tpu.memory_space<vmem>>[vector<16xi32>, vector<16xi32>], vector<16xf32>,
            %get3A_313 = arith.constant 0 : i32
            %get3A_314 = arith.constant 5 : i32
            %get3A_315 = arith.index_cast %get3A_313 : i32 to index
            %get3A_316 = arith.index_cast %scan3A_215 : i32 to index
            %get3A_317 = arith.index_cast %get3A_314 : i32 to index
            %get3A_318 = arith.index_cast %mul3A_236 : i32 to index
            %get3A_319 = tpu.vector_load %arg6[%get3A_315, %get3A_316, %get3A_317, %get3A_318] {strides = array<i32>} : memref<2x4x16x128xf32, #tpu.memory_space<vmem>>, vector<16xf32>,
            %broadcast_in_dim3A_320 = arith.constant 5 : i32
            %broadcast_in_dim3A_321 = vector.broadcast %broadcast_in_dim3A_320 : i32 to vector<16xi32>
            %mul3A_322 = arith.mulf %get3A_319, %get3A_244 : vector<16xf32>
            %scatter3A_323 = arith.constant 0 : i32
            %scatter3A_324 = arith.constant 0 : i32
            %scatter3A_325 = tpu.memref_slice %arg9[%scan3A_215, %scatter3A_323, %scatter3A_324] : memref<4x128x16xf32, #tpu.memory_space<vmem>> -> memref<1x128x16xf32, #tpu.memory_space<vmem>>
            %scatter3A_326 = tpu.memref_squeeze %scatter3A_325 : memref<1x128x16xf32, #tpu.memory_space<vmem>> -> memref<128x16xf32, #tpu.memory_space<vmem>>
            tpu.vector_store_idx %scatter3A_326[%add3A_238, %broadcast_in_dim3A_321], %mul3A_322 : memref<128x16xf32, #tpu.memory_space<vmem>>[vector<16xi32>, vector<16xi32>], vector<16xf32>,
            %get3A_327 = arith.constant 0 : i32
            %get3A_328 = arith.constant 6 : i32
            %get3A_329 = arith.index_cast %get3A_327 : i32 to index
            %get3A_330 = arith.index_cast %scan3A_215 : i32 to index
            %get3A_331 = arith.index_cast %get3A_328 : i32 to index
            %get3A_332 = arith.index_cast %mul3A_236 : i32 to index
            %get3A_333 = tpu.vector_load %arg6[%get3A_329, %get3A_330, %get3A_331, %get3A_332] {strides = array<i32>} : memref<2x4x16x128xf32, #tpu.memory_space<vmem>>, vector<16xf32>,
            %broadcast_in_dim3A_334 = arith.constant 6 : i32
            %broadcast_in_dim3A_335 = vector.broadcast %broadcast_in_dim3A_334 : i32 to vector<16xi32>
            %mul3A_336 = arith.mulf %get3A_333, %get3A_244 : vector<16xf32>
            %scatter3A_337 = arith.constant 0 : i32
            %scatter3A_338 = arith.constant 0 : i32
            %scatter3A_339 = tpu.memref_slice %arg9[%scan3A_215, %scatter3A_337, %scatter3A_338] : memref<4x128x16xf32, #tpu.memory_space<vmem>> -> memref<1x128x16xf32, #tpu.memory_space<vmem>>
            %scatter3A_340 = tpu.memref_squeeze %scatter3A_339 : memref<1x128x16xf32, #tpu.memory_space<vmem>> -> memref<128x16xf32, #tpu.memory_space<vmem>>
            tpu.vector_store_idx %scatter3A_340[%add3A_238, %broadcast_in_dim3A_335], %mul3A_336 : memref<128x16xf32, #tpu.memory_space<vmem>>[vector<16xi32>, vector<16xi32>], vector<16xf32>,
            %get3A_341 = arith.constant 0 : i32
            %get3A_342 = arith.constant 7 : i32
            %get3A_343 = arith.index_cast %get3A_341 : i32 to index
            %get3A_344 = arith.index_cast %scan3A_215 : i32 to index
            %get3A_345 = arith.index_cast %get3A_342 : i32 to index
            %get3A_346 = arith.index_cast %mul3A_236 : i32 to index
            %get3A_347 = tpu.vector_load %arg6[%get3A_343, %get3A_344, %get3A_345, %get3A_346] {strides = array<i32>} : memref<2x4x16x128xf32, #tpu.memory_space<vmem>>, vector<16xf32>,
            %broadcast_in_dim3A_348 = arith.constant 7 : i32
            %broadcast_in_dim3A_349 = vector.broadcast %broadcast_in_dim3A_348 : i32 to vector<16xi32>
            %mul3A_350 = arith.mulf %get3A_347, %get3A_244 : vector<16xf32>
            %scatter3A_351 = arith.constant 0 : i32
            %scatter3A_352 = arith.constant 0 : i32
            %scatter3A_353 = tpu.memref_slice %arg9[%scan3A_215, %scatter3A_351, %scatter3A_352] : memref<4x128x16xf32, #tpu.memory_space<vmem>> -> memref<1x128x16xf32, #tpu.memory_space<vmem>>
            %scatter3A_354 = tpu.memref_squeeze %scatter3A_353 : memref<1x128x16xf32, #tpu.memory_space<vmem>> -> memref<128x16xf32, #tpu.memory_space<vmem>>
            tpu.vector_store_idx %scatter3A_354[%add3A_238, %broadcast_in_dim3A_349], %mul3A_350 : memref<128x16xf32, #tpu.memory_space<vmem>>[vector<16xi32>, vector<16xi32>], vector<16xf32>,
            %get3A_355 = arith.constant 0 : i32
            %get3A_356 = arith.constant 8 : i32
            %get3A_357 = arith.index_cast %get3A_355 : i32 to index
            %get3A_358 = arith.index_cast %scan3A_215 : i32 to index
            %get3A_359 = arith.index_cast %get3A_356 : i32 to index
            %get3A_360 = arith.index_cast %mul3A_236 : i32 to index
            %get3A_361 = tpu.vector_load %arg6[%get3A_357, %get3A_358, %get3A_359, %get3A_360] {strides = array<i32>} : memref<2x4x16x128xf32, #tpu.memory_space<vmem>>, vector<16xf32>,
            %broadcast_in_dim3A_362 = arith.constant 8 : i32
            %broadcast_in_dim3A_363 = vector.broadcast %broadcast_in_dim3A_362 : i32 to vector<16xi32>
            %mul3A_364 = arith.mulf %get3A_361, %get3A_244 : vector<16xf32>
            %scatter3A_365 = arith.constant 0 : i32
            %scatter3A_366 = arith.constant 0 : i32
            %scatter3A_367 = tpu.memref_slice %arg9[%scan3A_215, %scatter3A_365, %scatter3A_366] : memref<4x128x16xf32, #tpu.memory_space<vmem>> -> memref<1x128x16xf32, #tpu.memory_space<vmem>>
            %scatter3A_368 = tpu.memref_squeeze %scatter3A_367 : memref<1x128x16xf32, #tpu.memory_space<vmem>> -> memref<128x16xf32, #tpu.memory_space<vmem>>
            tpu.vector_store_idx %scatter3A_368[%add3A_238, %broadcast_in_dim3A_363], %mul3A_364 : memref<128x16xf32, #tpu.memory_space<vmem>>[vector<16xi32>, vector<16xi32>], vector<16xf32>,
            %get3A_369 = arith.constant 0 : i32
            %get3A_370 = arith.constant 9 : i32
            %get3A_371 = arith.index_cast %get3A_369 : i32 to index
            %get3A_372 = arith.index_cast %scan3A_215 : i32 to index
            %get3A_373 = arith.index_cast %get3A_370 : i32 to index
            %get3A_374 = arith.index_cast %mul3A_236 : i32 to index
            %get3A_375 = tpu.vector_load %arg6[%get3A_371, %get3A_372, %get3A_373, %get3A_374] {strides = array<i32>} : memref<2x4x16x128xf32, #tpu.memory_space<vmem>>, vector<16xf32>,
            %broadcast_in_dim3A_376 = arith.constant 9 : i32
            %broadcast_in_dim3A_377 = vector.broadcast %broadcast_in_dim3A_376 : i32 to vector<16xi32>
            %mul3A_378 = arith.mulf %get3A_375, %get3A_244 : vector<16xf32>
            %scatter3A_379 = arith.constant 0 : i32
            %scatter3A_380 = arith.constant 0 : i32
            %scatter3A_381 = tpu.memref_slice %arg9[%scan3A_215, %scatter3A_379, %scatter3A_380] : memref<4x128x16xf32, #tpu.memory_space<vmem>> -> memref<1x128x16xf32, #tpu.memory_space<vmem>>
            %scatter3A_382 = tpu.memref_squeeze %scatter3A_381 : memref<1x128x16xf32, #tpu.memory_space<vmem>> -> memref<128x16xf32, #tpu.memory_space<vmem>>
            tpu.vector_store_idx %scatter3A_382[%add3A_238, %broadcast_in_dim3A_377], %mul3A_378 : memref<128x16xf32, #tpu.memory_space<vmem>>[vector<16xi32>, vector<16xi32>], vector<16xf32>,
            %get3A_383 = arith.constant 0 : i32
            %get3A_384 = arith.constant 10 : i32
            %get3A_385 = arith.index_cast %get3A_383 : i32 to index
            %get3A_386 = arith.index_cast %scan3A_215 : i32 to index
            %get3A_387 = arith.index_cast %get3A_384 : i32 to index
            %get3A_388 = arith.index_cast %mul3A_236 : i32 to index
            %get3A_389 = tpu.vector_load %arg6[%get3A_385, %get3A_386, %get3A_387, %get3A_388] {strides = array<i32>} : memref<2x4x16x128xf32, #tpu.memory_space<vmem>>, vector<16xf32>,
            %broadcast_in_dim3A_390 = arith.constant 10 : i32
            %broadcast_in_dim3A_391 = vector.broadcast %broadcast_in_dim3A_390 : i32 to vector<16xi32>
            %mul3A_392 = arith.mulf %get3A_389, %get3A_244 : vector<16xf32>
            %scatter3A_393 = arith.constant 0 : i32
            %scatter3A_394 = arith.constant 0 : i32
            %scatter3A_395 = tpu.memref_slice %arg9[%scan3A_215, %scatter3A_393, %scatter3A_394] : memref<4x128x16xf32, #tpu.memory_space<vmem>> -> memref<1x128x16xf32, #tpu.memory_space<vmem>>
            %scatter3A_396 = tpu.memref_squeeze %scatter3A_395 : memref<1x128x16xf32, #tpu.memory_space<vmem>> -> memref<128x16xf32, #tpu.memory_space<vmem>>
            tpu.vector_store_idx %scatter3A_396[%add3A_238, %broadcast_in_dim3A_391], %mul3A_392 : memref<128x16xf32, #tpu.memory_space<vmem>>[vector<16xi32>, vector<16xi32>], vector<16xf32>,
            %get3A_397 = arith.constant 0 : i32
            %get3A_398 = arith.constant 11 : i32
            %get3A_399 = arith.index_cast %get3A_397 : i32 to index
            %get3A_400 = arith.index_cast %scan3A_215 : i32 to index
            %get3A_401 = arith.index_cast %get3A_398 : i32 to index
            %get3A_402 = arith.index_cast %mul3A_236 : i32 to index
            %get3A_403 = tpu.vector_load %arg6[%get3A_399, %get3A_400, %get3A_401, %get3A_402] {strides = array<i32>} : memref<2x4x16x128xf32, #tpu.memory_space<vmem>>, vector<16xf32>,
            %broadcast_in_dim3A_404 = arith.constant 11 : i32
            %broadcast_in_dim3A_405 = vector.broadcast %broadcast_in_dim3A_404 : i32 to vector<16xi32>
            %mul3A_406 = arith.mulf %get3A_403, %get3A_244 : vector<16xf32>
            %scatter3A_407 = arith.constant 0 : i32
            %scatter3A_408 = arith.constant 0 : i32
            %scatter3A_409 = tpu.memref_slice %arg9[%scan3A_215, %scatter3A_407, %scatter3A_408] : memref<4x128x16xf32, #tpu.memory_space<vmem>> -> memref<1x128x16xf32, #tpu.memory_space<vmem>>
            %scatter3A_410 = tpu.memref_squeeze %scatter3A_409 : memref<1x128x16xf32, #tpu.memory_space<vmem>> -> memref<128x16xf32, #tpu.memory_space<vmem>>
            tpu.vector_store_idx %scatter3A_410[%add3A_238, %broadcast_in_dim3A_405], %mul3A_406 : memref<128x16xf32, #tpu.memory_space<vmem>>[vector<16xi32>, vector<16xi32>], vector<16xf32>,
            %get3A_411 = arith.constant 0 : i32
            %get3A_412 = arith.constant 12 : i32
            %get3A_413 = arith.index_cast %get3A_411 : i32 to index
            %get3A_414 = arith.index_cast %scan3A_215 : i32 to index
            %get3A_415 = arith.index_cast %get3A_412 : i32 to index
            %get3A_416 = arith.index_cast %mul3A_236 : i32 to index
            %get3A_417 = tpu.vector_load %arg6[%get3A_413, %get3A_414, %get3A_415, %get3A_416] {strides = array<i32>} : memref<2x4x16x128xf32, #tpu.memory_space<vmem>>, vector<16xf32>,
            %broadcast_in_dim3A_418 = arith.constant 12 : i32
            %broadcast_in_dim3A_419 = vector.broadcast %broadcast_in_dim3A_418 : i32 to vector<16xi32>
            %mul3A_420 = arith.mulf %get3A_417, %get3A_244 : vector<16xf32>
            %scatter3A_421 = arith.constant 0 : i32
            %scatter3A_422 = arith.constant 0 : i32
            %scatter3A_423 = tpu.memref_slice %arg9[%scan3A_215, %scatter3A_421, %scatter3A_422] : memref<4x128x16xf32, #tpu.memory_space<vmem>> -> memref<1x128x16xf32, #tpu.memory_space<vmem>>
            %scatter3A_424 = tpu.memref_squeeze %scatter3A_423 : memref<1x128x16xf32, #tpu.memory_space<vmem>> -> memref<128x16xf32, #tpu.memory_space<vmem>>
            tpu.vector_store_idx %scatter3A_424[%add3A_238, %broadcast_in_dim3A_419], %mul3A_420 : memref<128x16xf32, #tpu.memory_space<vmem>>[vector<16xi32>, vector<16xi32>], vector<16xf32>,
            %get3A_425 = arith.constant 0 : i32
            %get3A_426 = arith.constant 13 : i32
            %get3A_427 = arith.index_cast %get3A_425 : i32 to index
            %get3A_428 = arith.index_cast %scan3A_215 : i32 to index
            %get3A_429 = arith.index_cast %get3A_426 : i32 to index
            %get3A_430 = arith.index_cast %mul3A_236 : i32 to index
            %get3A_431 = tpu.vector_load %arg6[%get3A_427, %get3A_428, %get3A_429, %get3A_430] {strides = array<i32>} : memref<2x4x16x128xf32, #tpu.memory_space<vmem>>, vector<16xf32>,
            %broadcast_in_dim3A_432 = arith.constant 13 : i32
            %broadcast_in_dim3A_433 = vector.broadcast %broadcast_in_dim3A_432 : i32 to vector<16xi32>
            %mul3A_434 = arith.mulf %get3A_431, %get3A_244 : vector<16xf32>
            %scatter3A_435 = arith.constant 0 : i32
            %scatter3A_436 = arith.constant 0 : i32
            %scatter3A_437 = tpu.memref_slice %arg9[%scan3A_215, %scatter3A_435, %scatter3A_436] : memref<4x128x16xf32, #tpu.memory_space<vmem>> -> memref<1x128x16xf32, #tpu.memory_space<vmem>>
            %scatter3A_438 = tpu.memref_squeeze %scatter3A_437 : memref<1x128x16xf32, #tpu.memory_space<vmem>> -> memref<128x16xf32, #tpu.memory_space<vmem>>
            tpu.vector_store_idx %scatter3A_438[%add3A_238, %broadcast_in_dim3A_433], %mul3A_434 : memref<128x16xf32, #tpu.memory_space<vmem>>[vector<16xi32>, vector<16xi32>], vector<16xf32>,
            %get3A_439 = arith.constant 0 : i32
            %get3A_440 = arith.constant 14 : i32
            %get3A_441 = arith.index_cast %get3A_439 : i32 to index
            %get3A_442 = arith.index_cast %scan3A_215 : i32 to index
            %get3A_443 = arith.index_cast %get3A_440 : i32 to index
            %get3A_444 = arith.index_cast %mul3A_236 : i32 to index
            %get3A_445 = tpu.vector_load %arg6[%get3A_441, %get3A_442, %get3A_443, %get3A_444] {strides = array<i32>} : memref<2x4x16x128xf32, #tpu.memory_space<vmem>>, vector<16xf32>,
            %broadcast_in_dim3A_446 = arith.constant 14 : i32
            %broadcast_in_dim3A_447 = vector.broadcast %broadcast_in_dim3A_446 : i32 to vector<16xi32>
            %mul3A_448 = arith.mulf %get3A_445, %get3A_244 : vector<16xf32>
            %scatter3A_449 = arith.constant 0 : i32
            %scatter3A_450 = arith.constant 0 : i32
            %scatter3A_451 = tpu.memref_slice %arg9[%scan3A_215, %scatter3A_449, %scatter3A_450] : memref<4x128x16xf32, #tpu.memory_space<vmem>> -> memref<1x128x16xf32, #tpu.memory_space<vmem>>
            %scatter3A_452 = tpu.memref_squeeze %scatter3A_451 : memref<1x128x16xf32, #tpu.memory_space<vmem>> -> memref<128x16xf32, #tpu.memory_space<vmem>>
            tpu.vector_store_idx %scatter3A_452[%add3A_238, %broadcast_in_dim3A_447], %mul3A_448 : memref<128x16xf32, #tpu.memory_space<vmem>>[vector<16xi32>, vector<16xi32>], vector<16xf32>,
            %get3A_453 = arith.constant 0 : i32
            %get3A_454 = arith.constant 15 : i32
            %get3A_455 = arith.index_cast %get3A_453 : i32 to index
            %get3A_456 = arith.index_cast %scan3A_215 : i32 to index
            %get3A_457 = arith.index_cast %get3A_454 : i32 to index
            %get3A_458 = arith.index_cast %mul3A_236 : i32 to index
            %get3A_459 = tpu.vector_load %arg6[%get3A_455, %get3A_456, %get3A_457, %get3A_458] {strides = array<i32>} : memref<2x4x16x128xf32, #tpu.memory_space<vmem>>, vector<16xf32>,
            %broadcast_in_dim3A_460 = arith.constant 15 : i32
            %broadcast_in_dim3A_461 = vector.broadcast %broadcast_in_dim3A_460 : i32 to vector<16xi32>
            %mul3A_462 = arith.mulf %get3A_459, %get3A_244 : vector<16xf32>
            %scatter3A_463 = arith.constant 0 : i32
            %scatter3A_464 = arith.constant 0 : i32
            %scatter3A_465 = tpu.memref_slice %arg9[%scan3A_215, %scatter3A_463, %scatter3A_464] : memref<4x128x16xf32, #tpu.memory_space<vmem>> -> memref<1x128x16xf32, #tpu.memory_space<vmem>>
            %scatter3A_466 = tpu.memref_squeeze %scatter3A_465 : memref<1x128x16xf32, #tpu.memory_space<vmem>> -> memref<128x16xf32, #tpu.memory_space<vmem>>
            tpu.vector_store_idx %scatter3A_466[%add3A_238, %broadcast_in_dim3A_461], %mul3A_462 : memref<128x16xf32, #tpu.memory_space<vmem>>[vector<16xi32>, vector<16xi32>], vector<16xf32>,
            %scan3A_467 = arith.constant 1 : i32
            %scan3A_468 = arith.addi %scan3A_234, %scan3A_467 : i32
            %iota3A_469 = tpu.iota {dimensions = array<i32: 0>} : vector<16xi32>
            %mul3A_470 = arith.constant 16 : i32
            %mul3A_471 = arith.muli %scan3A_468, %mul3A_470 : i32
            %add3A_472 = vector.broadcast %mul3A_471 : i32 to vector<16xi32>
            %add3A_473 = arith.addi %add3A_472, %iota3A_469 : vector<16xi32>
            %mul3A_474 = arith.constant 128 : i32
            %mul3A_475 = arith.muli %scan3A_215, %mul3A_474 : i32
            %add3A_476 = arith.addi %mul3A_475, %mul3A_471 : i32
            %get3A_477 = arith.constant 0 : i32
            %get3A_478 = arith.index_cast %get3A_477 : i32 to index
            %get3A_479 = arith.index_cast %add3A_476 : i32 to index
            %get3A_480 = tpu.vector_load %arg7[%get3A_478, %get3A_479] {strides = array<i32>} : memref<2x512xf32, #tpu.memory_space<vmem>>, vector<16xf32>,
            %get3A_481 = arith.constant 0 : i32
            %get3A_482 = arith.constant 0 : i32
            %get3A_483 = arith.index_cast %get3A_481 : i32 to index
            %get3A_484 = arith.index_cast %scan3A_215 : i32 to index
            %get3A_485 = arith.index_cast %get3A_482 : i32 to index
            %get3A_486 = arith.index_cast %mul3A_471 : i32 to index
            %get3A_487 = tpu.vector_load %arg6[%get3A_483, %get3A_484, %get3A_485, %get3A_486] {strides = array<i32>} : memref<2x4x16x128xf32, #tpu.memory_space<vmem>>, vector<16xf32>,
            %broadcast_in_dim3A_488 = arith.constant 0 : i32
            %broadcast_in_dim3A_489 = vector.broadcast %broadcast_in_dim3A_488 : i32 to vector<16xi32>
            %mul3A_490 = arith.mulf %get3A_487, %get3A_480 : vector<16xf32>
            %scatter3A_491 = arith.constant 0 : i32
            %scatter3A_492 = arith.constant 0 : i32
            %scatter3A_493 = tpu.memref_slice %arg9[%scan3A_215, %scatter3A_491, %scatter3A_492] : memref<4x128x16xf32, #tpu.memory_space<vmem>> -> memref<1x128x16xf32, #tpu.memory_space<vmem>>
            %scatter3A_494 = tpu.memref_squeeze %scatter3A_493 : memref<1x128x16xf32, #tpu.memory_space<vmem>> -> memref<128x16xf32, #tpu.memory_space<vmem>>
            tpu.vector_store_idx %scatter3A_494[%add3A_473, %broadcast_in_dim3A_489], %mul3A_490 : memref<128x16xf32, #tpu.memory_space<vmem>>[vector<16xi32>, vector<16xi32>], vector<16xf32>,
            %get3A_495 = arith.constant 0 : i32
            %get3A_496 = arith.constant 1 : i32
            %get3A_497 = arith.index_cast %get3A_495 : i32 to index
            %get3A_498 = arith.index_cast %scan3A_215 : i32 to index
            %get3A_499 = arith.index_cast %get3A_496 : i32 to index
            %get3A_500 = arith.index_cast %mul3A_471 : i32 to index
            %get3A_501 = tpu.vector_load %arg6[%get3A_497, %get3A_498, %get3A_499, %get3A_500] {strides = array<i32>} : memref<2x4x16x128xf32, #tpu.memory_space<vmem>>, vector<16xf32>,
            %broadcast_in_dim3A_502 = arith.constant 1 : i32
            %broadcast_in_dim3A_503 = vector.broadcast %broadcast_in_dim3A_502 : i32 to vector<16xi32>
            %mul3A_504 = arith.mulf %get3A_501, %get3A_480 : vector<16xf32>
            %scatter3A_505 = arith.constant 0 : i32
            %scatter3A_506 = arith.constant 0 : i32
            %scatter3A_507 = tpu.memref_slice %arg9[%scan3A_215, %scatter3A_505, %scatter3A_506] : memref<4x128x16xf32, #tpu.memory_space<vmem>> -> memref<1x128x16xf32, #tpu.memory_space<vmem>>
            %scatter3A_508 = tpu.memref_squeeze %scatter3A_507 : memref<1x128x16xf32, #tpu.memory_space<vmem>> -> memref<128x16xf32, #tpu.memory_space<vmem>>
            tpu.vector_store_idx %scatter3A_508[%add3A_473, %broadcast_in_dim3A_503], %mul3A_504 : memref<128x16xf32, #tpu.memory_space<vmem>>[vector<16xi32>, vector<16xi32>], vector<16xf32>,
            %get3A_509 = arith.constant 0 : i32
            %get3A_510 = arith.constant 2 : i32
            %get3A_511 = arith.index_cast %get3A_509 : i32 to index
            %get3A_512 = arith.index_cast %scan3A_215 : i32 to index
            %get3A_513 = arith.index_cast %get3A_510 : i32 to index
            %get3A_514 = arith.index_cast %mul3A_471 : i32 to index
            %get3A_515 = tpu.vector_load %arg6[%get3A_511, %get3A_512, %get3A_513, %get3A_514] {strides = array<i32>} : memref<2x4x16x128xf32, #tpu.memory_space<vmem>>, vector<16xf32>,
            %broadcast_in_dim3A_516 = arith.constant 2 : i32
            %broadcast_in_dim3A_517 = vector.broadcast %broadcast_in_dim3A_516 : i32 to vector<16xi32>
            %mul3A_518 = arith.mulf %get3A_515, %get3A_480 : vector<16xf32>
            %scatter3A_519 = arith.constant 0 : i32
            %scatter3A_520 = arith.constant 0 : i32
            %scatter3A_521 = tpu.memref_slice %arg9[%scan3A_215, %scatter3A_519, %scatter3A_520] : memref<4x128x16xf32, #tpu.memory_space<vmem>> -> memref<1x128x16xf32, #tpu.memory_space<vmem>>
            %scatter3A_522 = tpu.memref_squeeze %scatter3A_521 : memref<1x128x16xf32, #tpu.memory_space<vmem>> -> memref<128x16xf32, #tpu.memory_space<vmem>>
            tpu.vector_store_idx %scatter3A_522[%add3A_473, %broadcast_in_dim3A_517], %mul3A_518 : memref<128x16xf32, #tpu.memory_space<vmem>>[vector<16xi32>, vector<16xi32>], vector<16xf32>,
            %get3A_523 = arith.constant 0 : i32
            %get3A_524 = arith.constant 3 : i32
            %get3A_525 = arith.index_cast %get3A_523 : i32 to index
            %get3A_526 = arith.index_cast %scan3A_215 : i32 to index
            %get3A_527 = arith.index_cast %get3A_524 : i32 to index
            %get3A_528 = arith.index_cast %mul3A_471 : i32 to index
            %get3A_529 = tpu.vector_load %arg6[%get3A_525, %get3A_526, %get3A_527, %get3A_528] {strides = array<i32>} : memref<2x4x16x128xf32, #tpu.memory_space<vmem>>, vector<16xf32>,
            %broadcast_in_dim3A_530 = arith.constant 3 : i32
            %broadcast_in_dim3A_531 = vector.broadcast %broadcast_in_dim3A_530 : i32 to vector<16xi32>
            %mul3A_532 = arith.mulf %get3A_529, %get3A_480 : vector<16xf32>
            %scatter3A_533 = arith.constant 0 : i32
            %scatter3A_534 = arith.constant 0 : i32
            %scatter3A_535 = tpu.memref_slice %arg9[%scan3A_215, %scatter3A_533, %scatter3A_534] : memref<4x128x16xf32, #tpu.memory_space<vmem>> -> memref<1x128x16xf32, #tpu.memory_space<vmem>>
            %scatter3A_536 = tpu.memref_squeeze %scatter3A_535 : memref<1x128x16xf32, #tpu.memory_space<vmem>> -> memref<128x16xf32, #tpu.memory_space<vmem>>
            tpu.vector_store_idx %scatter3A_536[%add3A_473, %broadcast_in_dim3A_531], %mul3A_532 : memref<128x16xf32, #tpu.memory_space<vmem>>[vector<16xi32>, vector<16xi32>], vector<16xf32>,
            %get3A_537 = arith.constant 0 : i32
            %get3A_538 = arith.constant 4 : i32
            %get3A_539 = arith.index_cast %get3A_537 : i32 to index
            %get3A_540 = arith.index_cast %scan3A_215 : i32 to index
            %get3A_541 = arith.index_cast %get3A_538 : i32 to index
            %get3A_542 = arith.index_cast %mul3A_471 : i32 to index
            %get3A_543 = tpu.vector_load %arg6[%get3A_539, %get3A_540, %get3A_541, %get3A_542] {strides = array<i32>} : memref<2x4x16x128xf32, #tpu.memory_space<vmem>>, vector<16xf32>,
            %broadcast_in_dim3A_544 = arith.constant 4 : i32
            %broadcast_in_dim3A_545 = vector.broadcast %broadcast_in_dim3A_544 : i32 to vector<16xi32>
            %mul3A_546 = arith.mulf %get3A_543, %get3A_480 : vector<16xf32>
            %scatter3A_547 = arith.constant 0 : i32
            %scatter3A_548 = arith.constant 0 : i32
            %scatter3A_549 = tpu.memref_slice %arg9[%scan3A_215, %scatter3A_547, %scatter3A_548] : memref<4x128x16xf32, #tpu.memory_space<vmem>> -> memref<1x128x16xf32, #tpu.memory_space<vmem>>
            %scatter3A_550 = tpu.memref_squeeze %scatter3A_549 : memref<1x128x16xf32, #tpu.memory_space<vmem>> -> memref<128x16xf32, #tpu.memory_space<vmem>>
            tpu.vector_store_idx %scatter3A_550[%add3A_473, %broadcast_in_dim3A_545], %mul3A_546 : memref<128x16xf32, #tpu.memory_space<vmem>>[vector<16xi32>, vector<16xi32>], vector<16xf32>,
            %get3A_551 = arith.constant 0 : i32
            %get3A_552 = arith.constant 5 : i32
            %get3A_553 = arith.index_cast %get3A_551 : i32 to index
            %get3A_554 = arith.index_cast %scan3A_215 : i32 to index
            %get3A_555 = arith.index_cast %get3A_552 : i32 to index
            %get3A_556 = arith.index_cast %mul3A_471 : i32 to index
            %get3A_557 = tpu.vector_load %arg6[%get3A_553, %get3A_554, %get3A_555, %get3A_556] {strides = array<i32>} : memref<2x4x16x128xf32, #tpu.memory_space<vmem>>, vector<16xf32>,
            %broadcast_in_dim3A_558 = arith.constant 5 : i32
            %broadcast_in_dim3A_559 = vector.broadcast %broadcast_in_dim3A_558 : i32 to vector<16xi32>
            %mul3A_560 = arith.mulf %get3A_557, %get3A_480 : vector<16xf32>
            %scatter3A_561 = arith.constant 0 : i32
            %scatter3A_562 = arith.constant 0 : i32
            %scatter3A_563 = tpu.memref_slice %arg9[%scan3A_215, %scatter3A_561, %scatter3A_562] : memref<4x128x16xf32, #tpu.memory_space<vmem>> -> memref<1x128x16xf32, #tpu.memory_space<vmem>>
            %scatter3A_564 = tpu.memref_squeeze %scatter3A_563 : memref<1x128x16xf32, #tpu.memory_space<vmem>> -> memref<128x16xf32, #tpu.memory_space<vmem>>
            tpu.vector_store_idx %scatter3A_564[%add3A_473, %broadcast_in_dim3A_559], %mul3A_560 : memref<128x16xf32, #tpu.memory_space<vmem>>[vector<16xi32>, vector<16xi32>], vector<16xf32>,
            %get3A_565 = arith.constant 0 : i32
            %get3A_566 = arith.constant 6 : i32
            %get3A_567 = arith.index_cast %get3A_565 : i32 to index
            %get3A_568 = arith.index_cast %scan3A_215 : i32 to index
            %get3A_569 = arith.index_cast %get3A_566 : i32 to index
            %get3A_570 = arith.index_cast %mul3A_471 : i32 to index
            %get3A_571 = tpu.vector_load %arg6[%get3A_567, %get3A_568, %get3A_569, %get3A_570] {strides = array<i32>} : memref<2x4x16x128xf32, #tpu.memory_space<vmem>>, vector<16xf32>,
            %broadcast_in_dim3A_572 = arith.constant 6 : i32
            %broadcast_in_dim3A_573 = vector.broadcast %broadcast_in_dim3A_572 : i32 to vector<16xi32>
            %mul3A_574 = arith.mulf %get3A_571, %get3A_480 : vector<16xf32>
            %scatter3A_575 = arith.constant 0 : i32
            %scatter3A_576 = arith.constant 0 : i32
            %scatter3A_577 = tpu.memref_slice %arg9[%scan3A_215, %scatter3A_575, %scatter3A_576] : memref<4x128x16xf32, #tpu.memory_space<vmem>> -> memref<1x128x16xf32, #tpu.memory_space<vmem>>
            %scatter3A_578 = tpu.memref_squeeze %scatter3A_577 : memref<1x128x16xf32, #tpu.memory_space<vmem>> -> memref<128x16xf32, #tpu.memory_space<vmem>>
            tpu.vector_store_idx %scatter3A_578[%add3A_473, %broadcast_in_dim3A_573], %mul3A_574 : memref<128x16xf32, #tpu.memory_space<vmem>>[vector<16xi32>, vector<16xi32>], vector<16xf32>,
            %get3A_579 = arith.constant 0 : i32
            %get3A_580 = arith.constant 7 : i32
            %get3A_581 = arith.index_cast %get3A_579 : i32 to index
            %get3A_582 = arith.index_cast %scan3A_215 : i32 to index
            %get3A_583 = arith.index_cast %get3A_580 : i32 to index
            %get3A_584 = arith.index_cast %mul3A_471 : i32 to index
            %get3A_585 = tpu.vector_load %arg6[%get3A_581, %get3A_582, %get3A_583, %get3A_584] {strides = array<i32>} : memref<2x4x16x128xf32, #tpu.memory_space<vmem>>, vector<16xf32>,
            %broadcast_in_dim3A_586 = arith.constant 7 : i32
            %broadcast_in_dim3A_587 = vector.broadcast %broadcast_in_dim3A_586 : i32 to vector<16xi32>
            %mul3A_588 = arith.mulf %get3A_585, %get3A_480 : vector<16xf32>
            %scatter3A_589 = arith.constant 0 : i32
            %scatter3A_590 = arith.constant 0 : i32
            %scatter3A_591 = tpu.memref_slice %arg9[%scan3A_215, %scatter3A_589, %scatter3A_590] : memref<4x128x16xf32, #tpu.memory_space<vmem>> -> memref<1x128x16xf32, #tpu.memory_space<vmem>>
            %scatter3A_592 = tpu.memref_squeeze %scatter3A_591 : memref<1x128x16xf32, #tpu.memory_space<vmem>> -> memref<128x16xf32, #tpu.memory_space<vmem>>
            tpu.vector_store_idx %scatter3A_592[%add3A_473, %broadcast_in_dim3A_587], %mul3A_588 : memref<128x16xf32, #tpu.memory_space<vmem>>[vector<16xi32>, vector<16xi32>], vector<16xf32>,
            %get3A_593 = arith.constant 0 : i32
            %get3A_594 = arith.constant 8 : i32
            %get3A_595 = arith.index_cast %get3A_593 : i32 to index
            %get3A_596 = arith.index_cast %scan3A_215 : i32 to index
            %get3A_597 = arith.index_cast %get3A_594 : i32 to index
            %get3A_598 = arith.index_cast %mul3A_471 : i32 to index
            %get3A_599 = tpu.vector_load %arg6[%get3A_595, %get3A_596, %get3A_597, %get3A_598] {strides = array<i32>} : memref<2x4x16x128xf32, #tpu.memory_space<vmem>>, vector<16xf32>,
            %broadcast_in_dim3A_600 = arith.constant 8 : i32
            %broadcast_in_dim3A_601 = vector.broadcast %broadcast_in_dim3A_600 : i32 to vector<16xi32>
            %mul3A_602 = arith.mulf %get3A_599, %get3A_480 : vector<16xf32>
            %scatter3A_603 = arith.constant 0 : i32
            %scatter3A_604 = arith.constant 0 : i32
            %scatter3A_605 = tpu.memref_slice %arg9[%scan3A_215, %scatter3A_603, %scatter3A_604] : memref<4x128x16xf32, #tpu.memory_space<vmem>> -> memref<1x128x16xf32, #tpu.memory_space<vmem>>
            %scatter3A_606 = tpu.memref_squeeze %scatter3A_605 : memref<1x128x16xf32, #tpu.memory_space<vmem>> -> memref<128x16xf32, #tpu.memory_space<vmem>>
            tpu.vector_store_idx %scatter3A_606[%add3A_473, %broadcast_in_dim3A_601], %mul3A_602 : memref<128x16xf32, #tpu.memory_space<vmem>>[vector<16xi32>, vector<16xi32>], vector<16xf32>,
            %get3A_607 = arith.constant 0 : i32
            %get3A_608 = arith.constant 9 : i32
            %get3A_609 = arith.index_cast %get3A_607 : i32 to index
            %get3A_610 = arith.index_cast %scan3A_215 : i32 to index
            %get3A_611 = arith.index_cast %get3A_608 : i32 to index
            %get3A_612 = arith.index_cast %mul3A_471 : i32 to index
            %get3A_613 = tpu.vector_load %arg6[%get3A_609, %get3A_610, %get3A_611, %get3A_612] {strides = array<i32>} : memref<2x4x16x128xf32, #tpu.memory_space<vmem>>, vector<16xf32>,
            %broadcast_in_dim3A_614 = arith.constant 9 : i32
            %broadcast_in_dim3A_615 = vector.broadcast %broadcast_in_dim3A_614 : i32 to vector<16xi32>
            %mul3A_616 = arith.mulf %get3A_613, %get3A_480 : vector<16xf32>
            %scatter3A_617 = arith.constant 0 : i32
            %scatter3A_618 = arith.constant 0 : i32
            %scatter3A_619 = tpu.memref_slice %arg9[%scan3A_215, %scatter3A_617, %scatter3A_618] : memref<4x128x16xf32, #tpu.memory_space<vmem>> -> memref<1x128x16xf32, #tpu.memory_space<vmem>>
            %scatter3A_620 = tpu.memref_squeeze %scatter3A_619 : memref<1x128x16xf32, #tpu.memory_space<vmem>> -> memref<128x16xf32, #tpu.memory_space<vmem>>
            tpu.vector_store_idx %scatter3A_620[%add3A_473, %broadcast_in_dim3A_615], %mul3A_616 : memref<128x16xf32, #tpu.memory_space<vmem>>[vector<16xi32>, vector<16xi32>], vector<16xf32>,
            %get3A_621 = arith.constant 0 : i32
            %get3A_622 = arith.constant 10 : i32
            %get3A_623 = arith.index_cast %get3A_621 : i32 to index
            %get3A_624 = arith.index_cast %scan3A_215 : i32 to index
            %get3A_625 = arith.index_cast %get3A_622 : i32 to index
            %get3A_626 = arith.index_cast %mul3A_471 : i32 to index
            %get3A_627 = tpu.vector_load %arg6[%get3A_623, %get3A_624, %get3A_625, %get3A_626] {strides = array<i32>} : memref<2x4x16x128xf32, #tpu.memory_space<vmem>>, vector<16xf32>,
            %broadcast_in_dim3A_628 = arith.constant 10 : i32
            %broadcast_in_dim3A_629 = vector.broadcast %broadcast_in_dim3A_628 : i32 to vector<16xi32>
            %mul3A_630 = arith.mulf %get3A_627, %get3A_480 : vector<16xf32>
            %scatter3A_631 = arith.constant 0 : i32
            %scatter3A_632 = arith.constant 0 : i32
            %scatter3A_633 = tpu.memref_slice %arg9[%scan3A_215, %scatter3A_631, %scatter3A_632] : memref<4x128x16xf32, #tpu.memory_space<vmem>> -> memref<1x128x16xf32, #tpu.memory_space<vmem>>
            %scatter3A_634 = tpu.memref_squeeze %scatter3A_633 : memref<1x128x16xf32, #tpu.memory_space<vmem>> -> memref<128x16xf32, #tpu.memory_space<vmem>>
            tpu.vector_store_idx %scatter3A_634[%add3A_473, %broadcast_in_dim3A_629], %mul3A_630 : memref<128x16xf32, #tpu.memory_space<vmem>>[vector<16xi32>, vector<16xi32>], vector<16xf32>,
            %get3A_635 = arith.constant 0 : i32
            %get3A_636 = arith.constant 11 : i32
            %get3A_637 = arith.index_cast %get3A_635 : i32 to index
            %get3A_638 = arith.index_cast %scan3A_215 : i32 to index
            %get3A_639 = arith.index_cast %get3A_636 : i32 to index
            %get3A_640 = arith.index_cast %mul3A_471 : i32 to index
            %get3A_641 = tpu.vector_load %arg6[%get3A_637, %get3A_638, %get3A_639, %get3A_640] {strides = array<i32>} : memref<2x4x16x128xf32, #tpu.memory_space<vmem>>, vector<16xf32>,
            %broadcast_in_dim3A_642 = arith.constant 11 : i32
            %broadcast_in_dim3A_643 = vector.broadcast %broadcast_in_dim3A_642 : i32 to vector<16xi32>
            %mul3A_644 = arith.mulf %get3A_641, %get3A_480 : vector<16xf32>
            %scatter3A_645 = arith.constant 0 : i32
            %scatter3A_646 = arith.constant 0 : i32
            %scatter3A_647 = tpu.memref_slice %arg9[%scan3A_215, %scatter3A_645, %scatter3A_646] : memref<4x128x16xf32, #tpu.memory_space<vmem>> -> memref<1x128x16xf32, #tpu.memory_space<vmem>>
            %scatter3A_648 = tpu.memref_squeeze %scatter3A_647 : memref<1x128x16xf32, #tpu.memory_space<vmem>> -> memref<128x16xf32, #tpu.memory_space<vmem>>
            tpu.vector_store_idx %scatter3A_648[%add3A_473, %broadcast_in_dim3A_643], %mul3A_644 : memref<128x16xf32, #tpu.memory_space<vmem>>[vector<16xi32>, vector<16xi32>], vector<16xf32>,
            %get3A_649 = arith.constant 0 : i32
            %get3A_650 = arith.constant 12 : i32
            %get3A_651 = arith.index_cast %get3A_649 : i32 to index
            %get3A_652 = arith.index_cast %scan3A_215 : i32 to index
            %get3A_653 = arith.index_cast %get3A_650 : i32 to index
            %get3A_654 = arith.index_cast %mul3A_471 : i32 to index
            %get3A_655 = tpu.vector_load %arg6[%get3A_651, %get3A_652, %get3A_653, %get3A_654] {strides = array<i32>} : memref<2x4x16x128xf32, #tpu.memory_space<vmem>>, vector<16xf32>,
            %broadcast_in_dim3A_656 = arith.constant 12 : i32
            %broadcast_in_dim3A_657 = vector.broadcast %broadcast_in_dim3A_656 : i32 to vector<16xi32>
            %mul3A_658 = arith.mulf %get3A_655, %get3A_480 : vector<16xf32>
            %scatter3A_659 = arith.constant 0 : i32
            %scatter3A_660 = arith.constant 0 : i32
            %scatter3A_661 = tpu.memref_slice %arg9[%scan3A_215, %scatter3A_659, %scatter3A_660] : memref<4x128x16xf32, #tpu.memory_space<vmem>> -> memref<1x128x16xf32, #tpu.memory_space<vmem>>
            %scatter3A_662 = tpu.memref_squeeze %scatter3A_661 : memref<1x128x16xf32, #tpu.memory_space<vmem>> -> memref<128x16xf32, #tpu.memory_space<vmem>>
            tpu.vector_store_idx %scatter3A_662[%add3A_473, %broadcast_in_dim3A_657], %mul3A_658 : memref<128x16xf32, #tpu.memory_space<vmem>>[vector<16xi32>, vector<16xi32>], vector<16xf32>,
            %get3A_663 = arith.constant 0 : i32
            %get3A_664 = arith.constant 13 : i32
            %get3A_665 = arith.index_cast %get3A_663 : i32 to index
            %get3A_666 = arith.index_cast %scan3A_215 : i32 to index
            %get3A_667 = arith.index_cast %get3A_664 : i32 to index
            %get3A_668 = arith.index_cast %mul3A_471 : i32 to index
            %get3A_669 = tpu.vector_load %arg6[%get3A_665, %get3A_666, %get3A_667, %get3A_668] {strides = array<i32>} : memref<2x4x16x128xf32, #tpu.memory_space<vmem>>, vector<16xf32>,
            %broadcast_in_dim3A_670 = arith.constant 13 : i32
            %broadcast_in_dim3A_671 = vector.broadcast %broadcast_in_dim3A_670 : i32 to vector<16xi32>
            %mul3A_672 = arith.mulf %get3A_669, %get3A_480 : vector<16xf32>
            %scatter3A_673 = arith.constant 0 : i32
            %scatter3A_674 = arith.constant 0 : i32
            %scatter3A_675 = tpu.memref_slice %arg9[%scan3A_215, %scatter3A_673, %scatter3A_674] : memref<4x128x16xf32, #tpu.memory_space<vmem>> -> memref<1x128x16xf32, #tpu.memory_space<vmem>>
            %scatter3A_676 = tpu.memref_squeeze %scatter3A_675 : memref<1x128x16xf32, #tpu.memory_space<vmem>> -> memref<128x16xf32, #tpu.memory_space<vmem>>
            tpu.vector_store_idx %scatter3A_676[%add3A_473, %broadcast_in_dim3A_671], %mul3A_672 : memref<128x16xf32, #tpu.memory_space<vmem>>[vector<16xi32>, vector<16xi32>], vector<16xf32>,
            %get3A_677 = arith.constant 0 : i32
            %get3A_678 = arith.constant 14 : i32
            %get3A_679 = arith.index_cast %get3A_677 : i32 to index
            %get3A_680 = arith.index_cast %scan3A_215 : i32 to index
            %get3A_681 = arith.index_cast %get3A_678 : i32 to index
            %get3A_682 = arith.index_cast %mul3A_471 : i32 to index
            %get3A_683 = tpu.vector_load %arg6[%get3A_679, %get3A_680, %get3A_681, %get3A_682] {strides = array<i32>} : memref<2x4x16x128xf32, #tpu.memory_space<vmem>>, vector<16xf32>,
            %broadcast_in_dim3A_684 = arith.constant 14 : i32
            %broadcast_in_dim3A_685 = vector.broadcast %broadcast_in_dim3A_684 : i32 to vector<16xi32>
            %mul3A_686 = arith.mulf %get3A_683, %get3A_480 : vector<16xf32>
            %scatter3A_687 = arith.constant 0 : i32
            %scatter3A_688 = arith.constant 0 : i32
            %scatter3A_689 = tpu.memref_slice %arg9[%scan3A_215, %scatter3A_687, %scatter3A_688] : memref<4x128x16xf32, #tpu.memory_space<vmem>> -> memref<1x128x16xf32, #tpu.memory_space<vmem>>
            %scatter3A_690 = tpu.memref_squeeze %scatter3A_689 : memref<1x128x16xf32, #tpu.memory_space<vmem>> -> memref<128x16xf32, #tpu.memory_space<vmem>>
            tpu.vector_store_idx %scatter3A_690[%add3A_473, %broadcast_in_dim3A_685], %mul3A_686 : memref<128x16xf32, #tpu.memory_space<vmem>>[vector<16xi32>, vector<16xi32>], vector<16xf32>,
            %get3A_691 = arith.constant 0 : i32
            %get3A_692 = arith.constant 15 : i32
            %get3A_693 = arith.index_cast %get3A_691 : i32 to index
            %get3A_694 = arith.index_cast %scan3A_215 : i32 to index
            %get3A_695 = arith.index_cast %get3A_692 : i32 to index
            %get3A_696 = arith.index_cast %mul3A_471 : i32 to index
            %get3A_697 = tpu.vector_load %arg6[%get3A_693, %get3A_694, %get3A_695, %get3A_696] {strides = array<i32>} : memref<2x4x16x128xf32, #tpu.memory_space<vmem>>, vector<16xf32>,
            %broadcast_in_dim3A_698 = arith.constant 15 : i32
            %broadcast_in_dim3A_699 = vector.broadcast %broadcast_in_dim3A_698 : i32 to vector<16xi32>
            %mul3A_700 = arith.mulf %get3A_697, %get3A_480 : vector<16xf32>
            %scatter3A_701 = arith.constant 0 : i32
            %scatter3A_702 = arith.constant 0 : i32
            %scatter3A_703 = tpu.memref_slice %arg9[%scan3A_215, %scatter3A_701, %scatter3A_702] : memref<4x128x16xf32, #tpu.memory_space<vmem>> -> memref<1x128x16xf32, #tpu.memory_space<vmem>>
            %scatter3A_704 = tpu.memref_squeeze %scatter3A_703 : memref<1x128x16xf32, #tpu.memory_space<vmem>> -> memref<128x16xf32, #tpu.memory_space<vmem>>
            tpu.vector_store_idx %scatter3A_704[%add3A_473, %broadcast_in_dim3A_699], %mul3A_700 : memref<128x16xf32, #tpu.memory_space<vmem>>[vector<16xi32>, vector<16xi32>], vector<16xf32>,
          }
          %scan3A_221 = arith.constant 8 : i32
          %dma_start3A_222 = arith.constant 0 : i32
          %dma_start3A_223 = arith.constant 1 : i32
          %dma_start3A_224 = arith.constant 0 : i32
          %dma_start3A_225 = arith.constant 0 : i32
          %dma_start3A_226 = tpu.memref_slice %arg9[%scan3A_215, %dma_start3A_224, %dma_start3A_225] : memref<4x128x16xf32, #tpu.memory_space<vmem>> -> memref<1x128x16xf32, #tpu.memory_space<vmem>>
          %dma_start3A_227 = tpu.memref_squeeze %dma_start3A_226 : memref<1x128x16xf32, #tpu.memory_space<vmem>> -> memref<128x16xf32, #tpu.memory_space<vmem>>
          %dma_start3A_228 = arith.constant 0 : i32
          %dma_start3A_229 = tpu.memref_slice %arg8[%dma_start3A_222, %scan3A_215, %dma_start3A_223, %dma_start3A_228] : memref<2x4x2x128xi32, #tpu.memory_space<vmem>> -> memref<1x1x1x128xi32, #tpu.memory_space<vmem>>
          %dma_start3A_230 = tpu.memref_squeeze %dma_start3A_229 : memref<1x1x1x128xi32, #tpu.memory_space<vmem>> -> memref<128xi32, #tpu.memory_space<vmem>>
          %dma_start3A_231 = arith.constant 0 : i32
          %dma_start3A_232 = arith.constant 0 : i32
          %dma_start3A_233 = tpu.memref_slice %arg10[%dma_start3A_231, %dma_start3A_232] : memref<100000x16xf32, #tpu.memory_space<vmem_shared>> -> memref<100000x16xf32, #tpu.memory_space<vmem_shared>>
          tpu.enqueue_indirect_dma source(%dma_start3A_227 : memref<128x16xf32, #tpu.memory_space<vmem>>) target(%dma_start3A_233 : memref<100000x16xf32, #tpu.memory_space<vmem_shared>>) offsets(%dma_start3A_230 : memref<128xi32, #tpu.memory_space<vmem>>) semaphore(%arg13 : memref<!tpu.dma_semaphore, #tpu.memory_space<semaphore_mem>>) {add = true}
        }
        %scan3A_208 = arith.constant 4 : i32
        %scan3A_209 = arith.constant 0 : i32
        %scan3A_210 = arith.constant 0 : i32
        %scan3A_211 = arith.constant 4 : i32
        %scan3A_212 = arith.addi %scan3A_210, %scan3A_211 : i32
        %scan3A_213 = arith.constant 1 : i32
        scf.for %scan3A_215 = %scan3A_210 to %scan3A_212 step %scan3A_213  : i32 {
          %dma_wait3A_216 = arith.constant 0 : i32
          %dma_wait3A_217 = arith.constant 1 : i32
          %dma_wait3A_218 = arith.constant 0 : i32
          %dma_wait3A_219 = arith.constant 0 : i32
          %dma_wait3A_220 = tpu.memref_slice %arg9[%scan3A_215, %dma_wait3A_218, %dma_wait3A_219] : memref<4x128x16xf32, #tpu.memory_space<vmem>> -> memref<1x128x16xf32, #tpu.memory_space<vmem>>
          %dma_wait3A_221 = tpu.memref_squeeze %dma_wait3A_220 : memref<1x128x16xf32, #tpu.memory_space<vmem>> -> memref<128x16xf32, #tpu.memory_space<vmem>>
          %dma_wait3A_222 = arith.constant 0 : i32
          %dma_wait3A_223 = tpu.memref_slice %arg8[%dma_wait3A_216, %scan3A_215, %dma_wait3A_217, %dma_wait3A_222] : memref<2x4x2x128xi32, #tpu.memory_space<vmem>> -> memref<1x1x1x128xi32, #tpu.memory_space<vmem>>
          %dma_wait3A_224 = tpu.memref_squeeze %dma_wait3A_223 : memref<1x1x1x128xi32, #tpu.memory_space<vmem>> -> memref<128xi32, #tpu.memory_space<vmem>>
          %dma_wait3A_225 = arith.constant 0 : i32
          %dma_wait3A_226 = arith.constant 0 : i32
          %dma_wait3A_227 = tpu.memref_slice %arg10[%dma_wait3A_225, %dma_wait3A_226] : memref<100000x16xf32, #tpu.memory_space<vmem_shared>> -> memref<100000x16xf32, #tpu.memory_space<vmem_shared>>
          tpu.wait_indirect_dma semaphore(%arg13 : memref<!tpu.dma_semaphore, #tpu.memory_space<semaphore_mem>>) src(%dma_wait3A_221 : memref<128x16xf32, #tpu.memory_space<vmem>>) dst(%dma_wait3A_227 : memref<100000x16xf32, #tpu.memory_space<vmem_shared>>)
        }
        %scan3A_214 = arith.constant 4 : i32
      } else {
      }
      %mul3A_115 = arith.constant 2 : i32
      %mul3A_116 = arith.muli %mul3A_115, %scan3A_103 : i32
      %add3A_117 = arith.constant 1 : i32
      %add3A_118 = arith.addi %mul3A_116, %add3A_117 : i32
      %mul3A_119 = arith.constant 32 : i32
      %mul3A_120 = arith.muli %add3A_118, %mul3A_119 : i32
      %add3A_121 = arith.addi %add3A, %mul3A_120 : i32
      %add3A_122 = arith.constant 32 : i32
      %add3A_123 = arith.addi %add3A_121, %add3A_122 : i32
      %lt3A_124 = arith.constant 6250 : i32
      %lt3A_125 = arith.cmpi slt, %add3A_121, %lt3A_124 : i32
      %convert_element_type3A_126 = arith.extui %lt3A_125 : i1 to i32
      %cond3A_127 = arith.constant 0 : i32
      %cond3A_128 = arith.cmpi ne, %convert_element_type3A_126, %cond3A_127 : i32
      scf.if %cond3A_128 {
        %mul3A_129 = arith.constant 4 : i32
        %mul3A_130 = arith.muli %add3A_121, %mul3A_129 : i32
        %mul3A_131 = arith.constant 512 : i32
        %mul3A_132 = arith.muli %add3A_121, %mul3A_131 : i32
        %dma_wait3A = arith.constant 0 : i32
        %dma_wait3A_133 = arith.constant 1 : i32
        %dma_wait3A_134 = arith.constant 0 : i32
        %dma_wait3A_135 = arith.constant 0 : i32
        %dma_wait3A_136 = arith.constant 0 : i32
        %dma_wait3A_137 = tpu.memref_slice %arg6[%dma_wait3A_133, %dma_wait3A_134, %dma_wait3A_135, %dma_wait3A_136] : memref<2x4x16x128xf32, #tpu.memory_space<vmem>> -> memref<1x4x8x128xf32, #tpu.memory_space<vmem>>
        %dma_wait3A_138 = tpu.memref_squeeze %dma_wait3A_137 : memref<1x4x8x128xf32, #tpu.memory_space<vmem>> -> memref<4x8x128xf32, #tpu.memory_space<vmem>>
        %dma_wait3A_139 = arith.constant 0 : i32
        %dma_wait3A_140 = arith.constant 0 : i32
        %dma_wait3A_141 = tpu.memref_slice %arg2[%dma_wait3A, %mul3A_130, %dma_wait3A_139, %dma_wait3A_140] : memref<2x25000x8x128xf32, #tpu.memory_space<hbm>> -> memref<1x4x8x128xf32, #tpu.memory_space<hbm>>
        %dma_wait3A_142 = tpu.memref_squeeze %dma_wait3A_141 : memref<1x4x8x128xf32, #tpu.memory_space<hbm>> -> memref<4x8x128xf32, #tpu.memory_space<hbm>>
        %dma_wait3A_143 = arith.constant 0 : i32
        %dma_wait3A_144 = arith.constant 0 : i32
        %dma_wait3A_145 = arith.constant 0 : i32
        %dma_wait3A_146 = tpu.memref_slice %arg6[%dma_wait3A_133, %dma_wait3A_143, %dma_wait3A_144, %dma_wait3A_145] : memref<2x4x16x128xf32, #tpu.memory_space<vmem>> -> memref<1x4x8x128xf32, #tpu.memory_space<vmem>>
        %dma_wait3A_147 = tpu.memref_squeeze %dma_wait3A_146 : memref<1x4x8x128xf32, #tpu.memory_space<vmem>> -> memref<4x8x128xf32, #tpu.memory_space<vmem>>
        %dma_wait3A_148 = arith.constant 0 : i32
        %dma_wait3A_149 = arith.constant 0 : i32
        %dma_wait3A_150 = tpu.memref_slice %arg2[%dma_wait3A, %mul3A_130, %dma_wait3A_148, %dma_wait3A_149] : memref<2x25000x8x128xf32, #tpu.memory_space<hbm>> -> memref<1x4x8x128xf32, #tpu.memory_space<hbm>>
        %dma_wait3A_151 = tpu.memref_squeeze %dma_wait3A_150 : memref<1x4x8x128xf32, #tpu.memory_space<hbm>> -> memref<4x8x128xf32, #tpu.memory_space<hbm>>
        tpu.wait_dma2 semaphore(%arg12 : memref<!tpu.dma_semaphore, #tpu.memory_space<semaphore_mem>>) src(%dma_wait3A_151 : memref<4x8x128xf32, #tpu.memory_space<hbm>>) dst(%dma_wait3A_147 : memref<4x8x128xf32, #tpu.memory_space<vmem>>)
        %dma_wait3A_152 = arith.constant 1 : i32
        %dma_wait3A_153 = arith.constant 1 : i32
        %dma_wait3A_154 = arith.constant 0 : i32
        %dma_wait3A_155 = arith.constant 8 : i32
        %dma_wait3A_156 = arith.constant 0 : i32
        %dma_wait3A_157 = tpu.memref_slice %arg6[%dma_wait3A_153, %dma_wait3A_154, %dma_wait3A_155, %dma_wait3A_156] : memref<2x4x16x128xf32, #tpu.memory_space<vmem>> -> memref<1x4x8x128xf32, #tpu.memory_space<vmem>>
        %dma_wait3A_158 = tpu.memref_squeeze %dma_wait3A_157 : memref<1x4x8x128xf32, #tpu.memory_space<vmem>> -> memref<4x8x128xf32, #tpu.memory_space<vmem>>
        %dma_wait3A_159 = arith.constant 0 : i32
        %dma_wait3A_160 = arith.constant 0 : i32
        %dma_wait3A_161 = tpu.memref_slice %arg2[%dma_wait3A_152, %mul3A_130, %dma_wait3A_159, %dma_wait3A_160] : memref<2x25000x8x128xf32, #tpu.memory_space<hbm>> -> memref<1x4x8x128xf32, #tpu.memory_space<hbm>>
        %dma_wait3A_162 = tpu.memref_squeeze %dma_wait3A_161 : memref<1x4x8x128xf32, #tpu.memory_space<hbm>> -> memref<4x8x128xf32, #tpu.memory_space<hbm>>
        %dma_wait3A_163 = arith.constant 0 : i32
        %dma_wait3A_164 = arith.constant 8 : i32
        %dma_wait3A_165 = arith.constant 0 : i32
        %dma_wait3A_166 = tpu.memref_slice %arg6[%dma_wait3A_153, %dma_wait3A_163, %dma_wait3A_164, %dma_wait3A_165] : memref<2x4x16x128xf32, #tpu.memory_space<vmem>> -> memref<1x4x8x128xf32, #tpu.memory_space<vmem>>
        %dma_wait3A_167 = tpu.memref_squeeze %dma_wait3A_166 : memref<1x4x8x128xf32, #tpu.memory_space<vmem>> -> memref<4x8x128xf32, #tpu.memory_space<vmem>>
        %dma_wait3A_168 = arith.constant 0 : i32
        %dma_wait3A_169 = arith.constant 0 : i32
        %dma_wait3A_170 = tpu.memref_slice %arg2[%dma_wait3A_152, %mul3A_130, %dma_wait3A_168, %dma_wait3A_169] : memref<2x25000x8x128xf32, #tpu.memory_space<hbm>> -> memref<1x4x8x128xf32, #tpu.memory_space<hbm>>
        %dma_wait3A_171 = tpu.memref_squeeze %dma_wait3A_170 : memref<1x4x8x128xf32, #tpu.memory_space<hbm>> -> memref<4x8x128xf32, #tpu.memory_space<hbm>>
        tpu.wait_dma2 semaphore(%arg12 : memref<!tpu.dma_semaphore, #tpu.memory_space<semaphore_mem>>) src(%dma_wait3A_171 : memref<4x8x128xf32, #tpu.memory_space<hbm>>) dst(%dma_wait3A_167 : memref<4x8x128xf32, #tpu.memory_space<vmem>>)
        %dma_wait3A_172 = arith.constant 1 : i32
        %dma_wait3A_173 = arith.constant 0 : i32
        %dma_wait3A_174 = tpu.memref_slice %arg7[%dma_wait3A_172, %dma_wait3A_173] : memref<2x512xf32, #tpu.memory_space<vmem>> -> memref<1x512xf32, #tpu.memory_space<vmem>>
        %dma_wait3A_175 = tpu.memref_squeeze %dma_wait3A_174 : memref<1x512xf32, #tpu.memory_space<vmem>> -> memref<512xf32, #tpu.memory_space<vmem>>
        %dma_wait3A_176 = tpu.memref_slice %arg3[%mul3A_132] : memref<3200000xf32, #tpu.memory_space<hbm>> -> memref<512xf32, #tpu.memory_space<hbm>>
        %dma_wait3A_177 = arith.constant 0 : i32
        %dma_wait3A_178 = tpu.memref_slice %arg7[%dma_wait3A_172, %dma_wait3A_177] : memref<2x512xf32, #tpu.memory_space<vmem>> -> memref<1x512xf32, #tpu.memory_space<vmem>>
        %dma_wait3A_179 = tpu.memref_squeeze %dma_wait3A_178 : memref<1x512xf32, #tpu.memory_space<vmem>> -> memref<512xf32, #tpu.memory_space<vmem>>
        %dma_wait3A_180 = tpu.memref_slice %arg3[%mul3A_132] : memref<3200000xf32, #tpu.memory_space<hbm>> -> memref<512xf32, #tpu.memory_space<hbm>>
        tpu.wait_dma2 semaphore(%arg12 : memref<!tpu.dma_semaphore, #tpu.memory_space<semaphore_mem>>) src(%dma_wait3A_180 : memref<512xf32, #tpu.memory_space<hbm>>) dst(%dma_wait3A_179 : memref<512xf32, #tpu.memory_space<vmem>>)
        %dma_wait3A_181 = arith.constant 1 : i32
        %dma_wait3A_182 = arith.constant 0 : i32
        %dma_wait3A_183 = arith.constant 0 : i32
        %dma_wait3A_184 = arith.constant 0 : i32
        %dma_wait3A_185 = tpu.memref_slice %arg8[%dma_wait3A_181, %dma_wait3A_182, %dma_wait3A_183, %dma_wait3A_184] : memref<2x4x2x128xi32, #tpu.memory_space<vmem>> -> memref<1x4x2x128xi32, #tpu.memory_space<vmem>>
        %dma_wait3A_186 = tpu.memref_squeeze %dma_wait3A_185 : memref<1x4x2x128xi32, #tpu.memory_space<vmem>> -> memref<4x2x128xi32, #tpu.memory_space<vmem>>
        %dma_wait3A_187 = arith.constant 0 : i32
        %dma_wait3A_188 = arith.constant 0 : i32
        %dma_wait3A_189 = tpu.memref_slice %arg4[%mul3A_130, %dma_wait3A_187, %dma_wait3A_188] : memref<25000x2x128xi32, #tpu.memory_space<hbm>> -> memref<4x2x128xi32, #tpu.memory_space<hbm>>
        %dma_wait3A_190 = arith.constant 0 : i32
        %dma_wait3A_191 = arith.constant 0 : i32
        %dma_wait3A_192 = arith.constant 0 : i32
        %dma_wait3A_193 = tpu.memref_slice %arg8[%dma_wait3A_181, %dma_wait3A_190, %dma_wait3A_191, %dma_wait3A_192] : memref<2x4x2x128xi32, #tpu.memory_space<vmem>> -> memref<1x4x2x128xi32, #tpu.memory_space<vmem>>
        %dma_wait3A_194 = tpu.memref_squeeze %dma_wait3A_193 : memref<1x4x2x128xi32, #tpu.memory_space<vmem>> -> memref<4x2x128xi32, #tpu.memory_space<vmem>>
        %dma_wait3A_195 = arith.constant 0 : i32
        %dma_wait3A_196 = arith.constant 0 : i32
        %dma_wait3A_197 = tpu.memref_slice %arg4[%mul3A_130, %dma_wait3A_195, %dma_wait3A_196] : memref<25000x2x128xi32, #tpu.memory_space<hbm>> -> memref<4x2x128xi32, #tpu.memory_space<hbm>>
        tpu.wait_dma2 semaphore(%arg12 : memref<!tpu.dma_semaphore, #tpu.memory_space<semaphore_mem>>) src(%dma_wait3A_197 : memref<4x2x128xi32, #tpu.memory_space<hbm>>) dst(%dma_wait3A_194 : memref<4x2x128xi32, #tpu.memory_space<vmem>>)
        %lt3A_198 = arith.constant 6250 : i32
        %lt3A_199 = arith.cmpi slt, %add3A_123, %lt3A_198 : i32
        %convert_element_type3A_200 = arith.extui %lt3A_199 : i1 to i32
        %cond3A_201 = arith.constant 0 : i32
        %cond3A_202 = arith.cmpi ne, %convert_element_type3A_200, %cond3A_201 : i32
        scf.if %cond3A_202 {
          %mul3A_215 = arith.constant 4 : i32
          %mul3A_216 = arith.muli %add3A_123, %mul3A_215 : i32
          %mul3A_217 = arith.constant 512 : i32
          %mul3A_218 = arith.muli %add3A_123, %mul3A_217 : i32
          %dma_start3A_219 = arith.constant 0 : i32
          %dma_start3A_220 = arith.constant 0 : i32
          %dma_start3A_221 = arith.constant 0 : i32
          %dma_start3A_222 = arith.constant 0 : i32
          %dma_start3A_223 = arith.constant 0 : i32
          %dma_start3A_224 = tpu.memref_slice %arg6[%dma_start3A_220, %dma_start3A_221, %dma_start3A_222, %dma_start3A_223] : memref<2x4x16x128xf32, #tpu.memory_space<vmem>> -> memref<1x4x8x128xf32, #tpu.memory_space<vmem>>
          %dma_start3A_225 = tpu.memref_squeeze %dma_start3A_224 : memref<1x4x8x128xf32, #tpu.memory_space<vmem>> -> memref<4x8x128xf32, #tpu.memory_space<vmem>>
          %dma_start3A_226 = arith.constant 0 : i32
          %dma_start3A_227 = arith.constant 0 : i32
          %dma_start3A_228 = tpu.memref_slice %arg2[%dma_start3A_219, %mul3A_216, %dma_start3A_226, %dma_start3A_227] : memref<2x25000x8x128xf32, #tpu.memory_space<hbm>> -> memref<1x4x8x128xf32, #tpu.memory_space<hbm>>
          %dma_start3A_229 = tpu.memref_squeeze %dma_start3A_228 : memref<1x4x8x128xf32, #tpu.memory_space<hbm>> -> memref<4x8x128xf32, #tpu.memory_space<hbm>>
          %dma_start3A_230 = arith.constant 0 : i32
          %dma_start3A_231 = arith.constant 0 : i32
          %dma_start3A_232 = arith.constant 0 : i32
          %dma_start3A_233 = tpu.memref_slice %arg6[%dma_start3A_220, %dma_start3A_230, %dma_start3A_231, %dma_start3A_232] : memref<2x4x16x128xf32, #tpu.memory_space<vmem>> -> memref<1x4x8x128xf32, #tpu.memory_space<vmem>>
          %dma_start3A_234 = tpu.memref_squeeze %dma_start3A_233 : memref<1x4x8x128xf32, #tpu.memory_space<vmem>> -> memref<4x8x128xf32, #tpu.memory_space<vmem>>
          %dma_start3A_235 = arith.constant 0 : i32
          %dma_start3A_236 = arith.constant 0 : i32
          %dma_start3A_237 = tpu.memref_slice %arg2[%dma_start3A_219, %mul3A_216, %dma_start3A_235, %dma_start3A_236] : memref<2x25000x8x128xf32, #tpu.memory_space<hbm>> -> memref<1x4x8x128xf32, #tpu.memory_space<hbm>>
          %dma_start3A_238 = tpu.memref_squeeze %dma_start3A_237 : memref<1x4x8x128xf32, #tpu.memory_space<hbm>> -> memref<4x8x128xf32, #tpu.memory_space<hbm>>
          tpu.enqueue_dma source(%dma_start3A_238 : memref<4x8x128xf32, #tpu.memory_space<hbm>>) target(%dma_start3A_234 : memref<4x8x128xf32, #tpu.memory_space<vmem>>) target_semaphore(%arg11 : memref<!tpu.dma_semaphore, #tpu.memory_space<semaphore_mem>>)
          %dma_start3A_239 = arith.constant 1 : i32
          %dma_start3A_240 = arith.constant 0 : i32
          %dma_start3A_241 = arith.constant 0 : i32
          %dma_start3A_242 = arith.constant 8 : i32
          %dma_start3A_243 = arith.constant 0 : i32
          %dma_start3A_244 = tpu.memref_slice %arg6[%dma_start3A_240, %dma_start3A_241, %dma_start3A_242, %dma_start3A_243] : memref<2x4x16x128xf32, #tpu.memory_space<vmem>> -> memref<1x4x8x128xf32, #tpu.memory_space<vmem>>
          %dma_start3A_245 = tpu.memref_squeeze %dma_start3A_244 : memref<1x4x8x128xf32, #tpu.memory_space<vmem>> -> memref<4x8x128xf32, #tpu.memory_space<vmem>>
          %dma_start3A_246 = arith.constant 0 : i32
          %dma_start3A_247 = arith.constant 0 : i32
          %dma_start3A_248 = tpu.memref_slice %arg2[%dma_start3A_239, %mul3A_216, %dma_start3A_246, %dma_start3A_247] : memref<2x25000x8x128xf32, #tpu.memory_space<hbm>> -> memref<1x4x8x128xf32, #tpu.memory_space<hbm>>
          %dma_start3A_249 = tpu.memref_squeeze %dma_start3A_248 : memref<1x4x8x128xf32, #tpu.memory_space<hbm>> -> memref<4x8x128xf32, #tpu.memory_space<hbm>>
          %dma_start3A_250 = arith.constant 0 : i32
          %dma_start3A_251 = arith.constant 8 : i32
          %dma_start3A_252 = arith.constant 0 : i32
          %dma_start3A_253 = tpu.memref_slice %arg6[%dma_start3A_240, %dma_start3A_250, %dma_start3A_251, %dma_start3A_252] : memref<2x4x16x128xf32, #tpu.memory_space<vmem>> -> memref<1x4x8x128xf32, #tpu.memory_space<vmem>>
          %dma_start3A_254 = tpu.memref_squeeze %dma_start3A_253 : memref<1x4x8x128xf32, #tpu.memory_space<vmem>> -> memref<4x8x128xf32, #tpu.memory_space<vmem>>
          %dma_start3A_255 = arith.constant 0 : i32
          %dma_start3A_256 = arith.constant 0 : i32
          %dma_start3A_257 = tpu.memref_slice %arg2[%dma_start3A_239, %mul3A_216, %dma_start3A_255, %dma_start3A_256] : memref<2x25000x8x128xf32, #tpu.memory_space<hbm>> -> memref<1x4x8x128xf32, #tpu.memory_space<hbm>>
          %dma_start3A_258 = tpu.memref_squeeze %dma_start3A_257 : memref<1x4x8x128xf32, #tpu.memory_space<hbm>> -> memref<4x8x128xf32, #tpu.memory_space<hbm>>
          tpu.enqueue_dma source(%dma_start3A_258 : memref<4x8x128xf32, #tpu.memory_space<hbm>>) target(%dma_start3A_254 : memref<4x8x128xf32, #tpu.memory_space<vmem>>) target_semaphore(%arg11 : memref<!tpu.dma_semaphore, #tpu.memory_space<semaphore_mem>>)
          %dma_start3A_259 = arith.constant 0 : i32
          %dma_start3A_260 = arith.constant 0 : i32
          %dma_start3A_261 = tpu.memref_slice %arg7[%dma_start3A_259, %dma_start3A_260] : memref<2x512xf32, #tpu.memory_space<vmem>> -> memref<1x512xf32, #tpu.memory_space<vmem>>
          %dma_start3A_262 = tpu.memref_squeeze %dma_start3A_261 : memref<1x512xf32, #tpu.memory_space<vmem>> -> memref<512xf32, #tpu.memory_space<vmem>>
          %dma_start3A_263 = tpu.memref_slice %arg3[%mul3A_218] : memref<3200000xf32, #tpu.memory_space<hbm>> -> memref<512xf32, #tpu.memory_space<hbm>>
          %dma_start3A_264 = arith.constant 0 : i32
          %dma_start3A_265 = tpu.memref_slice %arg7[%dma_start3A_259, %dma_start3A_264] : memref<2x512xf32, #tpu.memory_space<vmem>> -> memref<1x512xf32, #tpu.memory_space<vmem>>
          %dma_start3A_266 = tpu.memref_squeeze %dma_start3A_265 : memref<1x512xf32, #tpu.memory_space<vmem>> -> memref<512xf32, #tpu.memory_space<vmem>>
          %dma_start3A_267 = tpu.memref_slice %arg3[%mul3A_218] : memref<3200000xf32, #tpu.memory_space<hbm>> -> memref<512xf32, #tpu.memory_space<hbm>>
          tpu.enqueue_dma source(%dma_start3A_267 : memref<512xf32, #tpu.memory_space<hbm>>) target(%dma_start3A_266 : memref<512xf32, #tpu.memory_space<vmem>>) target_semaphore(%arg11 : memref<!tpu.dma_semaphore, #tpu.memory_space<semaphore_mem>>)
          %dma_start3A_268 = arith.constant 0 : i32
          %dma_start3A_269 = arith.constant 0 : i32
          %dma_start3A_270 = arith.constant 0 : i32
          %dma_start3A_271 = arith.constant 0 : i32
          %dma_start3A_272 = tpu.memref_slice %arg8[%dma_start3A_268, %dma_start3A_269, %dma_start3A_270, %dma_start3A_271] : memref<2x4x2x128xi32, #tpu.memory_space<vmem>> -> memref<1x4x2x128xi32, #tpu.memory_space<vmem>>
          %dma_start3A_273 = tpu.memref_squeeze %dma_start3A_272 : memref<1x4x2x128xi32, #tpu.memory_space<vmem>> -> memref<4x2x128xi32, #tpu.memory_space<vmem>>
          %dma_start3A_274 = arith.constant 0 : i32
          %dma_start3A_275 = arith.constant 0 : i32
          %dma_start3A_276 = tpu.memref_slice %arg4[%mul3A_216, %dma_start3A_274, %dma_start3A_275] : memref<25000x2x128xi32, #tpu.memory_space<hbm>> -> memref<4x2x128xi32, #tpu.memory_space<hbm>>
          %dma_start3A_277 = arith.constant 0 : i32
          %dma_start3A_278 = arith.constant 0 : i32
          %dma_start3A_279 = arith.constant 0 : i32
          %dma_start3A_280 = tpu.memref_slice %arg8[%dma_start3A_268, %dma_start3A_277, %dma_start3A_278, %dma_start3A_279] : memref<2x4x2x128xi32, #tpu.memory_space<vmem>> -> memref<1x4x2x128xi32, #tpu.memory_space<vmem>>
          %dma_start3A_281 = tpu.memref_squeeze %dma_start3A_280 : memref<1x4x2x128xi32, #tpu.memory_space<vmem>> -> memref<4x2x128xi32, #tpu.memory_space<vmem>>
          %dma_start3A_282 = arith.constant 0 : i32
          %dma_start3A_283 = arith.constant 0 : i32
          %dma_start3A_284 = tpu.memref_slice %arg4[%mul3A_216, %dma_start3A_282, %dma_start3A_283] : memref<25000x2x128xi32, #tpu.memory_space<hbm>> -> memref<4x2x128xi32, #tpu.memory_space<hbm>>
          tpu.enqueue_dma source(%dma_start3A_284 : memref<4x2x128xi32, #tpu.memory_space<hbm>>) target(%dma_start3A_281 : memref<4x2x128xi32, #tpu.memory_space<vmem>>) target_semaphore(%arg11 : memref<!tpu.dma_semaphore, #tpu.memory_space<semaphore_mem>>)
        } else {
        }
        %scan3A_203 = arith.constant 0 : i32
        %scan3A_204 = arith.constant 0 : i32
        %scan3A_205 = arith.constant 4 : i32
        %scan3A_206 = arith.addi %scan3A_204, %scan3A_205 : i32
        %scan3A_207 = arith.constant 1 : i32
        scf.for %scan3A_215 = %scan3A_204 to %scan3A_206 step %scan3A_207  : i32 {
          %scan3A_216 = arith.constant 0 : i32
          %scan3A_217 = arith.constant 0 : i32
          %scan3A_218 = arith.constant 8 : i32
          %scan3A_219 = arith.addi %scan3A_217, %scan3A_218 : i32
          %scan3A_220 = arith.constant 2 : i32
          scf.for %scan3A_234 = %scan3A_217 to %scan3A_219 step %scan3A_220  : i32 {
            %iota3A = tpu.iota {dimensions = array<i32: 0>} : vector<16xi32>
            %mul3A_235 = arith.constant 16 : i32
            %mul3A_236 = arith.muli %scan3A_234, %mul3A_235 : i32
            %add3A_237 = vector.broadcast %mul3A_236 : i32 to vector<16xi32>
            %add3A_238 = arith.addi %add3A_237, %iota3A : vector<16xi32>
            %mul3A_239 = arith.constant 128 : i32
            %mul3A_240 = arith.muli %scan3A_215, %mul3A_239 : i32
            %add3A_241 = arith.addi %mul3A_240, %mul3A_236 : i32
            %get3A = arith.constant 1 : i32
            %get3A_242 = arith.index_cast %get3A : i32 to index
            %get3A_243 = arith.index_cast %add3A_241 : i32 to index
            %get3A_244 = tpu.vector_load %arg7[%get3A_242, %get3A_243] {strides = array<i32>} : memref<2x512xf32, #tpu.memory_space<vmem>>, vector<16xf32>,
            %get3A_245 = arith.constant 1 : i32
            %get3A_246 = arith.constant 0 : i32
            %get3A_247 = arith.index_cast %get3A_245 : i32 to index
            %get3A_248 = arith.index_cast %scan3A_215 : i32 to index
            %get3A_249 = arith.index_cast %get3A_246 : i32 to index
            %get3A_250 = arith.index_cast %mul3A_236 : i32 to index
            %get3A_251 = tpu.vector_load %arg6[%get3A_247, %get3A_248, %get3A_249, %get3A_250] {strides = array<i32>} : memref<2x4x16x128xf32, #tpu.memory_space<vmem>>, vector<16xf32>,
            %broadcast_in_dim3A = arith.constant 0 : i32
            %broadcast_in_dim3A_252 = vector.broadcast %broadcast_in_dim3A : i32 to vector<16xi32>
            %mul3A_253 = arith.mulf %get3A_251, %get3A_244 : vector<16xf32>
            %scatter3A = arith.constant 0 : i32
            %scatter3A_254 = arith.constant 0 : i32
            %scatter3A_255 = tpu.memref_slice %arg9[%scan3A_215, %scatter3A, %scatter3A_254] : memref<4x128x16xf32, #tpu.memory_space<vmem>> -> memref<1x128x16xf32, #tpu.memory_space<vmem>>
            %scatter3A_256 = tpu.memref_squeeze %scatter3A_255 : memref<1x128x16xf32, #tpu.memory_space<vmem>> -> memref<128x16xf32, #tpu.memory_space<vmem>>
            tpu.vector_store_idx %scatter3A_256[%add3A_238, %broadcast_in_dim3A_252], %mul3A_253 : memref<128x16xf32, #tpu.memory_space<vmem>>[vector<16xi32>, vector<16xi32>], vector<16xf32>,
            %get3A_257 = arith.constant 1 : i32
            %get3A_258 = arith.constant 1 : i32
            %get3A_259 = arith.index_cast %get3A_257 : i32 to index
            %get3A_260 = arith.index_cast %scan3A_215 : i32 to index
            %get3A_261 = arith.index_cast %get3A_258 : i32 to index
            %get3A_262 = arith.index_cast %mul3A_236 : i32 to index
            %get3A_263 = tpu.vector_load %arg6[%get3A_259, %get3A_260, %get3A_261, %get3A_262] {strides = array<i32>} : memref<2x4x16x128xf32, #tpu.memory_space<vmem>>, vector<16xf32>,
            %broadcast_in_dim3A_264 = arith.constant 1 : i32
            %broadcast_in_dim3A_265 = vector.broadcast %broadcast_in_dim3A_264 : i32 to vector<16xi32>
            %mul3A_266 = arith.mulf %get3A_263, %get3A_244 : vector<16xf32>
            %scatter3A_267 = arith.constant 0 : i32
            %scatter3A_268 = arith.constant 0 : i32
            %scatter3A_269 = tpu.memref_slice %arg9[%scan3A_215, %scatter3A_267, %scatter3A_268] : memref<4x128x16xf32, #tpu.memory_space<vmem>> -> memref<1x128x16xf32, #tpu.memory_space<vmem>>
            %scatter3A_270 = tpu.memref_squeeze %scatter3A_269 : memref<1x128x16xf32, #tpu.memory_space<vmem>> -> memref<128x16xf32, #tpu.memory_space<vmem>>
            tpu.vector_store_idx %scatter3A_270[%add3A_238, %broadcast_in_dim3A_265], %mul3A_266 : memref<128x16xf32, #tpu.memory_space<vmem>>[vector<16xi32>, vector<16xi32>], vector<16xf32>,
            %get3A_271 = arith.constant 1 : i32
            %get3A_272 = arith.constant 2 : i32
            %get3A_273 = arith.index_cast %get3A_271 : i32 to index
            %get3A_274 = arith.index_cast %scan3A_215 : i32 to index
            %get3A_275 = arith.index_cast %get3A_272 : i32 to index
            %get3A_276 = arith.index_cast %mul3A_236 : i32 to index
            %get3A_277 = tpu.vector_load %arg6[%get3A_273, %get3A_274, %get3A_275, %get3A_276] {strides = array<i32>} : memref<2x4x16x128xf32, #tpu.memory_space<vmem>>, vector<16xf32>,
            %broadcast_in_dim3A_278 = arith.constant 2 : i32
            %broadcast_in_dim3A_279 = vector.broadcast %broadcast_in_dim3A_278 : i32 to vector<16xi32>
            %mul3A_280 = arith.mulf %get3A_277, %get3A_244 : vector<16xf32>
            %scatter3A_281 = arith.constant 0 : i32
            %scatter3A_282 = arith.constant 0 : i32
            %scatter3A_283 = tpu.memref_slice %arg9[%scan3A_215, %scatter3A_281, %scatter3A_282] : memref<4x128x16xf32, #tpu.memory_space<vmem>> -> memref<1x128x16xf32, #tpu.memory_space<vmem>>
            %scatter3A_284 = tpu.memref_squeeze %scatter3A_283 : memref<1x128x16xf32, #tpu.memory_space<vmem>> -> memref<128x16xf32, #tpu.memory_space<vmem>>
            tpu.vector_store_idx %scatter3A_284[%add3A_238, %broadcast_in_dim3A_279], %mul3A_280 : memref<128x16xf32, #tpu.memory_space<vmem>>[vector<16xi32>, vector<16xi32>], vector<16xf32>,
            %get3A_285 = arith.constant 1 : i32
            %get3A_286 = arith.constant 3 : i32
            %get3A_287 = arith.index_cast %get3A_285 : i32 to index
            %get3A_288 = arith.index_cast %scan3A_215 : i32 to index
            %get3A_289 = arith.index_cast %get3A_286 : i32 to index
            %get3A_290 = arith.index_cast %mul3A_236 : i32 to index
            %get3A_291 = tpu.vector_load %arg6[%get3A_287, %get3A_288, %get3A_289, %get3A_290] {strides = array<i32>} : memref<2x4x16x128xf32, #tpu.memory_space<vmem>>, vector<16xf32>,
            %broadcast_in_dim3A_292 = arith.constant 3 : i32
            %broadcast_in_dim3A_293 = vector.broadcast %broadcast_in_dim3A_292 : i32 to vector<16xi32>
            %mul3A_294 = arith.mulf %get3A_291, %get3A_244 : vector<16xf32>
            %scatter3A_295 = arith.constant 0 : i32
            %scatter3A_296 = arith.constant 0 : i32
            %scatter3A_297 = tpu.memref_slice %arg9[%scan3A_215, %scatter3A_295, %scatter3A_296] : memref<4x128x16xf32, #tpu.memory_space<vmem>> -> memref<1x128x16xf32, #tpu.memory_space<vmem>>
            %scatter3A_298 = tpu.memref_squeeze %scatter3A_297 : memref<1x128x16xf32, #tpu.memory_space<vmem>> -> memref<128x16xf32, #tpu.memory_space<vmem>>
            tpu.vector_store_idx %scatter3A_298[%add3A_238, %broadcast_in_dim3A_293], %mul3A_294 : memref<128x16xf32, #tpu.memory_space<vmem>>[vector<16xi32>, vector<16xi32>], vector<16xf32>,
            %get3A_299 = arith.constant 1 : i32
            %get3A_300 = arith.constant 4 : i32
            %get3A_301 = arith.index_cast %get3A_299 : i32 to index
            %get3A_302 = arith.index_cast %scan3A_215 : i32 to index
            %get3A_303 = arith.index_cast %get3A_300 : i32 to index
            %get3A_304 = arith.index_cast %mul3A_236 : i32 to index
            %get3A_305 = tpu.vector_load %arg6[%get3A_301, %get3A_302, %get3A_303, %get3A_304] {strides = array<i32>} : memref<2x4x16x128xf32, #tpu.memory_space<vmem>>, vector<16xf32>,
            %broadcast_in_dim3A_306 = arith.constant 4 : i32
            %broadcast_in_dim3A_307 = vector.broadcast %broadcast_in_dim3A_306 : i32 to vector<16xi32>
            %mul3A_308 = arith.mulf %get3A_305, %get3A_244 : vector<16xf32>
            %scatter3A_309 = arith.constant 0 : i32
            %scatter3A_310 = arith.constant 0 : i32
            %scatter3A_311 = tpu.memref_slice %arg9[%scan3A_215, %scatter3A_309, %scatter3A_310] : memref<4x128x16xf32, #tpu.memory_space<vmem>> -> memref<1x128x16xf32, #tpu.memory_space<vmem>>
            %scatter3A_312 = tpu.memref_squeeze %scatter3A_311 : memref<1x128x16xf32, #tpu.memory_space<vmem>> -> memref<128x16xf32, #tpu.memory_space<vmem>>
            tpu.vector_store_idx %scatter3A_312[%add3A_238, %broadcast_in_dim3A_307], %mul3A_308 : memref<128x16xf32, #tpu.memory_space<vmem>>[vector<16xi32>, vector<16xi32>], vector<16xf32>,
            %get3A_313 = arith.constant 1 : i32
            %get3A_314 = arith.constant 5 : i32
            %get3A_315 = arith.index_cast %get3A_313 : i32 to index
            %get3A_316 = arith.index_cast %scan3A_215 : i32 to index
            %get3A_317 = arith.index_cast %get3A_314 : i32 to index
            %get3A_318 = arith.index_cast %mul3A_236 : i32 to index
            %get3A_319 = tpu.vector_load %arg6[%get3A_315, %get3A_316, %get3A_317, %get3A_318] {strides = array<i32>} : memref<2x4x16x128xf32, #tpu.memory_space<vmem>>, vector<16xf32>,
            %broadcast_in_dim3A_320 = arith.constant 5 : i32
            %broadcast_in_dim3A_321 = vector.broadcast %broadcast_in_dim3A_320 : i32 to vector<16xi32>
            %mul3A_322 = arith.mulf %get3A_319, %get3A_244 : vector<16xf32>
            %scatter3A_323 = arith.constant 0 : i32
            %scatter3A_324 = arith.constant 0 : i32
            %scatter3A_325 = tpu.memref_slice %arg9[%scan3A_215, %scatter3A_323, %scatter3A_324] : memref<4x128x16xf32, #tpu.memory_space<vmem>> -> memref<1x128x16xf32, #tpu.memory_space<vmem>>
            %scatter3A_326 = tpu.memref_squeeze %scatter3A_325 : memref<1x128x16xf32, #tpu.memory_space<vmem>> -> memref<128x16xf32, #tpu.memory_space<vmem>>
            tpu.vector_store_idx %scatter3A_326[%add3A_238, %broadcast_in_dim3A_321], %mul3A_322 : memref<128x16xf32, #tpu.memory_space<vmem>>[vector<16xi32>, vector<16xi32>], vector<16xf32>,
            %get3A_327 = arith.constant 1 : i32
            %get3A_328 = arith.constant 6 : i32
            %get3A_329 = arith.index_cast %get3A_327 : i32 to index
            %get3A_330 = arith.index_cast %scan3A_215 : i32 to index
            %get3A_331 = arith.index_cast %get3A_328 : i32 to index
            %get3A_332 = arith.index_cast %mul3A_236 : i32 to index
            %get3A_333 = tpu.vector_load %arg6[%get3A_329, %get3A_330, %get3A_331, %get3A_332] {strides = array<i32>} : memref<2x4x16x128xf32, #tpu.memory_space<vmem>>, vector<16xf32>,
            %broadcast_in_dim3A_334 = arith.constant 6 : i32
            %broadcast_in_dim3A_335 = vector.broadcast %broadcast_in_dim3A_334 : i32 to vector<16xi32>
            %mul3A_336 = arith.mulf %get3A_333, %get3A_244 : vector<16xf32>
            %scatter3A_337 = arith.constant 0 : i32
            %scatter3A_338 = arith.constant 0 : i32
            %scatter3A_339 = tpu.memref_slice %arg9[%scan3A_215, %scatter3A_337, %scatter3A_338] : memref<4x128x16xf32, #tpu.memory_space<vmem>> -> memref<1x128x16xf32, #tpu.memory_space<vmem>>
            %scatter3A_340 = tpu.memref_squeeze %scatter3A_339 : memref<1x128x16xf32, #tpu.memory_space<vmem>> -> memref<128x16xf32, #tpu.memory_space<vmem>>
            tpu.vector_store_idx %scatter3A_340[%add3A_238, %broadcast_in_dim3A_335], %mul3A_336 : memref<128x16xf32, #tpu.memory_space<vmem>>[vector<16xi32>, vector<16xi32>], vector<16xf32>,
            %get3A_341 = arith.constant 1 : i32
            %get3A_342 = arith.constant 7 : i32
            %get3A_343 = arith.index_cast %get3A_341 : i32 to index
            %get3A_344 = arith.index_cast %scan3A_215 : i32 to index
            %get3A_345 = arith.index_cast %get3A_342 : i32 to index
            %get3A_346 = arith.index_cast %mul3A_236 : i32 to index
            %get3A_347 = tpu.vector_load %arg6[%get3A_343, %get3A_344, %get3A_345, %get3A_346] {strides = array<i32>} : memref<2x4x16x128xf32, #tpu.memory_space<vmem>>, vector<16xf32>,
            %broadcast_in_dim3A_348 = arith.constant 7 : i32
            %broadcast_in_dim3A_349 = vector.broadcast %broadcast_in_dim3A_348 : i32 to vector<16xi32>
            %mul3A_350 = arith.mulf %get3A_347, %get3A_244 : vector<16xf32>
            %scatter3A_351 = arith.constant 0 : i32
            %scatter3A_352 = arith.constant 0 : i32
            %scatter3A_353 = tpu.memref_slice %arg9[%scan3A_215, %scatter3A_351, %scatter3A_352] : memref<4x128x16xf32, #tpu.memory_space<vmem>> -> memref<1x128x16xf32, #tpu.memory_space<vmem>>
            %scatter3A_354 = tpu.memref_squeeze %scatter3A_353 : memref<1x128x16xf32, #tpu.memory_space<vmem>> -> memref<128x16xf32, #tpu.memory_space<vmem>>
            tpu.vector_store_idx %scatter3A_354[%add3A_238, %broadcast_in_dim3A_349], %mul3A_350 : memref<128x16xf32, #tpu.memory_space<vmem>>[vector<16xi32>, vector<16xi32>], vector<16xf32>,
            %get3A_355 = arith.constant 1 : i32
            %get3A_356 = arith.constant 8 : i32
            %get3A_357 = arith.index_cast %get3A_355 : i32 to index
            %get3A_358 = arith.index_cast %scan3A_215 : i32 to index
            %get3A_359 = arith.index_cast %get3A_356 : i32 to index
            %get3A_360 = arith.index_cast %mul3A_236 : i32 to index
            %get3A_361 = tpu.vector_load %arg6[%get3A_357, %get3A_358, %get3A_359, %get3A_360] {strides = array<i32>} : memref<2x4x16x128xf32, #tpu.memory_space<vmem>>, vector<16xf32>,
            %broadcast_in_dim3A_362 = arith.constant 8 : i32
            %broadcast_in_dim3A_363 = vector.broadcast %broadcast_in_dim3A_362 : i32 to vector<16xi32>
            %mul3A_364 = arith.mulf %get3A_361, %get3A_244 : vector<16xf32>
            %scatter3A_365 = arith.constant 0 : i32
            %scatter3A_366 = arith.constant 0 : i32
            %scatter3A_367 = tpu.memref_slice %arg9[%scan3A_215, %scatter3A_365, %scatter3A_366] : memref<4x128x16xf32, #tpu.memory_space<vmem>> -> memref<1x128x16xf32, #tpu.memory_space<vmem>>
            %scatter3A_368 = tpu.memref_squeeze %scatter3A_367 : memref<1x128x16xf32, #tpu.memory_space<vmem>> -> memref<128x16xf32, #tpu.memory_space<vmem>>
            tpu.vector_store_idx %scatter3A_368[%add3A_238, %broadcast_in_dim3A_363], %mul3A_364 : memref<128x16xf32, #tpu.memory_space<vmem>>[vector<16xi32>, vector<16xi32>], vector<16xf32>,
            %get3A_369 = arith.constant 1 : i32
            %get3A_370 = arith.constant 9 : i32
            %get3A_371 = arith.index_cast %get3A_369 : i32 to index
            %get3A_372 = arith.index_cast %scan3A_215 : i32 to index
            %get3A_373 = arith.index_cast %get3A_370 : i32 to index
            %get3A_374 = arith.index_cast %mul3A_236 : i32 to index
            %get3A_375 = tpu.vector_load %arg6[%get3A_371, %get3A_372, %get3A_373, %get3A_374] {strides = array<i32>} : memref<2x4x16x128xf32, #tpu.memory_space<vmem>>, vector<16xf32>,
            %broadcast_in_dim3A_376 = arith.constant 9 : i32
            %broadcast_in_dim3A_377 = vector.broadcast %broadcast_in_dim3A_376 : i32 to vector<16xi32>
            %mul3A_378 = arith.mulf %get3A_375, %get3A_244 : vector<16xf32>
            %scatter3A_379 = arith.constant 0 : i32
            %scatter3A_380 = arith.constant 0 : i32
            %scatter3A_381 = tpu.memref_slice %arg9[%scan3A_215, %scatter3A_379, %scatter3A_380] : memref<4x128x16xf32, #tpu.memory_space<vmem>> -> memref<1x128x16xf32, #tpu.memory_space<vmem>>
            %scatter3A_382 = tpu.memref_squeeze %scatter3A_381 : memref<1x128x16xf32, #tpu.memory_space<vmem>> -> memref<128x16xf32, #tpu.memory_space<vmem>>
            tpu.vector_store_idx %scatter3A_382[%add3A_238, %broadcast_in_dim3A_377], %mul3A_378 : memref<128x16xf32, #tpu.memory_space<vmem>>[vector<16xi32>, vector<16xi32>], vector<16xf32>,
            %get3A_383 = arith.constant 1 : i32
            %get3A_384 = arith.constant 10 : i32
            %get3A_385 = arith.index_cast %get3A_383 : i32 to index
            %get3A_386 = arith.index_cast %scan3A_215 : i32 to index
            %get3A_387 = arith.index_cast %get3A_384 : i32 to index
            %get3A_388 = arith.index_cast %mul3A_236 : i32 to index
            %get3A_389 = tpu.vector_load %arg6[%get3A_385, %get3A_386, %get3A_387, %get3A_388] {strides = array<i32>} : memref<2x4x16x128xf32, #tpu.memory_space<vmem>>, vector<16xf32>,
            %broadcast_in_dim3A_390 = arith.constant 10 : i32
            %broadcast_in_dim3A_391 = vector.broadcast %broadcast_in_dim3A_390 : i32 to vector<16xi32>
            %mul3A_392 = arith.mulf %get3A_389, %get3A_244 : vector<16xf32>
            %scatter3A_393 = arith.constant 0 : i32
            %scatter3A_394 = arith.constant 0 : i32
            %scatter3A_395 = tpu.memref_slice %arg9[%scan3A_215, %scatter3A_393, %scatter3A_394] : memref<4x128x16xf32, #tpu.memory_space<vmem>> -> memref<1x128x16xf32, #tpu.memory_space<vmem>>
            %scatter3A_396 = tpu.memref_squeeze %scatter3A_395 : memref<1x128x16xf32, #tpu.memory_space<vmem>> -> memref<128x16xf32, #tpu.memory_space<vmem>>
            tpu.vector_store_idx %scatter3A_396[%add3A_238, %broadcast_in_dim3A_391], %mul3A_392 : memref<128x16xf32, #tpu.memory_space<vmem>>[vector<16xi32>, vector<16xi32>], vector<16xf32>,
            %get3A_397 = arith.constant 1 : i32
            %get3A_398 = arith.constant 11 : i32
            %get3A_399 = arith.index_cast %get3A_397 : i32 to index
            %get3A_400 = arith.index_cast %scan3A_215 : i32 to index
            %get3A_401 = arith.index_cast %get3A_398 : i32 to index
            %get3A_402 = arith.index_cast %mul3A_236 : i32 to index
            %get3A_403 = tpu.vector_load %arg6[%get3A_399, %get3A_400, %get3A_401, %get3A_402] {strides = array<i32>} : memref<2x4x16x128xf32, #tpu.memory_space<vmem>>, vector<16xf32>,
            %broadcast_in_dim3A_404 = arith.constant 11 : i32
            %broadcast_in_dim3A_405 = vector.broadcast %broadcast_in_dim3A_404 : i32 to vector<16xi32>
            %mul3A_406 = arith.mulf %get3A_403, %get3A_244 : vector<16xf32>
            %scatter3A_407 = arith.constant 0 : i32
            %scatter3A_408 = arith.constant 0 : i32
            %scatter3A_409 = tpu.memref_slice %arg9[%scan3A_215, %scatter3A_407, %scatter3A_408] : memref<4x128x16xf32, #tpu.memory_space<vmem>> -> memref<1x128x16xf32, #tpu.memory_space<vmem>>
            %scatter3A_410 = tpu.memref_squeeze %scatter3A_409 : memref<1x128x16xf32, #tpu.memory_space<vmem>> -> memref<128x16xf32, #tpu.memory_space<vmem>>
            tpu.vector_store_idx %scatter3A_410[%add3A_238, %broadcast_in_dim3A_405], %mul3A_406 : memref<128x16xf32, #tpu.memory_space<vmem>>[vector<16xi32>, vector<16xi32>], vector<16xf32>,
            %get3A_411 = arith.constant 1 : i32
            %get3A_412 = arith.constant 12 : i32
            %get3A_413 = arith.index_cast %get3A_411 : i32 to index
            %get3A_414 = arith.index_cast %scan3A_215 : i32 to index
            %get3A_415 = arith.index_cast %get3A_412 : i32 to index
            %get3A_416 = arith.index_cast %mul3A_236 : i32 to index
            %get3A_417 = tpu.vector_load %arg6[%get3A_413, %get3A_414, %get3A_415, %get3A_416] {strides = array<i32>} : memref<2x4x16x128xf32, #tpu.memory_space<vmem>>, vector<16xf32>,
            %broadcast_in_dim3A_418 = arith.constant 12 : i32
            %broadcast_in_dim3A_419 = vector.broadcast %broadcast_in_dim3A_418 : i32 to vector<16xi32>
            %mul3A_420 = arith.mulf %get3A_417, %get3A_244 : vector<16xf32>
            %scatter3A_421 = arith.constant 0 : i32
            %scatter3A_422 = arith.constant 0 : i32
            %scatter3A_423 = tpu.memref_slice %arg9[%scan3A_215, %scatter3A_421, %scatter3A_422] : memref<4x128x16xf32, #tpu.memory_space<vmem>> -> memref<1x128x16xf32, #tpu.memory_space<vmem>>
            %scatter3A_424 = tpu.memref_squeeze %scatter3A_423 : memref<1x128x16xf32, #tpu.memory_space<vmem>> -> memref<128x16xf32, #tpu.memory_space<vmem>>
            tpu.vector_store_idx %scatter3A_424[%add3A_238, %broadcast_in_dim3A_419], %mul3A_420 : memref<128x16xf32, #tpu.memory_space<vmem>>[vector<16xi32>, vector<16xi32>], vector<16xf32>,
            %get3A_425 = arith.constant 1 : i32
            %get3A_426 = arith.constant 13 : i32
            %get3A_427 = arith.index_cast %get3A_425 : i32 to index
            %get3A_428 = arith.index_cast %scan3A_215 : i32 to index
            %get3A_429 = arith.index_cast %get3A_426 : i32 to index
            %get3A_430 = arith.index_cast %mul3A_236 : i32 to index
            %get3A_431 = tpu.vector_load %arg6[%get3A_427, %get3A_428, %get3A_429, %get3A_430] {strides = array<i32>} : memref<2x4x16x128xf32, #tpu.memory_space<vmem>>, vector<16xf32>,
            %broadcast_in_dim3A_432 = arith.constant 13 : i32
            %broadcast_in_dim3A_433 = vector.broadcast %broadcast_in_dim3A_432 : i32 to vector<16xi32>
            %mul3A_434 = arith.mulf %get3A_431, %get3A_244 : vector<16xf32>
            %scatter3A_435 = arith.constant 0 : i32
            %scatter3A_436 = arith.constant 0 : i32
            %scatter3A_437 = tpu.memref_slice %arg9[%scan3A_215, %scatter3A_435, %scatter3A_436] : memref<4x128x16xf32, #tpu.memory_space<vmem>> -> memref<1x128x16xf32, #tpu.memory_space<vmem>>
            %scatter3A_438 = tpu.memref_squeeze %scatter3A_437 : memref<1x128x16xf32, #tpu.memory_space<vmem>> -> memref<128x16xf32, #tpu.memory_space<vmem>>
            tpu.vector_store_idx %scatter3A_438[%add3A_238, %broadcast_in_dim3A_433], %mul3A_434 : memref<128x16xf32, #tpu.memory_space<vmem>>[vector<16xi32>, vector<16xi32>], vector<16xf32>,
            %get3A_439 = arith.constant 1 : i32
            %get3A_440 = arith.constant 14 : i32
            %get3A_441 = arith.index_cast %get3A_439 : i32 to index
            %get3A_442 = arith.index_cast %scan3A_215 : i32 to index
            %get3A_443 = arith.index_cast %get3A_440 : i32 to index
            %get3A_444 = arith.index_cast %mul3A_236 : i32 to index
            %get3A_445 = tpu.vector_load %arg6[%get3A_441, %get3A_442, %get3A_443, %get3A_444] {strides = array<i32>} : memref<2x4x16x128xf32, #tpu.memory_space<vmem>>, vector<16xf32>,
            %broadcast_in_dim3A_446 = arith.constant 14 : i32
            %broadcast_in_dim3A_447 = vector.broadcast %broadcast_in_dim3A_446 : i32 to vector<16xi32>
            %mul3A_448 = arith.mulf %get3A_445, %get3A_244 : vector<16xf32>
            %scatter3A_449 = arith.constant 0 : i32
            %scatter3A_450 = arith.constant 0 : i32
            %scatter3A_451 = tpu.memref_slice %arg9[%scan3A_215, %scatter3A_449, %scatter3A_450] : memref<4x128x16xf32, #tpu.memory_space<vmem>> -> memref<1x128x16xf32, #tpu.memory_space<vmem>>
            %scatter3A_452 = tpu.memref_squeeze %scatter3A_451 : memref<1x128x16xf32, #tpu.memory_space<vmem>> -> memref<128x16xf32, #tpu.memory_space<vmem>>
            tpu.vector_store_idx %scatter3A_452[%add3A_238, %broadcast_in_dim3A_447], %mul3A_448 : memref<128x16xf32, #tpu.memory_space<vmem>>[vector<16xi32>, vector<16xi32>], vector<16xf32>,
            %get3A_453 = arith.constant 1 : i32
            %get3A_454 = arith.constant 15 : i32
            %get3A_455 = arith.index_cast %get3A_453 : i32 to index
            %get3A_456 = arith.index_cast %scan3A_215 : i32 to index
            %get3A_457 = arith.index_cast %get3A_454 : i32 to index
            %get3A_458 = arith.index_cast %mul3A_236 : i32 to index
            %get3A_459 = tpu.vector_load %arg6[%get3A_455, %get3A_456, %get3A_457, %get3A_458] {strides = array<i32>} : memref<2x4x16x128xf32, #tpu.memory_space<vmem>>, vector<16xf32>,
            %broadcast_in_dim3A_460 = arith.constant 15 : i32
            %broadcast_in_dim3A_461 = vector.broadcast %broadcast_in_dim3A_460 : i32 to vector<16xi32>
            %mul3A_462 = arith.mulf %get3A_459, %get3A_244 : vector<16xf32>
            %scatter3A_463 = arith.constant 0 : i32
            %scatter3A_464 = arith.constant 0 : i32
            %scatter3A_465 = tpu.memref_slice %arg9[%scan3A_215, %scatter3A_463, %scatter3A_464] : memref<4x128x16xf32, #tpu.memory_space<vmem>> -> memref<1x128x16xf32, #tpu.memory_space<vmem>>
            %scatter3A_466 = tpu.memref_squeeze %scatter3A_465 : memref<1x128x16xf32, #tpu.memory_space<vmem>> -> memref<128x16xf32, #tpu.memory_space<vmem>>
            tpu.vector_store_idx %scatter3A_466[%add3A_238, %broadcast_in_dim3A_461], %mul3A_462 : memref<128x16xf32, #tpu.memory_space<vmem>>[vector<16xi32>, vector<16xi32>], vector<16xf32>,
            %scan3A_467 = arith.constant 1 : i32
            %scan3A_468 = arith.addi %scan3A_234, %scan3A_467 : i32
            %iota3A_469 = tpu.iota {dimensions = array<i32: 0>} : vector<16xi32>
            %mul3A_470 = arith.constant 16 : i32
            %mul3A_471 = arith.muli %scan3A_468, %mul3A_470 : i32
            %add3A_472 = vector.broadcast %mul3A_471 : i32 to vector<16xi32>
            %add3A_473 = arith.addi %add3A_472, %iota3A_469 : vector<16xi32>
            %mul3A_474 = arith.constant 128 : i32
            %mul3A_475 = arith.muli %scan3A_215, %mul3A_474 : i32
            %add3A_476 = arith.addi %mul3A_475, %mul3A_471 : i32
            %get3A_477 = arith.constant 1 : i32
            %get3A_478 = arith.index_cast %get3A_477 : i32 to index
            %get3A_479 = arith.index_cast %add3A_476 : i32 to index
            %get3A_480 = tpu.vector_load %arg7[%get3A_478, %get3A_479] {strides = array<i32>} : memref<2x512xf32, #tpu.memory_space<vmem>>, vector<16xf32>,
            %get3A_481 = arith.constant 1 : i32
            %get3A_482 = arith.constant 0 : i32
            %get3A_483 = arith.index_cast %get3A_481 : i32 to index
            %get3A_484 = arith.index_cast %scan3A_215 : i32 to index
            %get3A_485 = arith.index_cast %get3A_482 : i32 to index
            %get3A_486 = arith.index_cast %mul3A_471 : i32 to index
            %get3A_487 = tpu.vector_load %arg6[%get3A_483, %get3A_484, %get3A_485, %get3A_486] {strides = array<i32>} : memref<2x4x16x128xf32, #tpu.memory_space<vmem>>, vector<16xf32>,
            %broadcast_in_dim3A_488 = arith.constant 0 : i32
            %broadcast_in_dim3A_489 = vector.broadcast %broadcast_in_dim3A_488 : i32 to vector<16xi32>
            %mul3A_490 = arith.mulf %get3A_487, %get3A_480 : vector<16xf32>
            %scatter3A_491 = arith.constant 0 : i32
            %scatter3A_492 = arith.constant 0 : i32
            %scatter3A_493 = tpu.memref_slice %arg9[%scan3A_215, %scatter3A_491, %scatter3A_492] : memref<4x128x16xf32, #tpu.memory_space<vmem>> -> memref<1x128x16xf32, #tpu.memory_space<vmem>>
            %scatter3A_494 = tpu.memref_squeeze %scatter3A_493 : memref<1x128x16xf32, #tpu.memory_space<vmem>> -> memref<128x16xf32, #tpu.memory_space<vmem>>
            tpu.vector_store_idx %scatter3A_494[%add3A_473, %broadcast_in_dim3A_489], %mul3A_490 : memref<128x16xf32, #tpu.memory_space<vmem>>[vector<16xi32>, vector<16xi32>], vector<16xf32>,
            %get3A_495 = arith.constant 1 : i32
            %get3A_496 = arith.constant 1 : i32
            %get3A_497 = arith.index_cast %get3A_495 : i32 to index
            %get3A_498 = arith.index_cast %scan3A_215 : i32 to index
            %get3A_499 = arith.index_cast %get3A_496 : i32 to index
            %get3A_500 = arith.index_cast %mul3A_471 : i32 to index
            %get3A_501 = tpu.vector_load %arg6[%get3A_497, %get3A_498, %get3A_499, %get3A_500] {strides = array<i32>} : memref<2x4x16x128xf32, #tpu.memory_space<vmem>>, vector<16xf32>,
            %broadcast_in_dim3A_502 = arith.constant 1 : i32
            %broadcast_in_dim3A_503 = vector.broadcast %broadcast_in_dim3A_502 : i32 to vector<16xi32>
            %mul3A_504 = arith.mulf %get3A_501, %get3A_480 : vector<16xf32>
            %scatter3A_505 = arith.constant 0 : i32
            %scatter3A_506 = arith.constant 0 : i32
            %scatter3A_507 = tpu.memref_slice %arg9[%scan3A_215, %scatter3A_505, %scatter3A_506] : memref<4x128x16xf32, #tpu.memory_space<vmem>> -> memref<1x128x16xf32, #tpu.memory_space<vmem>>
            %scatter3A_508 = tpu.memref_squeeze %scatter3A_507 : memref<1x128x16xf32, #tpu.memory_space<vmem>> -> memref<128x16xf32, #tpu.memory_space<vmem>>
            tpu.vector_store_idx %scatter3A_508[%add3A_473, %broadcast_in_dim3A_503], %mul3A_504 : memref<128x16xf32, #tpu.memory_space<vmem>>[vector<16xi32>, vector<16xi32>], vector<16xf32>,
            %get3A_509 = arith.constant 1 : i32
            %get3A_510 = arith.constant 2 : i32
            %get3A_511 = arith.index_cast %get3A_509 : i32 to index
            %get3A_512 = arith.index_cast %scan3A_215 : i32 to index
            %get3A_513 = arith.index_cast %get3A_510 : i32 to index
            %get3A_514 = arith.index_cast %mul3A_471 : i32 to index
            %get3A_515 = tpu.vector_load %arg6[%get3A_511, %get3A_512, %get3A_513, %get3A_514] {strides = array<i32>} : memref<2x4x16x128xf32, #tpu.memory_space<vmem>>, vector<16xf32>,
            %broadcast_in_dim3A_516 = arith.constant 2 : i32
            %broadcast_in_dim3A_517 = vector.broadcast %broadcast_in_dim3A_516 : i32 to vector<16xi32>
            %mul3A_518 = arith.mulf %get3A_515, %get3A_480 : vector<16xf32>
            %scatter3A_519 = arith.constant 0 : i32
            %scatter3A_520 = arith.constant 0 : i32
            %scatter3A_521 = tpu.memref_slice %arg9[%scan3A_215, %scatter3A_519, %scatter3A_520] : memref<4x128x16xf32, #tpu.memory_space<vmem>> -> memref<1x128x16xf32, #tpu.memory_space<vmem>>
            %scatter3A_522 = tpu.memref_squeeze %scatter3A_521 : memref<1x128x16xf32, #tpu.memory_space<vmem>> -> memref<128x16xf32, #tpu.memory_space<vmem>>
            tpu.vector_store_idx %scatter3A_522[%add3A_473, %broadcast_in_dim3A_517], %mul3A_518 : memref<128x16xf32, #tpu.memory_space<vmem>>[vector<16xi32>, vector<16xi32>], vector<16xf32>,
            %get3A_523 = arith.constant 1 : i32
            %get3A_524 = arith.constant 3 : i32
            %get3A_525 = arith.index_cast %get3A_523 : i32 to index
            %get3A_526 = arith.index_cast %scan3A_215 : i32 to index
            %get3A_527 = arith.index_cast %get3A_524 : i32 to index
            %get3A_528 = arith.index_cast %mul3A_471 : i32 to index
            %get3A_529 = tpu.vector_load %arg6[%get3A_525, %get3A_526, %get3A_527, %get3A_528] {strides = array<i32>} : memref<2x4x16x128xf32, #tpu.memory_space<vmem>>, vector<16xf32>,
            %broadcast_in_dim3A_530 = arith.constant 3 : i32
            %broadcast_in_dim3A_531 = vector.broadcast %broadcast_in_dim3A_530 : i32 to vector<16xi32>
            %mul3A_532 = arith.mulf %get3A_529, %get3A_480 : vector<16xf32>
            %scatter3A_533 = arith.constant 0 : i32
            %scatter3A_534 = arith.constant 0 : i32
            %scatter3A_535 = tpu.memref_slice %arg9[%scan3A_215, %scatter3A_533, %scatter3A_534] : memref<4x128x16xf32, #tpu.memory_space<vmem>> -> memref<1x128x16xf32, #tpu.memory_space<vmem>>
            %scatter3A_536 = tpu.memref_squeeze %scatter3A_535 : memref<1x128x16xf32, #tpu.memory_space<vmem>> -> memref<128x16xf32, #tpu.memory_space<vmem>>
            tpu.vector_store_idx %scatter3A_536[%add3A_473, %broadcast_in_dim3A_531], %mul3A_532 : memref<128x16xf32, #tpu.memory_space<vmem>>[vector<16xi32>, vector<16xi32>], vector<16xf32>,
            %get3A_537 = arith.constant 1 : i32
            %get3A_538 = arith.constant 4 : i32
            %get3A_539 = arith.index_cast %get3A_537 : i32 to index
            %get3A_540 = arith.index_cast %scan3A_215 : i32 to index
            %get3A_541 = arith.index_cast %get3A_538 : i32 to index
            %get3A_542 = arith.index_cast %mul3A_471 : i32 to index
            %get3A_543 = tpu.vector_load %arg6[%get3A_539, %get3A_540, %get3A_541, %get3A_542] {strides = array<i32>} : memref<2x4x16x128xf32, #tpu.memory_space<vmem>>, vector<16xf32>,
            %broadcast_in_dim3A_544 = arith.constant 4 : i32
            %broadcast_in_dim3A_545 = vector.broadcast %broadcast_in_dim3A_544 : i32 to vector<16xi32>
            %mul3A_546 = arith.mulf %get3A_543, %get3A_480 : vector<16xf32>
            %scatter3A_547 = arith.constant 0 : i32
            %scatter3A_548 = arith.constant 0 : i32
            %scatter3A_549 = tpu.memref_slice %arg9[%scan3A_215, %scatter3A_547, %scatter3A_548] : memref<4x128x16xf32, #tpu.memory_space<vmem>> -> memref<1x128x16xf32, #tpu.memory_space<vmem>>
            %scatter3A_550 = tpu.memref_squeeze %scatter3A_549 : memref<1x128x16xf32, #tpu.memory_space<vmem>> -> memref<128x16xf32, #tpu.memory_space<vmem>>
            tpu.vector_store_idx %scatter3A_550[%add3A_473, %broadcast_in_dim3A_545], %mul3A_546 : memref<128x16xf32, #tpu.memory_space<vmem>>[vector<16xi32>, vector<16xi32>], vector<16xf32>,
            %get3A_551 = arith.constant 1 : i32
            %get3A_552 = arith.constant 5 : i32
            %get3A_553 = arith.index_cast %get3A_551 : i32 to index
            %get3A_554 = arith.index_cast %scan3A_215 : i32 to index
            %get3A_555 = arith.index_cast %get3A_552 : i32 to index
            %get3A_556 = arith.index_cast %mul3A_471 : i32 to index
            %get3A_557 = tpu.vector_load %arg6[%get3A_553, %get3A_554, %get3A_555, %get3A_556] {strides = array<i32>} : memref<2x4x16x128xf32, #tpu.memory_space<vmem>>, vector<16xf32>,
            %broadcast_in_dim3A_558 = arith.constant 5 : i32
            %broadcast_in_dim3A_559 = vector.broadcast %broadcast_in_dim3A_558 : i32 to vector<16xi32>
            %mul3A_560 = arith.mulf %get3A_557, %get3A_480 : vector<16xf32>
            %scatter3A_561 = arith.constant 0 : i32
            %scatter3A_562 = arith.constant 0 : i32
            %scatter3A_563 = tpu.memref_slice %arg9[%scan3A_215, %scatter3A_561, %scatter3A_562] : memref<4x128x16xf32, #tpu.memory_space<vmem>> -> memref<1x128x16xf32, #tpu.memory_space<vmem>>
            %scatter3A_564 = tpu.memref_squeeze %scatter3A_563 : memref<1x128x16xf32, #tpu.memory_space<vmem>> -> memref<128x16xf32, #tpu.memory_space<vmem>>
            tpu.vector_store_idx %scatter3A_564[%add3A_473, %broadcast_in_dim3A_559], %mul3A_560 : memref<128x16xf32, #tpu.memory_space<vmem>>[vector<16xi32>, vector<16xi32>], vector<16xf32>,
            %get3A_565 = arith.constant 1 : i32
            %get3A_566 = arith.constant 6 : i32
            %get3A_567 = arith.index_cast %get3A_565 : i32 to index
            %get3A_568 = arith.index_cast %scan3A_215 : i32 to index
            %get3A_569 = arith.index_cast %get3A_566 : i32 to index
            %get3A_570 = arith.index_cast %mul3A_471 : i32 to index
            %get3A_571 = tpu.vector_load %arg6[%get3A_567, %get3A_568, %get3A_569, %get3A_570] {strides = array<i32>} : memref<2x4x16x128xf32, #tpu.memory_space<vmem>>, vector<16xf32>,
            %broadcast_in_dim3A_572 = arith.constant 6 : i32
            %broadcast_in_dim3A_573 = vector.broadcast %broadcast_in_dim3A_572 : i32 to vector<16xi32>
            %mul3A_574 = arith.mulf %get3A_571, %get3A_480 : vector<16xf32>
            %scatter3A_575 = arith.constant 0 : i32
            %scatter3A_576 = arith.constant 0 : i32
            %scatter3A_577 = tpu.memref_slice %arg9[%scan3A_215, %scatter3A_575, %scatter3A_576] : memref<4x128x16xf32, #tpu.memory_space<vmem>> -> memref<1x128x16xf32, #tpu.memory_space<vmem>>
            %scatter3A_578 = tpu.memref_squeeze %scatter3A_577 : memref<1x128x16xf32, #tpu.memory_space<vmem>> -> memref<128x16xf32, #tpu.memory_space<vmem>>
            tpu.vector_store_idx %scatter3A_578[%add3A_473, %broadcast_in_dim3A_573], %mul3A_574 : memref<128x16xf32, #tpu.memory_space<vmem>>[vector<16xi32>, vector<16xi32>], vector<16xf32>,
            %get3A_579 = arith.constant 1 : i32
            %get3A_580 = arith.constant 7 : i32
            %get3A_581 = arith.index_cast %get3A_579 : i32 to index
            %get3A_582 = arith.index_cast %scan3A_215 : i32 to index
            %get3A_583 = arith.index_cast %get3A_580 : i32 to index
            %get3A_584 = arith.index_cast %mul3A_471 : i32 to index
            %get3A_585 = tpu.vector_load %arg6[%get3A_581, %get3A_582, %get3A_583, %get3A_584] {strides = array<i32>} : memref<2x4x16x128xf32, #tpu.memory_space<vmem>>, vector<16xf32>,
            %broadcast_in_dim3A_586 = arith.constant 7 : i32
            %broadcast_in_dim3A_587 = vector.broadcast %broadcast_in_dim3A_586 : i32 to vector<16xi32>
            %mul3A_588 = arith.mulf %get3A_585, %get3A_480 : vector<16xf32>
            %scatter3A_589 = arith.constant 0 : i32
            %scatter3A_590 = arith.constant 0 : i32
            %scatter3A_591 = tpu.memref_slice %arg9[%scan3A_215, %scatter3A_589, %scatter3A_590] : memref<4x128x16xf32, #tpu.memory_space<vmem>> -> memref<1x128x16xf32, #tpu.memory_space<vmem>>
            %scatter3A_592 = tpu.memref_squeeze %scatter3A_591 : memref<1x128x16xf32, #tpu.memory_space<vmem>> -> memref<128x16xf32, #tpu.memory_space<vmem>>
            tpu.vector_store_idx %scatter3A_592[%add3A_473, %broadcast_in_dim3A_587], %mul3A_588 : memref<128x16xf32, #tpu.memory_space<vmem>>[vector<16xi32>, vector<16xi32>], vector<16xf32>,
            %get3A_593 = arith.constant 1 : i32
            %get3A_594 = arith.constant 8 : i32
            %get3A_595 = arith.index_cast %get3A_593 : i32 to index
            %get3A_596 = arith.index_cast %scan3A_215 : i32 to index
            %get3A_597 = arith.index_cast %get3A_594 : i32 to index
            %get3A_598 = arith.index_cast %mul3A_471 : i32 to index
            %get3A_599 = tpu.vector_load %arg6[%get3A_595, %get3A_596, %get3A_597, %get3A_598] {strides = array<i32>} : memref<2x4x16x128xf32, #tpu.memory_space<vmem>>, vector<16xf32>,
            %broadcast_in_dim3A_600 = arith.constant 8 : i32
            %broadcast_in_dim3A_601 = vector.broadcast %broadcast_in_dim3A_600 : i32 to vector<16xi32>
            %mul3A_602 = arith.mulf %get3A_599, %get3A_480 : vector<16xf32>
            %scatter3A_603 = arith.constant 0 : i32
            %scatter3A_604 = arith.constant 0 : i32
            %scatter3A_605 = tpu.memref_slice %arg9[%scan3A_215, %scatter3A_603, %scatter3A_604] : memref<4x128x16xf32, #tpu.memory_space<vmem>> -> memref<1x128x16xf32, #tpu.memory_space<vmem>>
            %scatter3A_606 = tpu.memref_squeeze %scatter3A_605 : memref<1x128x16xf32, #tpu.memory_space<vmem>> -> memref<128x16xf32, #tpu.memory_space<vmem>>
            tpu.vector_store_idx %scatter3A_606[%add3A_473, %broadcast_in_dim3A_601], %mul3A_602 : memref<128x16xf32, #tpu.memory_space<vmem>>[vector<16xi32>, vector<16xi32>], vector<16xf32>,
            %get3A_607 = arith.constant 1 : i32
            %get3A_608 = arith.constant 9 : i32
            %get3A_609 = arith.index_cast %get3A_607 : i32 to index
            %get3A_610 = arith.index_cast %scan3A_215 : i32 to index
            %get3A_611 = arith.index_cast %get3A_608 : i32 to index
            %get3A_612 = arith.index_cast %mul3A_471 : i32 to index
            %get3A_613 = tpu.vector_load %arg6[%get3A_609, %get3A_610, %get3A_611, %get3A_612] {strides = array<i32>} : memref<2x4x16x128xf32, #tpu.memory_space<vmem>>, vector<16xf32>,
            %broadcast_in_dim3A_614 = arith.constant 9 : i32
            %broadcast_in_dim3A_615 = vector.broadcast %broadcast_in_dim3A_614 : i32 to vector<16xi32>
            %mul3A_616 = arith.mulf %get3A_613, %get3A_480 : vector<16xf32>
            %scatter3A_617 = arith.constant 0 : i32
            %scatter3A_618 = arith.constant 0 : i32
            %scatter3A_619 = tpu.memref_slice %arg9[%scan3A_215, %scatter3A_617, %scatter3A_618] : memref<4x128x16xf32, #tpu.memory_space<vmem>> -> memref<1x128x16xf32, #tpu.memory_space<vmem>>
            %scatter3A_620 = tpu.memref_squeeze %scatter3A_619 : memref<1x128x16xf32, #tpu.memory_space<vmem>> -> memref<128x16xf32, #tpu.memory_space<vmem>>
            tpu.vector_store_idx %scatter3A_620[%add3A_473, %broadcast_in_dim3A_615], %mul3A_616 : memref<128x16xf32, #tpu.memory_space<vmem>>[vector<16xi32>, vector<16xi32>], vector<16xf32>,
            %get3A_621 = arith.constant 1 : i32
            %get3A_622 = arith.constant 10 : i32
            %get3A_623 = arith.index_cast %get3A_621 : i32 to index
            %get3A_624 = arith.index_cast %scan3A_215 : i32 to index
            %get3A_625 = arith.index_cast %get3A_622 : i32 to index
            %get3A_626 = arith.index_cast %mul3A_471 : i32 to index
            %get3A_627 = tpu.vector_load %arg6[%get3A_623, %get3A_624, %get3A_625, %get3A_626] {strides = array<i32>} : memref<2x4x16x128xf32, #tpu.memory_space<vmem>>, vector<16xf32>,
            %broadcast_in_dim3A_628 = arith.constant 10 : i32
            %broadcast_in_dim3A_629 = vector.broadcast %broadcast_in_dim3A_628 : i32 to vector<16xi32>
            %mul3A_630 = arith.mulf %get3A_627, %get3A_480 : vector<16xf32>
            %scatter3A_631 = arith.constant 0 : i32
            %scatter3A_632 = arith.constant 0 : i32
            %scatter3A_633 = tpu.memref_slice %arg9[%scan3A_215, %scatter3A_631, %scatter3A_632] : memref<4x128x16xf32, #tpu.memory_space<vmem>> -> memref<1x128x16xf32, #tpu.memory_space<vmem>>
            %scatter3A_634 = tpu.memref_squeeze %scatter3A_633 : memref<1x128x16xf32, #tpu.memory_space<vmem>> -> memref<128x16xf32, #tpu.memory_space<vmem>>
            tpu.vector_store_idx %scatter3A_634[%add3A_473, %broadcast_in_dim3A_629], %mul3A_630 : memref<128x16xf32, #tpu.memory_space<vmem>>[vector<16xi32>, vector<16xi32>], vector<16xf32>,
            %get3A_635 = arith.constant 1 : i32
            %get3A_636 = arith.constant 11 : i32
            %get3A_637 = arith.index_cast %get3A_635 : i32 to index
            %get3A_638 = arith.index_cast %scan3A_215 : i32 to index
            %get3A_639 = arith.index_cast %get3A_636 : i32 to index
            %get3A_640 = arith.index_cast %mul3A_471 : i32 to index
            %get3A_641 = tpu.vector_load %arg6[%get3A_637, %get3A_638, %get3A_639, %get3A_640] {strides = array<i32>} : memref<2x4x16x128xf32, #tpu.memory_space<vmem>>, vector<16xf32>,
            %broadcast_in_dim3A_642 = arith.constant 11 : i32
            %broadcast_in_dim3A_643 = vector.broadcast %broadcast_in_dim3A_642 : i32 to vector<16xi32>
            %mul3A_644 = arith.mulf %get3A_641, %get3A_480 : vector<16xf32>
            %scatter3A_645 = arith.constant 0 : i32
            %scatter3A_646 = arith.constant 0 : i32
            %scatter3A_647 = tpu.memref_slice %arg9[%scan3A_215, %scatter3A_645, %scatter3A_646] : memref<4x128x16xf32, #tpu.memory_space<vmem>> -> memref<1x128x16xf32, #tpu.memory_space<vmem>>
            %scatter3A_648 = tpu.memref_squeeze %scatter3A_647 : memref<1x128x16xf32, #tpu.memory_space<vmem>> -> memref<128x16xf32, #tpu.memory_space<vmem>>
            tpu.vector_store_idx %scatter3A_648[%add3A_473, %broadcast_in_dim3A_643], %mul3A_644 : memref<128x16xf32, #tpu.memory_space<vmem>>[vector<16xi32>, vector<16xi32>], vector<16xf32>,
            %get3A_649 = arith.constant 1 : i32
            %get3A_650 = arith.constant 12 : i32
            %get3A_651 = arith.index_cast %get3A_649 : i32 to index
            %get3A_652 = arith.index_cast %scan3A_215 : i32 to index
            %get3A_653 = arith.index_cast %get3A_650 : i32 to index
            %get3A_654 = arith.index_cast %mul3A_471 : i32 to index
            %get3A_655 = tpu.vector_load %arg6[%get3A_651, %get3A_652, %get3A_653, %get3A_654] {strides = array<i32>} : memref<2x4x16x128xf32, #tpu.memory_space<vmem>>, vector<16xf32>,
            %broadcast_in_dim3A_656 = arith.constant 12 : i32
            %broadcast_in_dim3A_657 = vector.broadcast %broadcast_in_dim3A_656 : i32 to vector<16xi32>
            %mul3A_658 = arith.mulf %get3A_655, %get3A_480 : vector<16xf32>
            %scatter3A_659 = arith.constant 0 : i32
            %scatter3A_660 = arith.constant 0 : i32
            %scatter3A_661 = tpu.memref_slice %arg9[%scan3A_215, %scatter3A_659, %scatter3A_660] : memref<4x128x16xf32, #tpu.memory_space<vmem>> -> memref<1x128x16xf32, #tpu.memory_space<vmem>>
            %scatter3A_662 = tpu.memref_squeeze %scatter3A_661 : memref<1x128x16xf32, #tpu.memory_space<vmem>> -> memref<128x16xf32, #tpu.memory_space<vmem>>
            tpu.vector_store_idx %scatter3A_662[%add3A_473, %broadcast_in_dim3A_657], %mul3A_658 : memref<128x16xf32, #tpu.memory_space<vmem>>[vector<16xi32>, vector<16xi32>], vector<16xf32>,
            %get3A_663 = arith.constant 1 : i32
            %get3A_664 = arith.constant 13 : i32
            %get3A_665 = arith.index_cast %get3A_663 : i32 to index
            %get3A_666 = arith.index_cast %scan3A_215 : i32 to index
            %get3A_667 = arith.index_cast %get3A_664 : i32 to index
            %get3A_668 = arith.index_cast %mul3A_471 : i32 to index
            %get3A_669 = tpu.vector_load %arg6[%get3A_665, %get3A_666, %get3A_667, %get3A_668] {strides = array<i32>} : memref<2x4x16x128xf32, #tpu.memory_space<vmem>>, vector<16xf32>,
            %broadcast_in_dim3A_670 = arith.constant 13 : i32
            %broadcast_in_dim3A_671 = vector.broadcast %broadcast_in_dim3A_670 : i32 to vector<16xi32>
            %mul3A_672 = arith.mulf %get3A_669, %get3A_480 : vector<16xf32>
            %scatter3A_673 = arith.constant 0 : i32
            %scatter3A_674 = arith.constant 0 : i32
            %scatter3A_675 = tpu.memref_slice %arg9[%scan3A_215, %scatter3A_673, %scatter3A_674] : memref<4x128x16xf32, #tpu.memory_space<vmem>> -> memref<1x128x16xf32, #tpu.memory_space<vmem>>
            %scatter3A_676 = tpu.memref_squeeze %scatter3A_675 : memref<1x128x16xf32, #tpu.memory_space<vmem>> -> memref<128x16xf32, #tpu.memory_space<vmem>>
            tpu.vector_store_idx %scatter3A_676[%add3A_473, %broadcast_in_dim3A_671], %mul3A_672 : memref<128x16xf32, #tpu.memory_space<vmem>>[vector<16xi32>, vector<16xi32>], vector<16xf32>,
            %get3A_677 = arith.constant 1 : i32
            %get3A_678 = arith.constant 14 : i32
            %get3A_679 = arith.index_cast %get3A_677 : i32 to index
            %get3A_680 = arith.index_cast %scan3A_215 : i32 to index
            %get3A_681 = arith.index_cast %get3A_678 : i32 to index
            %get3A_682 = arith.index_cast %mul3A_471 : i32 to index
            %get3A_683 = tpu.vector_load %arg6[%get3A_679, %get3A_680, %get3A_681, %get3A_682] {strides = array<i32>} : memref<2x4x16x128xf32, #tpu.memory_space<vmem>>, vector<16xf32>,
            %broadcast_in_dim3A_684 = arith.constant 14 : i32
            %broadcast_in_dim3A_685 = vector.broadcast %broadcast_in_dim3A_684 : i32 to vector<16xi32>
            %mul3A_686 = arith.mulf %get3A_683, %get3A_480 : vector<16xf32>
            %scatter3A_687 = arith.constant 0 : i32
            %scatter3A_688 = arith.constant 0 : i32
            %scatter3A_689 = tpu.memref_slice %arg9[%scan3A_215, %scatter3A_687, %scatter3A_688] : memref<4x128x16xf32, #tpu.memory_space<vmem>> -> memref<1x128x16xf32, #tpu.memory_space<vmem>>
            %scatter3A_690 = tpu.memref_squeeze %scatter3A_689 : memref<1x128x16xf32, #tpu.memory_space<vmem>> -> memref<128x16xf32, #tpu.memory_space<vmem>>
            tpu.vector_store_idx %scatter3A_690[%add3A_473, %broadcast_in_dim3A_685], %mul3A_686 : memref<128x16xf32, #tpu.memory_space<vmem>>[vector<16xi32>, vector<16xi32>], vector<16xf32>,
            %get3A_691 = arith.constant 1 : i32
            %get3A_692 = arith.constant 15 : i32
            %get3A_693 = arith.index_cast %get3A_691 : i32 to index
            %get3A_694 = arith.index_cast %scan3A_215 : i32 to index
            %get3A_695 = arith.index_cast %get3A_692 : i32 to index
            %get3A_696 = arith.index_cast %mul3A_471 : i32 to index
            %get3A_697 = tpu.vector_load %arg6[%get3A_693, %get3A_694, %get3A_695, %get3A_696] {strides = array<i32>} : memref<2x4x16x128xf32, #tpu.memory_space<vmem>>, vector<16xf32>,
            %broadcast_in_dim3A_698 = arith.constant 15 : i32
            %broadcast_in_dim3A_699 = vector.broadcast %broadcast_in_dim3A_698 : i32 to vector<16xi32>
            %mul3A_700 = arith.mulf %get3A_697, %get3A_480 : vector<16xf32>
            %scatter3A_701 = arith.constant 0 : i32
            %scatter3A_702 = arith.constant 0 : i32
            %scatter3A_703 = tpu.memref_slice %arg9[%scan3A_215, %scatter3A_701, %scatter3A_702] : memref<4x128x16xf32, #tpu.memory_space<vmem>> -> memref<1x128x16xf32, #tpu.memory_space<vmem>>
            %scatter3A_704 = tpu.memref_squeeze %scatter3A_703 : memref<1x128x16xf32, #tpu.memory_space<vmem>> -> memref<128x16xf32, #tpu.memory_space<vmem>>
            tpu.vector_store_idx %scatter3A_704[%add3A_473, %broadcast_in_dim3A_699], %mul3A_700 : memref<128x16xf32, #tpu.memory_space<vmem>>[vector<16xi32>, vector<16xi32>], vector<16xf32>,
          }
          %scan3A_221 = arith.constant 8 : i32
          %dma_start3A_222 = arith.constant 1 : i32
          %dma_start3A_223 = arith.constant 1 : i32
          %dma_start3A_224 = arith.constant 0 : i32
          %dma_start3A_225 = arith.constant 0 : i32
          %dma_start3A_226 = tpu.memref_slice %arg9[%scan3A_215, %dma_start3A_224, %dma_start3A_225] : memref<4x128x16xf32, #tpu.memory_space<vmem>> -> memref<1x128x16xf32, #tpu.memory_space<vmem>>
          %dma_start3A_227 = tpu.memref_squeeze %dma_start3A_226 : memref<1x128x16xf32, #tpu.memory_space<vmem>> -> memref<128x16xf32, #tpu.memory_space<vmem>>
          %dma_start3A_228 = arith.constant 0 : i32
          %dma_start3A_229 = tpu.memref_slice %arg8[%dma_start3A_222, %scan3A_215, %dma_start3A_223, %dma_start3A_228] : memref<2x4x2x128xi32, #tpu.memory_space<vmem>> -> memref<1x1x1x128xi32, #tpu.memory_space<vmem>>
          %dma_start3A_230 = tpu.memref_squeeze %dma_start3A_229 : memref<1x1x1x128xi32, #tpu.memory_space<vmem>> -> memref<128xi32, #tpu.memory_space<vmem>>
          %dma_start3A_231 = arith.constant 0 : i32
          %dma_start3A_232 = arith.constant 0 : i32
          %dma_start3A_233 = tpu.memref_slice %arg10[%dma_start3A_231, %dma_start3A_232] : memref<100000x16xf32, #tpu.memory_space<vmem_shared>> -> memref<100000x16xf32, #tpu.memory_space<vmem_shared>>
          tpu.enqueue_indirect_dma source(%dma_start3A_227 : memref<128x16xf32, #tpu.memory_space<vmem>>) target(%dma_start3A_233 : memref<100000x16xf32, #tpu.memory_space<vmem_shared>>) offsets(%dma_start3A_230 : memref<128xi32, #tpu.memory_space<vmem>>) semaphore(%arg13 : memref<!tpu.dma_semaphore, #tpu.memory_space<semaphore_mem>>) {add = true}
        }
        %scan3A_208 = arith.constant 4 : i32
        %scan3A_209 = arith.constant 0 : i32
        %scan3A_210 = arith.constant 0 : i32
        %scan3A_211 = arith.constant 4 : i32
        %scan3A_212 = arith.addi %scan3A_210, %scan3A_211 : i32
        %scan3A_213 = arith.constant 1 : i32
        scf.for %scan3A_215 = %scan3A_210 to %scan3A_212 step %scan3A_213  : i32 {
          %dma_wait3A_216 = arith.constant 1 : i32
          %dma_wait3A_217 = arith.constant 1 : i32
          %dma_wait3A_218 = arith.constant 0 : i32
          %dma_wait3A_219 = arith.constant 0 : i32
          %dma_wait3A_220 = tpu.memref_slice %arg9[%scan3A_215, %dma_wait3A_218, %dma_wait3A_219] : memref<4x128x16xf32, #tpu.memory_space<vmem>> -> memref<1x128x16xf32, #tpu.memory_space<vmem>>
          %dma_wait3A_221 = tpu.memref_squeeze %dma_wait3A_220 : memref<1x128x16xf32, #tpu.memory_space<vmem>> -> memref<128x16xf32, #tpu.memory_space<vmem>>
          %dma_wait3A_222 = arith.constant 0 : i32
          %dma_wait3A_223 = tpu.memref_slice %arg8[%dma_wait3A_216, %scan3A_215, %dma_wait3A_217, %dma_wait3A_222] : memref<2x4x2x128xi32, #tpu.memory_space<vmem>> -> memref<1x1x1x128xi32, #tpu.memory_space<vmem>>
          %dma_wait3A_224 = tpu.memref_squeeze %dma_wait3A_223 : memref<1x1x1x128xi32, #tpu.memory_space<vmem>> -> memref<128xi32, #tpu.memory_space<vmem>>
          %dma_wait3A_225 = arith.constant 0 : i32
          %dma_wait3A_226 = arith.constant 0 : i32
          %dma_wait3A_227 = tpu.memref_slice %arg10[%dma_wait3A_225, %dma_wait3A_226] : memref<100000x16xf32, #tpu.memory_space<vmem_shared>> -> memref<100000x16xf32, #tpu.memory_space<vmem_shared>>
          tpu.wait_indirect_dma semaphore(%arg13 : memref<!tpu.dma_semaphore, #tpu.memory_space<semaphore_mem>>) src(%dma_wait3A_221 : memref<128x16xf32, #tpu.memory_space<vmem>>) dst(%dma_wait3A_227 : memref<100000x16xf32, #tpu.memory_space<vmem_shared>>)
        }
        %scan3A_214 = arith.constant 4 : i32
      } else {
      }
    }
    %scan3A_92 = arith.constant 98 : i32
    %barrier3A_93 = arith.constant 0 : index
    tpu.barrier barrier_id(%barrier3A_93)
    %scan3A_94 = arith.constant 0 : i32
    %scan3A_95 = arith.constant 0 : i32
    %scan3A_96 = arith.constant 24 : i32
    %scan3A_97 = arith.addi %scan3A_95, %scan3A_96 : i32
    %scan3A_98 = arith.constant 1 : i32
    scf.for %scan3A_103 = %scan3A_95 to %scan3A_97 step %scan3A_98  : i32 {
      %mul3A_104 = arith.constant 256 : i32
      %mul3A_105 = arith.muli %scan3A_103, %mul3A_104 : i32
      %add3A_106 = arith.addi %multiple_of3A, %mul3A_105 : i32
      %multiple_of3A_107 = tpu.assume_multiple %add3A_106, 8 : i32
      "tpu.region"() ({
        %run_scoped3A_108 = tpu.sem_alloc : memref<!tpu.dma_semaphore, #tpu.memory_space<semaphore_mem>>
        %dma_start3A_109 = arith.constant 0 : i32
        %dma_start3A_110 = tpu.memref_slice %arg5[%arg0, %multiple_of3A_107, %dma_start3A_109] : memref<2x100000x16xf32, #tpu.memory_space<hbm>> -> memref<1x256x16xf32, #tpu.memory_space<hbm>>
        %dma_start3A_111 = tpu.memref_squeeze %dma_start3A_110 : memref<1x256x16xf32, #tpu.memory_space<hbm>> -> memref<256x16xf32, #tpu.memory_space<hbm>>
        %dma_start3A_112 = arith.constant 0 : i32
        %dma_start3A_113 = tpu.memref_slice %arg10[%multiple_of3A_107, %dma_start3A_112] : memref<100000x16xf32, #tpu.memory_space<vmem_shared>> -> memref<256x16xf32, #tpu.memory_space<vmem_shared>>
        tpu.enqueue_dma source(%dma_start3A_113 : memref<256x16xf32, #tpu.memory_space<vmem_shared>>) target(%dma_start3A_111 : memref<256x16xf32, #tpu.memory_space<hbm>>) target_semaphore(%run_scoped3A_108 : memref<!tpu.dma_semaphore, #tpu.memory_space<semaphore_mem>>)
        %dma_wait3A = arith.constant 0 : i32
        %dma_wait3A_114 = tpu.memref_slice %arg5[%arg0, %multiple_of3A_107, %dma_wait3A] : memref<2x100000x16xf32, #tpu.memory_space<hbm>> -> memref<1x256x16xf32, #tpu.memory_space<hbm>>
        %dma_wait3A_115 = tpu.memref_squeeze %dma_wait3A_114 : memref<1x256x16xf32, #tpu.memory_space<hbm>> -> memref<256x16xf32, #tpu.memory_space<hbm>>
        %dma_wait3A_116 = arith.constant 0 : i32
        %dma_wait3A_117 = tpu.memref_slice %arg10[%multiple_of3A_107, %dma_wait3A_116] : memref<100000x16xf32, #tpu.memory_space<vmem_shared>> -> memref<256x16xf32, #tpu.memory_space<vmem_shared>>
        tpu.wait_dma2 semaphore(%run_scoped3A_108 : memref<!tpu.dma_semaphore, #tpu.memory_space<semaphore_mem>>) src(%dma_wait3A_117 : memref<256x16xf32, #tpu.memory_space<vmem_shared>>) dst(%dma_wait3A_115 : memref<256x16xf32, #tpu.memory_space<hbm>>)
        tpu.yield
      }) : () -> ()
    }
    %scan3A_99 = arith.constant 24 : i32
    %add3A_100 = arith.constant 6144 : i32
    %add3A_101 = arith.addi %multiple_of3A, %add3A_100 : i32
    %multiple_of3A_102 = tpu.assume_multiple %add3A_101, 8 : i32
    "tpu.region"() ({
      %run_scoped3A_103 = tpu.sem_alloc : memref<!tpu.dma_semaphore, #tpu.memory_space<semaphore_mem>>
      %dma_start3A_104 = arith.constant 0 : i32
      %dma_start3A_105 = tpu.memref_slice %arg5[%arg0, %multiple_of3A_102, %dma_start3A_104] : memref<2x100000x16xf32, #tpu.memory_space<hbm>> -> memref<1x112x16xf32, #tpu.memory_space<hbm>>
      %dma_start3A_106 = tpu.memref_squeeze %dma_start3A_105 : memref<1x112x16xf32, #tpu.memory_space<hbm>> -> memref<112x16xf32, #tpu.memory_space<hbm>>
      %dma_start3A_107 = arith.constant 0 : i32
      %dma_start3A_108 = tpu.memref_slice %arg10[%multiple_of3A_102, %dma_start3A_107] : memref<100000x16xf32, #tpu.memory_space<vmem_shared>> -> memref<112x16xf32, #tpu.memory_space<vmem_shared>>
      tpu.enqueue_dma source(%dma_start3A_108 : memref<112x16xf32, #tpu.memory_space<vmem_shared>>) target(%dma_start3A_106 : memref<112x16xf32, #tpu.memory_space<hbm>>) target_semaphore(%run_scoped3A_103 : memref<!tpu.dma_semaphore, #tpu.memory_space<semaphore_mem>>)
      %dma_wait3A = arith.constant 0 : i32
      %dma_wait3A_109 = tpu.memref_slice %arg5[%arg0, %multiple_of3A_102, %dma_wait3A] : memref<2x100000x16xf32, #tpu.memory_space<hbm>> -> memref<1x112x16xf32, #tpu.memory_space<hbm>>
      %dma_wait3A_110 = tpu.memref_squeeze %dma_wait3A_109 : memref<1x112x16xf32, #tpu.memory_space<hbm>> -> memref<112x16xf32, #tpu.memory_space<hbm>>
      %dma_wait3A_111 = arith.constant 0 : i32
      %dma_wait3A_112 = tpu.memref_slice %arg10[%multiple_of3A_102, %dma_wait3A_111] : memref<100000x16xf32, #tpu.memory_space<vmem_shared>> -> memref<112x16xf32, #tpu.memory_space<vmem_shared>>
      tpu.wait_dma2 semaphore(%run_scoped3A_103 : memref<!tpu.dma_semaphore, #tpu.memory_space<semaphore_mem>>) src(%dma_wait3A_112 : memref<112x16xf32, #tpu.memory_space<vmem_shared>>) dst(%dma_wait3A_110 : memref<112x16xf32, #tpu.memory_space<hbm>>)
      tpu.yield
    }) : () -> ()
    return
  }
}

module attributes {stable_mosaic.version = 14 : i64} {
  func.func @_mlp_body(%arg0: i32, %arg1: memref<2x2000x16xf32, #tpu.memory_space<vmem>>, %arg2: memref<16x128xf32, #tpu.memory_space<vmem>>, %arg3: memref<1x128xf32, #tpu.memory_space<vmem>>, %arg4: memref<128x32xf32, #tpu.memory_space<vmem>>, %arg5: memref<1x32xf32, #tpu.memory_space<vmem>>, %arg6: memref<32x4xf32, #tpu.memory_space<vmem>>, %arg7: memref<1x4xf32, #tpu.memory_space<vmem>>, %arg8: memref<2000x4xf32, #tpu.memory_space<vmem>>) attributes {dimension_semantics = [#tpu.dimension_semantics<arbitrary>], iteration_bounds = array<i64: 50>, scalar_prefetch = 0 : i64, scratch_operands = 0 : i64, tpu.core_type = #tpu.core_type<tc>, window_params = [{transform_indices = @transform_0, window_bounds = array<i64: 2, 2000, 16>}, {pipeline_mode = #tpu.pipeline_mode<synchronous>, transform_indices = @transform_1, window_bounds = array<i64: 16, 128>}, {pipeline_mode = #tpu.pipeline_mode<synchronous>, transform_indices = @transform_2, window_bounds = array<i64: 1, 128>}, {pipeline_mode = #tpu.pipeline_mode<synchronous>, transform_indices = @transform_3, window_bounds = array<i64: 128, 32>}, {pipeline_mode = #tpu.pipeline_mode<synchronous>, transform_indices = @transform_4, window_bounds = array<i64: 1, 32>}, {pipeline_mode = #tpu.pipeline_mode<synchronous>, transform_indices = @transform_5, window_bounds = array<i64: 32, 4>}, {pipeline_mode = #tpu.pipeline_mode<synchronous>, transform_indices = @transform_6, window_bounds = array<i64: 1, 4>}, {transform_indices = @transform_7, window_bounds = array<i64: 2000, 4>}]} {
    %get3A = arith.constant 0 : index
    %get3A_0 = arith.constant 0 : index
    %get3A_1 = arith.constant 0 : index
    %get3A_2 = vector.load %arg1[%get3A, %get3A_0, %get3A_1] : memref<2x2000x16xf32, #tpu.memory_space<vmem>>, vector<1x2000x16xf32>
    %get3A_3 = vector.shape_cast %get3A_2 : vector<1x2000x16xf32> to vector<2000x16xf32>
    %get3A_4 = arith.constant 1 : index
    %get3A_5 = arith.constant 0 : index
    %get3A_6 = arith.constant 0 : index
    %get3A_7 = vector.load %arg1[%get3A_4, %get3A_5, %get3A_6] : memref<2x2000x16xf32, #tpu.memory_space<vmem>>, vector<1x2000x16xf32>
    %get3A_8 = vector.shape_cast %get3A_7 : vector<1x2000x16xf32> to vector<2000x16xf32>
    %add3A = arith.addf %get3A_3, %get3A_8 : vector<2000x16xf32>
    %get3A_9 = arith.constant 0 : index
    %get3A_10 = arith.constant 0 : index
    %get3A_11 = vector.load %arg2[%get3A_9, %get3A_10] : memref<16x128xf32, #tpu.memory_space<vmem>>, vector<16x128xf32>
    %dot_general3A = arith.constant dense<0.000000e+00> : vector<2000x128xf32>
    %dot_general3A_12 = tpu.matmul %add3A, %get3A_11, %dot_general3A {dimension_numbers = #tpu.dot_dimension_numbers<[1], [0], [0], [1], [0, 0, 1, 1], [], []>, transpose_lhs_hint = false} : vector<2000x16xf32>, vector<16x128xf32>, vector<2000x128xf32> -> vector<2000x128xf32>
    %get3A_13 = arith.constant 0 : index
    %get3A_14 = arith.constant 0 : index
    %get3A_15 = vector.load %arg3[%get3A_13, %get3A_14] : memref<1x128xf32, #tpu.memory_space<vmem>>, vector<1x128xf32>
    %add3A_16 = vector.broadcast %get3A_15 : vector<1x128xf32> to vector<2000x128xf32>
    %add3A_17 = arith.addf %dot_general3A_12, %add3A_16 : vector<2000x128xf32>
    %max3A = arith.constant 0.000000e+00 : f32
    %max3A_18 = vector.broadcast %max3A : f32 to vector<2000x128xf32>
    %max3A_19 = arith.maximumf %add3A_17, %max3A_18 : vector<2000x128xf32>
    %get3A_20 = arith.constant 0 : index
    %get3A_21 = arith.constant 0 : index
    %get3A_22 = vector.load %arg4[%get3A_20, %get3A_21] : memref<128x32xf32, #tpu.memory_space<vmem>>, vector<128x32xf32>
    %dot_general3A_23 = arith.constant dense<0.000000e+00> : vector<2000x32xf32>
    %dot_general3A_24 = tpu.matmul %max3A_19, %get3A_22, %dot_general3A_23 {dimension_numbers = #tpu.dot_dimension_numbers<[1], [0], [0], [1], [0, 0, 1, 1], [], []>, transpose_lhs_hint = false} : vector<2000x128xf32>, vector<128x32xf32>, vector<2000x32xf32> -> vector<2000x32xf32>
    %get3A_25 = arith.constant 0 : index
    %get3A_26 = arith.constant 0 : index
    %get3A_27 = vector.load %arg5[%get3A_25, %get3A_26] : memref<1x32xf32, #tpu.memory_space<vmem>>, vector<1x32xf32>
    %add3A_28 = vector.broadcast %get3A_27 : vector<1x32xf32> to vector<2000x32xf32>
    %add3A_29 = arith.addf %dot_general3A_24, %add3A_28 : vector<2000x32xf32>
    %get3A_30 = arith.constant 0 : index
    %get3A_31 = arith.constant 0 : index
    %get3A_32 = vector.load %arg6[%get3A_30, %get3A_31] : memref<32x4xf32, #tpu.memory_space<vmem>>, vector<32x4xf32>
    %dot_general3A_33 = arith.constant dense<0.000000e+00> : vector<2000x4xf32>
    %dot_general3A_34 = tpu.matmul %add3A_29, %get3A_32, %dot_general3A_33 {dimension_numbers = #tpu.dot_dimension_numbers<[1], [0], [0], [1], [0, 0, 1, 1], [], []>, transpose_lhs_hint = false} : vector<2000x32xf32>, vector<32x4xf32>, vector<2000x4xf32> -> vector<2000x4xf32>
    %get3A_35 = arith.constant 0 : index
    %get3A_36 = arith.constant 0 : index
    %get3A_37 = vector.load %arg7[%get3A_35, %get3A_36] : memref<1x4xf32, #tpu.memory_space<vmem>>, vector<1x4xf32>
    %add3A_38 = vector.broadcast %get3A_37 : vector<1x4xf32> to vector<2000x4xf32>
    %add3A_39 = arith.addf %dot_general3A_34, %add3A_38 : vector<2000x4xf32>
    %reduce_max3A = arith.constant dense<0xFF800000> : vector<2000xf32>
    %reduce_max3A_40 = vector.multi_reduction <maximumf>, %add3A_39, %reduce_max3A [1] : vector<2000x4xf32> to vector<2000xf32>
    %broadcast_in_dim3A = vector.shape_cast %reduce_max3A_40 : vector<2000xf32> to vector<2000x1xf32>
    %sub3A = vector.broadcast %broadcast_in_dim3A : vector<2000x1xf32> to vector<2000x4xf32>
    %sub3A_41 = arith.subf %add3A_39, %sub3A : vector<2000x4xf32>
    %exp3A = math.exp %sub3A_41 : vector<2000x4xf32>
    %reduce_sum3A = arith.constant dense<0.000000e+00> : vector<2000xf32>
    %reduce_sum3A_42 = vector.multi_reduction <add>, %exp3A, %reduce_sum3A [1] : vector<2000x4xf32> to vector<2000xf32>
    %broadcast_in_dim3A_43 = vector.shape_cast %reduce_sum3A_42 : vector<2000xf32> to vector<2000x1xf32>
    %div3A = vector.broadcast %broadcast_in_dim3A_43 : vector<2000x1xf32> to vector<2000x4xf32>
    %div3A_44 = arith.divf %exp3A, %div3A : vector<2000x4xf32>
    %swap3A = arith.constant 0 : index
    %swap3A_45 = arith.constant 0 : index
    %swap3A_46 = vector.load %arg8[%swap3A, %swap3A_45] : memref<2000x4xf32, #tpu.memory_space<vmem>>, vector<2000x4xf32>
    tpu.vector_store %arg8[%swap3A, %swap3A_45], %div3A_44 {strides = array<i32>} : memref<2000x4xf32, #tpu.memory_space<vmem>>, vector<2000x4xf32>,
    return
  }
  func.func @transform_0(%arg0: i32) -> (i32, i32, i32) {
    %c0_i32 = arith.constant 0 : i32
    %c0_i32_0 = arith.constant 0 : i32
    %c0_i32_1 = arith.constant 0 : i32
    return %c0_i32, %arg0, %c0_i32_0 : i32, i32, i32
  }
  func.func @transform_1(%arg0: i32) -> (i32, i32) {
    %c0_i32 = arith.constant 0 : i32
    %c0_i32_0 = arith.constant 0 : i32
    %c0_i32_1 = arith.constant 0 : i32
    return %c0_i32, %c0_i32_0 : i32, i32
  }
  func.func @transform_2(%arg0: i32) -> (i32, i32) {
    %c0_i32 = arith.constant 0 : i32
    %c0_i32_0 = arith.constant 0 : i32
    %c0_i32_1 = arith.constant 0 : i32
    return %c0_i32, %c0_i32_0 : i32, i32
  }
  func.func @transform_3(%arg0: i32) -> (i32, i32) {
    %c0_i32 = arith.constant 0 : i32
    %c0_i32_0 = arith.constant 0 : i32
    %c0_i32_1 = arith.constant 0 : i32
    return %c0_i32, %c0_i32_0 : i32, i32
  }
  func.func @transform_4(%arg0: i32) -> (i32, i32) {
    %c0_i32 = arith.constant 0 : i32
    %c0_i32_0 = arith.constant 0 : i32
    %c0_i32_1 = arith.constant 0 : i32
    return %c0_i32, %c0_i32_0 : i32, i32
  }
  func.func @transform_5(%arg0: i32) -> (i32, i32) {
    %c0_i32 = arith.constant 0 : i32
    %c0_i32_0 = arith.constant 0 : i32
    %c0_i32_1 = arith.constant 0 : i32
    return %c0_i32, %c0_i32_0 : i32, i32
  }
  func.func @transform_6(%arg0: i32) -> (i32, i32) {
    %c0_i32 = arith.constant 0 : i32
    %c0_i32_0 = arith.constant 0 : i32
    %c0_i32_1 = arith.constant 0 : i32
    return %c0_i32, %c0_i32_0 : i32, i32
  }
  func.func @transform_7(%arg0: i32) -> (i32, i32) {
    %c0_i32 = arith.constant 0 : i32
    %c0_i32_0 = arith.constant 0 : i32
    return %arg0, %c0_i32 : i32, i32
  }
}

</mosaic_0001>

<sc_bundles>
// kernel: kernel.4.cloned.1.call-start
scs
__scs_entry_jumppad:
0x0: {  	(pc) =	sbr.rel $0x88, $3  }
0x1: {  	(tag) =	ssettag $0x0;
	lr =	simm.s32 $0x1  }
0x2: {  	[smem:$0x3F98] =	sst lr;
	_ =	strace $0xD0000000  }
0x3: {  	_ = 	snop  }
0x4: {  	_ = 	snop  }
0x5: {  	_ = 	snop  }
0x6: {  	_ = 	snop  }
0x7: {  	_ = 	snop  }
__scs_overlays_trampoline_lowered:
0x8: {  	[smem:$0x3FA7] =	sst s0  }
0x9: {  	[smem:$0x3FA8] =	sst s1  }
0xa: {  	[smem:$0x3FA9] =	sst s2  }
0xb: {  	[smem:$0x3FAA] =	sst s3  }
0xc: {  	[smem:$0x3FAB] =	sst s4  }
0xd: {  	[smem:$0x3FAC] =	sst s5  }
0xe: {  	[smem:$0x3FAD] =	sst s6  }
0xf: {  	[smem:$0x3FAE] =	sst s7  }
0x10: {  	[smem:$0x3FAF] =	sst s8  }
0x11: {  	[smem:$0x3FB0] =	sst s9;
	s0 =	simm.s32 @!p0 $0x0  }
0x12: {  	s1 =	sld [smem:$0x3F96];
	s0 =	simm.s32 @p0 $0x1  }
0x13: {  	[smem:$0x3FB1] =	sst s0;
	s0 =	simm.s32 @!p1 $0x0  }
0x14: {  	s2 =	sld [smem:$0x3F95];
	s0 =	simm.s32 @p1 $0x1  }
0x15: {  	[smem:$0x3FB2] =	sst s0;
	s0 =	simm.s32 @!p2 $0x0  }
0x16: {  	s3 =	sld [smem:$0x3FDB];
	s0 =	simm.s32 @p2 $0x1  }
0x17: {  	s4 =	simm.s32 $0x1BF5;
	[smem:$0x3FB4] =	sst s0  }
0x18: {  	s0 =	sld [smem:$0x3F97];
	_ =	swait.ge [sflag:s4], $0x0  }
0x19: {  	s7 =	sld [smem:$0x3F98]  }
0x1a: {  	s8 =	sadd.s32 $0xFFFFE003, lr  }
0x1b: {  	s9 =	sadd.s32 $0xFFFFFEF7, lr;
	s5 =	simm.s32 $0xFFFFFFFF;
	p2 =	slt.u32 s8, $0xFFFFF086  }
0x1c: {  	p1 =	slt.u32 s9, $0xF7A;
	s5 =	simm.s32 @!p2 $0x0  }
0x1d: {  	s5 =	simm.s32 @p1 $0x1;
	p0 =	seq.s32 s7, s2  }
0x1e: {  	s7 =	smul.u32 @!p0 $0xF7A, s2;
	p2 =	seq.s32 @!p0 s5, $0x0  }
0x1f: {  	s9 =	smul.u32 $0xF7A, s1;
	s8 =	simm.s32 @!p0 $0x1BF5;
	p2 =	por !p2, p0  }
0x20: {  	[sflag:s8] =	ssyncset.s32 @!p0 $0xFFFFF086;
	s6 =	sadd.s32 @!p0 s3, s7;
	s7 =	simm.s32 @!p0 $0x108  }
0x21: {  	s3 =	sadd.s32 s3, s9;
	s6 =	sadd.s32 @!p0 $0x88, s6;
	s7 =	simm.s32 @p2 $0x1082  }
0x22: {  	[simem:s7], [sflag:s8] =	dma.local @!p0 [hbm:s6], $0xF7A  }
0x23: {  	s9 =	sor.u32 $0xD0000000, s2;
	s6 =	simm.s32 $0x108;
	_ =	swait.ge @!p0 [sflag:s8], $0x0  }
0x24: {  	s3 =	sadd.s32 $0x88, s3;
	s6 =	simm.s32 @!p1 $0x1082;
	[sflag:s4] =	ssyncset.s32 $0xFFFFF086  }
0x25: {  	[simem:s6], [sflag:s4] =	dma.local [hbm:s3], $0xF7A  }
0x26: {  	[smem:$0x3F98] =	sst s1;
	(tag) =	ssettag s2;
	_ =	strace s9  }
0x27: {  	s1 =	sld [smem:$0x3FA8]  }
0x28: {  	s2 =	sld [smem:$0x3FA9]  }
0x29: {  	s4 =	sld [smem:$0x3FAB]  }
0x2a: {  	p0 =	seq.s32 s5, $0x0;
	s5 =	sld [smem:$0x3FAC]  }
0x2b: {  	s6 =	sld [smem:$0x3FAD]  }
0x2c: {  	s7 =	sld [smem:$0x3FAE]  }
0x2d: {  	s3 =	simm.s32 $0x108;
	s8 =	sld [smem:$0x3FAF]  }
0x2e: {  	s3 =	simm.s32 @!p0 $0x1082;
	s9 =	sld [smem:$0x3FB0]  }
0x2f: {  	lr =	sadd.s32 s0, s3;
	s0 =	sld [smem:$0x3FA7]  }
0x30: {  	s3 =	sld [smem:$0x3FAA]  }
0x31: {  	[smem:$0x3FB3] =	sst s10  }
0x32: {  	s10 =	sld [smem:$0x3FB1];
	_ =	sdelay $0x3  }
0x33: {  	p0 =	seq.s32 s10, $0x1;
	s10 =	sld [smem:$0x3FB3];
	_ =	sdelay $0x3  }
0x34: {  	[smem:$0x3FB3] =	sst s10  }
0x35: {  	s10 =	sld [smem:$0x3FB2];
	_ =	sdelay $0x3  }
0x36: {  	p1 =	seq.s32 s10, $0x1;
	s10 =	sld [smem:$0x3FB3];
	_ =	sdelay $0x3  }
0x37: {  	[smem:$0x3FB3] =	sst s10  }
0x38: {  	s10 =	sld [smem:$0x3FB4]  }
0x39: {  	_ = 	snop;
	(pc) =	sbr.ind lr, $3  }
0x3a: {  	_ = 	snop  }
0x3b: {  	_ = 	snop  }
0x3c: {  	p2 =	seq.s32 s10, $0x1;
	s10 =	sld [smem:$0x3FB3]  }
0x3d: {  	_ =	shalt  }
0x3e: {  	_ =	shalt  }
0x3f: {  	_ =	shalt  }
0x40: {  	_ =	shalt  }
0x41: {  	_ =	shalt  }
0x42: {  	_ =	shalt  }
0x43: {  	_ =	shalt  }
0x44: {  	_ =	shalt  }
0x45: {  	_ =	shalt  }
0x46: {  	_ =	shalt  }
0x47: {  	_ =	shalt  }
0x48: {  	_ =	shalt  }
0x49: {  	_ =	shalt  }
0x4a: {  	_ =	shalt  }
0x4b: {  	_ =	shalt  }
0x4c: {  	_ =	shalt  }
0x4d: {  	_ =	shalt  }
0x4e: {  	_ =	shalt  }
0x4f: {  	_ =	shalt  }
0x50: {  	_ =	shalt  }
0x51: {  	_ =	shalt  }
0x52: {  	_ =	shalt  }
0x53: {  	_ =	shalt  }
0x54: {  	_ =	shalt  }
0x55: {  	_ =	shalt  }
0x56: {  	_ =	shalt  }
0x57: {  	_ =	shalt  }
0x58: {  	_ =	shalt  }
0x59: {  	_ =	shalt  }
0x5a: {  	_ =	shalt  }
0x5b: {  	_ =	shalt  }
0x5c: {  	_ =	shalt  }
0x5d: {  	_ =	shalt  }
0x5e: {  	_ =	shalt  }
0x5f: {  	_ =	shalt  }
0x60: {  	_ =	shalt  }
0x61: {  	_ =	shalt  }
0x62: {  	_ =	shalt  }
0x63: {  	_ =	shalt  }
0x64: {  	_ =	shalt  }
0x65: {  	_ =	shalt  }
0x66: {  	_ =	shalt  }
0x67: {  	_ =	shalt  }
0x68: {  	_ =	shalt  }
0x69: {  	_ =	shalt  }
0x6a: {  	_ =	shalt  }
0x6b: {  	_ =	shalt  }
0x6c: {  	_ =	shalt  }
0x6d: {  	_ =	shalt  }
0x6e: {  	_ =	shalt  }
0x6f: {  	_ =	shalt  }
0x70: {  	_ =	shalt  }
0x71: {  	_ =	shalt  }
0x72: {  	_ =	shalt  }
0x73: {  	_ =	shalt  }
0x74: {  	_ =	shalt  }
0x75: {  	_ =	shalt  }
0x76: {  	_ =	shalt  }
0x77: {  	_ =	shalt  }
0x78: {  	_ =	shalt  }
0x79: {  	_ =	shalt  }
0x7a: {  	_ =	shalt  }
0x7b: {  	_ =	shalt  }
0x7c: {  	_ =	shalt  }
0x7d: {  	_ =	shalt  }
0x7e: {  	_ =	shalt  }
0x7f: {  	_ =	shalt  }
0x80: {  	_ =	shalt  }
0x81: {  	_ =	shalt  }
0x82: {  	_ =	shalt  }
0x83: {  	_ =	shalt  }
0x84: {  	_ =	shalt  }
0x85: {  	_ =	shalt  }
0x86: {  	_ =	shalt  }
0x87: {  	_ =	shalt  }
.Lfunc_end0:
.L_simem_size_0:
called_computation_lowered:
.L_overlay_start_0:
0x88: {  	s2 =	sld [smem:$0x3FD9]  }
0x89: {  	s3 =	sld [smem:$0x3FFE];
	_ =	sdelay $0x1  }
0x8a: {  	s1 =	srdreg.scid  }
0x8b: {  	s0 =	sand.u32 $0x1, s1  }
0x8c: {  	s17 =	sshll.u32 s0, $0xA;
	s2 =	sadd.s32 s3, s2  }
0x8d: {  	s2 =	sadd.s32 s2, s17  }
0x8e: {  	[smem:$0x3FBF] =	sst s2  }
0x8f: {  	_ = 	snop  }
0x90: {  	s2 =	sld [smem:$0x3FC9]  }
0x91: {  	s18 =	sld [smem:$0x3FC8]  }
0x92: {  	s4 =	sld [smem:$0x3FC7];
	(tm) =	ssettm $0x1  }
0x93: {  	s5 =	sld [smem:$0x3FFB];
	_ =	sdelay $0x3  }
0x94: {  	_ =	strace s5  }
0x95: {  	s5 =	sld [smem:$0x3FFC];
	_ =	sdelay $0x3  }
0x96: {  	_ =	strace s5  }
0x97: {  	s5 =	sld [smem:$0x3FFD];
	_ =	sdelay $0x3  }
0x98: {  	_ =	strace s5  }
0x99: {  	_ =	strace $0x8FFFFFFF  }
0x9a: {  	s19 =	sld [smem:$0x3FDB];
	_ =	sdelay $0x1  }
0x9b: {  	s6 =	simm.s32 $_scs_section_size  }
0x9c: {  	s7 =	simm.s32 $_size__tile_overlayer_lowered;
	s8 =	simm.s32 $_tile_overlayer_lowered  }
0x9d: {  	s22 =	simm.s32 $0x1BFF;
	s21 =	sshll.u32 s8, $0x1;
	s5 =	sadd.s32 s6, s19  }
0x9e: {  	s9 =	simm.s32 $0x0;
	s20 =	sshll.u32 s7, $0x1;
	s7 =	sadd.s32 s21, s5  }
0x9f: {  	[timem:s9], [sflag:s22] =	dma.local [hbm:s7], s20  }
0xa0: {  	_ =	swait.ge [sflag:s22], s20  }
0xa1: {  	s6 =	ssub.s32 $0x0, s20;
	[sflag:s22] =	ssyncset.done $0x0  }
0xa2: {  	[sflag:s22] =	ssyncadd.s32 s6;
	_ =	sdelay $0x1  }
0xa3: {  	s23 =	simm.s32 $0x1B8B  }
0xa4: {  	_ =	swait.ge [sflag:s23], $0x1  }
0xa5: {  	[sflag:s23] =	ssyncset.done $0x0  }
0xa6: {  	s25 =	simm.s32 $0x1B8E;
	s24 =	sld [smem:$0x3FFE];
	[sflag:s23] =	ssyncadd.s32 $0xFFFFFFFF  }
0xa7: {  	s26 =	simm.s32 $execute0_lowered;
	[smem:$0x3FD2] =	sst s25  }
0xa8: {  	s7 =	sshll.u32 s26, $0x1;
	_ =	strace $0x80000046;
	[dreg:$0x1] =	wrdreg $0xFFFFFFFF  }
0xa9: {  	s28 =	simm.s32 $_size_execute0_lowered;
	s5 =	sadd.s32 s5, s7;
	[dreg:$0x0] =	wrdreg $0x0  }
0xaa: {  	s7 =	sshll.u32 s28, $0x1;
	[dreg:$0x2] =	wrdreg s5  }
0xab: {  	[dreg:$0x3] =	wrdreg s7  }
0xac: {  	[dreg:$0x4] =	wrdreg $0xC0  }
0xad: {  	_ =	task [dreg:s9], $0x5FFFF  }
0xae: {  	[dreg:$0x1] =	wrdreg $0xFFFFFFFF  }
0xaf: {  	[dreg:$0x0] =	wrdreg $0x60  }
0xb0: {  	[dreg:$0x2] =	wrdreg s4  }
0xb1: {  	[dreg:$0x3] =	wrdreg s18  }
0xb2: {  	[dreg:$0x4] =	wrdreg s2  }
0xb3: {  	[dreg:$0x5] =	wrdreg s24  }
0xb4: {  	[dreg:$0x6] =	wrdreg $0x6C000  }
0xb5: {  	[dreg:$0x7] =	wrdreg $0x9  }
0xb6: {  	_ =	task.clear_ibuf [dreg:s9], $0x8FFFF;
	_ =	strace $0x90000046  }
0xb7: {  	s29 =	simm.s32 $0x9;
	_ =	strace $0x80000048  }
0xb8: {  	_ =	swait.ge [sflag:s29], $0x1  }
0xb9: {  	[sflag:s29] =	ssyncadd.s32 $0xFFFFFFFF  }
0xba: {  	_ =	strace $0x90000048  }
0xbb: {  	_ =	sfence  }
0xbc: {  	s30 =	sld [smem:$0x0];
	_ =	sdelay $0x2  }
0xbd: {  	s31 =	sshll.u32 s1, $0xD;
	s1 =	sshrl.u32 s1, $0x2  }
0xbe: {  	s3 =	sand.u32 $0x4000, s31;
	s1 =	sadd.s32 s1, s30  }
0xbf: {  	s0 =	sor.u32 s3, s0;
	s1 =	sshll.u32 s1, $0x11  }
0xc0: {  	s0 =	sor.u32 s1, s0  }
0xc1: {  	s0 =	sadd.s32 $0x8F2B, s0  }
0xc2: {  	[sflag:s0] =	ssyncadd.remote.s32 $0x1  }
0xc3: {  	_ =	sfence.sel $0xFFFF  }
0xc4: {  	[dreg:$0x0] =	wrdreg $0xFFFFFFFF;
	(pc) =	sbr.abs _section_cstart, $3  }
0xc5: {  	[dreg:$0x1] =	wrdreg $0xFFFFFFFF  }
0xc6: {  	_ =	task.clear_ibuf [dreg:s9], $0x2FFFF;
	_ =	strace $0x9FFFFFFF  }
0xc7: {  	(tm) =	ssettm $0x7FFFFFFF  }
tec
execute0_lowered:
.L_overlay_start_1:
0x0: {  	(tag) =	ssettag $0x1  }
0x1: {  	s1 =	rddreg [dreg:$0x0]  }
0x2: {  	s2 =	rddreg [dreg:$0x1]  }
0x3: {  	s3 =	rddreg [dreg:$0x2]  }
0x4: {  	s0 =	rddreg [dreg:$0x3]  }
0x5: {  	s5 =	rddreg [dreg:$0x4]  }
0x6: {  	s6 =	simm.s32 $0x0;
	s11 =	stileid.u32;
	s4 =	srdreg.scid  }
0x7: {  	s18 =	simm.s32 $0x4C00;
	s19 =	simm.s32 $0x4;
	s30 =	simm.s32 $0x1  }
0x8: {  	s31 =	simm.s32 $0x80;
	s20 =	simm.s32 $0x2;
	[smem:$0x7FF] =	sst s6  }
0x9: {  	s7 =	smul.u32 $0x1870, s11;
	s4 =	sand.u32 $0x1, s4;
	p0 =	seq.s32 s11, $0xF  }
0xa: {  	s0 =	sadd.s32 $0x1000, s0;
	_ =	strace $0x80000047;
	s8 =	ssub.s32 $0x2, s4  }
0xb: {  	s10 =	sshll.u32 s4, $0x4;
	s7 =	simm.s32 @p0 $0x16E30;
	s9 =	sshrl.u32 s8, $0x1  }
0xc: {  	s4 =	smul.u32 $0x186A00, s4;
	s13 =	sshll.u32 s7, $0x4;
	s14 =	ssub.s32 s8, s9  }
0xd: {  	s7 =	sor.u32 s11, s10;
	s10 =	sadd.s32 $0x30D400, s1;
	s15 =	sadd.s32 $0x18000, s13  }
0xe: {  	s8 =	sadd.s32 s13, s5;
	s12 =	sshll.u32 s7, $0x9;
	s16 =	sshll.u32 s7, $0x6  }
0xf: {  	s25 =	sshll.u32 s7, $0x7;
	s29 =	smax.u32 s14, $0x1;
	s9 =	sadd.s32 s15, s5  }
0x10: {  	s11 =	sadd.s32 s1, s12;
	s12 =	sadd.s32 s12, s10;
	s16 =	sadd.s32 s2, s16  }
0x11: {  	s15 =	sadd.s32 s4, s15;
	s4 =	sadd.s32 s13, s4;
	[dreg:$0x9] =	wrdreg s29  }
0x12: {  	s26 =	sadd.s32 s3, s25;
	[dreg:$0x6] =	wrdreg s16;
	s28 =	sshrl.u32 s15, $0x3  }
0x13: {  	v1 =	vlaneseq.u32;
	[dreg:$0x7] =	wrdreg s26;
	s4 =	sshrl.u32 s4, $0x3;
	s13 =	sadd.s32 s0, s28  }
0x14: {  	v0 =	vimm.f32 $0.0e+00;
	v1 =	vmul.u32 $0x10, v1;
	s17 =	sadd.s32 s4, s0;
	s0 =	simm.s32 $0x3;
	[dreg:$0x8] =	wrdreg s13  }
.LBB2_1:
0x15: {  	s4 =	simm.s32 $0x4C40  }
0x16: {  	[tilespmem:s4+$0xFFFFFFC0] =	vst v0  }
0x17: {  	[tilespmem:s4+$0x30] =	vst v0  }
0x18: {  	[tilespmem:s4+$0x20] =	vst v0  }
0x19: {  	[tilespmem:s4+$0x10] =	vst v0  }
0x1a: {  	[tilespmem:s4+$0x0] =	vst v0  }
0x1b: {  	[tilespmem:s4+$0xFFFFFFF0] =	vst v0  }
0x1c: {  	s13 =	simm.s32 $0x0;
	[tilespmem:s4+$0xFFFFFFE0] =	vst v0  }
.LBB2_2:
0x1d: {  	s13 =	sadd.s32 $0x8, s13;
	[tilespmem:s4+$0xFFFFFFD0] =	vst v0;
	s4 =	sadd.s32 $0x80, s4  }
0x1e: {  	[tilespmem:s4+$0xFFFFFFC0] =	vst v0;
	p0 =	slt.u32 s13, $0x78  }
0x1f: {  	[tilespmem:s4+$0x30] =	vst v0  }
.Ltmp0:
0x20: {  	[tilespmem:s4+$0x20] =	vst v0;
	(pc) =	sbr.rel @p0 .LBB2_2-.Ltmp0, $4  }
0x21: {  	[tilespmem:s4+$0x10] =	vst v0  }
0x22: {  	[tilespmem:s4+$0x0] =	vst v0  }
0x23: {  	[tilespmem:s4+$0xFFFFFFF0] =	vst v0  }
0x24: {  	[tilespmem:s4+$0xFFFFFFE0] =	vst v0  }
0x25: {  	[tilespmem:s4+$0xFFFFFFD0] =	vst v0;
	s29 =	sadd.s32 $0x0, s8  }
0x26: {  	[spmem:s29] =	stream.linear.scatter [tilespmem:s18], [sflag:$0x4], $0x800, $0x38;
	[tilespmem:$0x1F2A0] =	vst v63  }
0x27: {  	s4 =	simm.s32 $0x2000;
	_ =	swait.ge [sflag:s19], $0x800  }
.LBB2_4:
0x28: {  	s13 =	sshra.s32 s4, $0x2;
	[sflag:s19] =	ssyncset.done $0x0;
	p0 =	sne.s32 s4, $0x5E000  }
.Ltmp1:
0x29: {  	s13 =	sadd.s32 s13, s8;
	[sflag:s19] =	ssyncadd.s32 $0xFFFFF800;
	(pc) =	sbr.rel @p0 .LBB2_4-.Ltmp1, $3  }
0x2a: {  	[spmem:s13] =	stream.linear.scatter [tilespmem:s18], [sflag:$0x4], $0x800, $0x38;
	[tilespmem:$0x1F2A0] =	vst v63  }
0x2b: {  	s4 =	sadd.s32 $0x2000, s4;
	_ =	sdelay $0x1  }
0x2c: {  	_ =	swait.ge [sflag:s19], $0x800  }
0x2d: {  	[sflag:s19] =	ssyncset.done $0x0  }
0x2e: {  	[sflag:s19] =	ssyncadd.s32 $0xFFFFF800  }
0x2f: {  	[spmem:s9] =	stream.linear.scatter [tilespmem:s18], [sflag:$0x4], $0x700, $0x38;
	[tilespmem:$0x1F2A0] =	vst v63  }
0x30: {  	_ =	swait.ge [sflag:s19], $0x700  }
0x31: {  	[sflag:s19] =	ssyncset.done $0x0  }
0x32: {  	[sflag:s19] =	ssyncadd.s32 $0xFFFFF900  }
0x33: {  	s21 =	simm.s32 $0x0;
	[bflag:$0x0] =	sbarrier.arrive $0xFFFF  }
0x34: {  	[tilespmem:s21], [sflag:$0x1] =	stream.linear.gather [hbm4b:s11+s21], $0x400, $0x38;
	[tilespmem:$0x1F2A0] =	vst v63  }
0x35: {  	s4 =	sadd.s32 $0x80, s11;
	s13 =	simm.s32 $0x800  }
0x36: {  	[tilespmem:s13], [sflag:$0x1] =	stream.linear.gather [hbm4b:s4+s21], $0x400, $0x38;
	[tilespmem:$0x1F2A0] =	vst v63  }
0x37: {  	s25 =	sadd.s32 $0x100, s11;
	s26 =	simm.s32 $0x1000  }
0x38: {  	[tilespmem:s26], [sflag:$0x1] =	stream.linear.gather [hbm4b:s25+s21], $0x400, $0x38;
	[tilespmem:$0x1F2A0] =	vst v63  }
0x39: {  	s28 =	sadd.s32 $0x180, s11;
	s29 =	simm.s32 $0x1800  }
0x3a: {  	[tilespmem:s29], [sflag:$0x1] =	stream.linear.gather [hbm4b:s28+s21], $0x400, $0x38;
	[tilespmem:$0x1F2A0] =	vst v63  }
0x3b: {  	s13 =	simm.s32 $0x400  }
0x3c: {  	[tilespmem:s13], [sflag:$0x1] =	stream.linear.gather [hbm4b:s12+s21], $0x400, $0x38;
	[tilespmem:$0x1F2A0] =	vst v63  }
0x3d: {  	s14 =	sadd.s32 $0x80, s12;
	s15 =	simm.s32 $0xC00  }
0x3e: {  	[tilespmem:s15], [sflag:$0x1] =	stream.linear.gather [hbm4b:s14+s21], $0x400, $0x38;
	[tilespmem:$0x1F2A0] =	vst v63  }
0x3f: {  	s16 =	sadd.s32 $0x100, s12;
	s22 =	simm.s32 $0x1400  }
0x40: {  	[tilespmem:s22], [sflag:$0x1] =	stream.linear.gather [hbm4b:s16+s21], $0x400, $0x38;
	[tilespmem:$0x1F2A0] =	vst v63  }
0x41: {  	s23 =	sadd.s32 $0x180, s12;
	s24 =	simm.s32 $0x1C00  }
0x42: {  	[tilespmem:s24], [sflag:$0x1] =	stream.linear.gather [hbm4b:s23+s21], $0x400, $0x38;
	[tilespmem:$0x1F2A0] =	vst v63  }
.Ltmp2:
0x43: {  	_ = 	snop;
	(pc) =	sbr.rel .LBB2_6-.Ltmp2, $4  }
0x44: {  	s25 =	rddreg [dreg:$0x6];
	s26 =	simm.s32 $0x4000  }
0x45: {  	[tilespmem:s26], [sflag:$0x1] =	stream.linear.gather [hbm4b:s25+s21], $0x200, $0x38;
	[tilespmem:$0x1F2A0] =	vst v63  }
0x46: {  	s28 =	rddreg [dreg:$0x7];
	s29 =	simm.s32 $0x4400  }
0x47: {  	[tilespmem:s29], [sflag:$0x1] =	stream.linear.gather [hbm4b:s28+s21], $0x400, $0x38;
	[tilespmem:$0x1F2A0] =	vst v63  }
.LBB2_16:
0x48: {  	s21 =	sadd.s32 $0x1, s21  }
0x49: {  	p0 =	sne.s32 s21, $0x62  }
.Ltmp3:
0x4a: {  	_ = 	snop;
	(pc) =	sbr.rel @!p0 .LBB2_17-.Ltmp3, $1  }
0x4b: {  	_ =	sdelay $0x3  }
.LBB2_6:
0x4c: {  	_ =	swait.ge [sflag:s30], $0x1000  }
0x4d: {  	[sflag:s30] =	ssyncset.done $0x0  }
0x4e: {  	[sflag:s30] =	ssyncadd.s32 $0xFFFFF000  }
0x4f: {  	_ =	swait.ge [sflag:s30], $0x1000  }
0x50: {  	[sflag:s30] =	ssyncset.done $0x0  }
0x51: {  	[sflag:s30] =	ssyncadd.s32 $0xFFFFF000  }
0x52: {  	s4 =	sshll.u32 s21, $0x6;
	_ =	swait.ge [sflag:s30], $0x200  }
0x53: {  	s22 =	sor.u32 s7, s4;
	[sflag:s30] =	ssyncset.done $0x0  }
0x54: {  	s23 =	sor.u32 $0x20, s22;
	[sflag:s30] =	ssyncadd.s32 $0xFFFFFE00  }
0x55: {  	p0 =	sgt.u32 s23, $0x1869;
	_ =	swait.ge [sflag:s30], $0x400  }
0x56: {  	s4 =	sshll.u32 @!p0 s23, $0x9;
	s14 =	simm.s32 @!p0 $0x0;
	[sflag:s30] =	ssyncset.done $0x0  }
0x57: {  	s15 =	simm.s32 @!p0 $0x2000;
	s13 =	sadd.s32 @!p0 s1, s4;
	[sflag:s30] =	ssyncadd.s32 $0xFFFFFC00  }
0x58: {  	[tilespmem:s15], [sflag:$0x2] =	stream.linear.gather @!p0 [hbm4b:s13+s14], $0x400, $0x38;
	[tilespmem:$0x1F2A0] =	vst v63  }
0x59: {  	s24 =	simm.s32 @!p0 $0x2800;
	s15 =	sadd.s32 @!p0 $0x80, s13  }
0x5a: {  	[tilespmem:s24], [sflag:$0x2] =	stream.linear.gather @!p0 [hbm4b:s15+s14], $0x400, $0x38;
	[tilespmem:$0x1F2A0] =	vst v63  }
0x5b: {  	s15 =	sadd.s32 @!p0 $0x100, s13;
	s24 =	simm.s32 @!p0 $0x3000  }
0x5c: {  	[tilespmem:s24], [sflag:$0x2] =	stream.linear.gather @!p0 [hbm4b:s15+s14], $0x400, $0x38;
	[tilespmem:$0x1F2A0] =	vst v63  }
0x5d: {  	s13 =	sadd.s32 @!p0 $0x180, s13;
	s15 =	simm.s32 @!p0 $0x3800  }
0x5e: {  	[tilespmem:s15], [sflag:$0x2] =	stream.linear.gather @!p0 [hbm4b:s13+s14], $0x400, $0x38;
	[tilespmem:$0x1F2A0] =	vst v63  }
0x5f: {  	s4 =	sadd.s32 @!p0 s4, s10;
	s13 =	simm.s32 @!p0 $0x2400  }
0x60: {  	[tilespmem:s13], [sflag:$0x2] =	stream.linear.gather @!p0 [hbm4b:s4+s14], $0x400, $0x38;
	[tilespmem:$0x1F2A0] =	vst v63  }
0x61: {  	s15 =	simm.s32 @!p0 $0x2C00;
	s13 =	sadd.s32 @!p0 $0x80, s4  }
0x62: {  	[tilespmem:s15], [sflag:$0x2] =	stream.linear.gather @!p0 [hbm4b:s13+s14], $0x400, $0x38;
	[tilespmem:$0x1F2A0] =	vst v63  }
0x63: {  	s13 =	sadd.s32 @!p0 $0x100, s4;
	s15 =	simm.s32 @!p0 $0x3400  }
0x64: {  	[tilespmem:s15], [sflag:$0x2] =	stream.linear.gather @!p0 [hbm4b:s13+s14], $0x400, $0x38;
	[tilespmem:$0x1F2A0] =	vst v63  }
0x65: {  	s4 =	sadd.s32 @!p0 $0x180, s4;
	s13 =	simm.s32 @!p0 $0x3C00  }
0x66: {  	[tilespmem:s13], [sflag:$0x2] =	stream.linear.gather @!p0 [hbm4b:s4+s14], $0x400, $0x38;
	[tilespmem:$0x1F2A0] =	vst v63  }
0x67: {  	s4 =	sshll.u32 @!p0 s23, $0x6  }
0x68: {  	s13 =	simm.s32 @!p0 $0x4200;
	s4 =	sadd.s32 @!p0 s2, s4  }
0x69: {  	[tilespmem:s13], [sflag:$0x2] =	stream.linear.gather @!p0 [hbm4b:s4+s14], $0x200, $0x38;
	[tilespmem:$0x1F2A0] =	vst v63  }
0x6a: {  	s25 =	simm.s32 $0x4010;
	s26 =	simm.s32 $0x0;
	s4 =	sshll.u32 @!p0 s23, $0x7  }
0x6b: {  	s15 =	simm.s32 $0x400;
	s13 =	simm.s32 @!p0 $0x4800;
	s4 =	sadd.s32 @!p0 s3, s4  }
0x6c: {  	[tilespmem:s13], [sflag:$0x2] =	stream.linear.gather @!p0 [hbm4b:s4+s14], $0x400, $0x38;
	[tilespmem:$0x1F2A0] =	vst v63  }
.LBB2_7:
0x6d: {  	s28 =	simm.s32 $0x0;
	v2 =	vld [tilespmem:s15+$0xFFFFFC00]  }
0x6e: {  	v4 =	vld [tilespmem:s25+$0xFFFFFFF0];
	v3 =	vmov s28  }
0x6f: {  	v3 =	vshll.u32 v3, $0x4  }
0x70: {  	v3 =	vor.u32 v1, v3;
	_ =	sdelay $0x2  }
0x71: {  	s4 =	sshll.u32 s26, $0xB;
	v2 =	vmul.f32 v2, v4  }
0x72: {  	s29 =	sadd.s32 $0x4C00, s4  }
0x73: {  	[tilespmem:v3+s29+$0x0] =	vst.idx.msk $0xffff, v2  }
0x74: {  	v2 =	vld [tilespmem:s15+$0xFFFFFC80];
	_ =	sdelay $0x1  }
0x75: {  	v5 =	vor.u32 $0x1, v3;
	_ =	sdelay $0x2  }
0x76: {  	v2 =	vmul.f32 v2, v4;
	_ =	sdelay $0x1  }
0x77: {  	[tilespmem:v5+s29+$0x0] =	vst.idx.msk $0xffff, v2  }
0x78: {  	v2 =	vld [tilespmem:s15+$0xFFFFFD00];
	_ =	sdelay $0x1  }
0x79: {  	v5 =	vor.u32 $0x2, v3;
	_ =	sdelay $0x2  }
0x7a: {  	v2 =	vmul.f32 v2, v4;
	_ =	sdelay $0x1  }
0x7b: {  	[tilespmem:v5+s29+$0x0] =	vst.idx.msk $0xffff, v2  }
0x7c: {  	v2 =	vld [tilespmem:s15+$0xFFFFFD80];
	_ =	sdelay $0x1  }
0x7d: {  	v5 =	vor.u32 $0x3, v3;
	_ =	sdelay $0x2  }
0x7e: {  	v2 =	vmul.f32 v2, v4;
	_ =	sdelay $0x1  }
0x7f: {  	[tilespmem:v5+s29+$0x0] =	vst.idx.msk $0xffff, v2  }
0x80: {  	v2 =	vld [tilespmem:s15+$0xFFFFFE00];
	_ =	sdelay $0x1  }
0x81: {  	v5 =	vor.u32 $0x4, v3;
	_ =	sdelay $0x2  }
0x82: {  	v2 =	vmul.f32 v2, v4;
	_ =	sdelay $0x1  }
0x83: {  	[tilespmem:v5+s29+$0x0] =	vst.idx.msk $0xffff, v2  }
0x84: {  	v2 =	vld [tilespmem:s15+$0xFFFFFE80];
	_ =	sdelay $0x1  }
0x85: {  	v5 =	vor.u32 $0x5, v3;
	_ =	sdelay $0x2  }
0x86: {  	v2 =	vmul.f32 v2, v4;
	_ =	sdelay $0x1  }
0x87: {  	[tilespmem:v5+s29+$0x0] =	vst.idx.msk $0xffff, v2  }
0x88: {  	v2 =	vld [tilespmem:s15+$0xFFFFFF00];
	_ =	sdelay $0x1  }
0x89: {  	v5 =	vor.u32 $0x6, v3;
	_ =	sdelay $0x2  }
0x8a: {  	v2 =	vmul.f32 v2, v4;
	_ =	sdelay $0x1  }
0x8b: {  	[tilespmem:v5+s29+$0x0] =	vst.idx.msk $0xffff, v2  }
0x8c: {  	v2 =	vld [tilespmem:s15+$0xFFFFFF80];
	_ =	sdelay $0x1  }
0x8d: {  	v5 =	vor.u32 $0x7, v3;
	_ =	sdelay $0x2  }
0x8e: {  	v2 =	vmul.f32 v2, v4;
	_ =	sdelay $0x1  }
0x8f: {  	[tilespmem:v5+s29+$0x0] =	vst.idx.msk $0xffff, v2  }
0x90: {  	v2 =	vld [tilespmem:s15+$0x0];
	_ =	sdelay $0x1  }
0x91: {  	v5 =	vor.u32 $0x8, v3;
	_ =	sdelay $0x2  }
0x92: {  	v2 =	vmul.f32 v2, v4;
	_ =	sdelay $0x1  }
0x93: {  	[tilespmem:v5+s29+$0x0] =	vst.idx.msk $0xffff, v2  }
0x94: {  	v2 =	vld [tilespmem:s15+$0x80];
	_ =	sdelay $0x1  }
0x95: {  	v5 =	vor.u32 $0x9, v3;
	_ =	sdelay $0x2  }
0x96: {  	v2 =	vmul.f32 v2, v4;
	_ =	sdelay $0x1  }
0x97: {  	[tilespmem:v5+s29+$0x0] =	vst.idx.msk $0xffff, v2  }
0x98: {  	v2 =	vld [tilespmem:s15+$0x100];
	_ =	sdelay $0x1  }
0x99: {  	v5 =	vor.u32 $0xA, v3;
	_ =	sdelay $0x2  }
0x9a: {  	v2 =	vmul.f32 v2, v4;
	_ =	sdelay $0x1  }
0x9b: {  	[tilespmem:v5+s29+$0x0] =	vst.idx.msk $0xffff, v2  }
0x9c: {  	v2 =	vld [tilespmem:s15+$0x180];
	_ =	sdelay $0x1  }
0x9d: {  	v5 =	vor.u32 $0xB, v3;
	_ =	sdelay $0x2  }
0x9e: {  	v2 =	vmul.f32 v2, v4;
	_ =	sdelay $0x1  }
0x9f: {  	[tilespmem:v5+s29+$0x0] =	vst.idx.msk $0xffff, v2  }
0xa0: {  	v2 =	vld [tilespmem:s15+$0x200];
	_ =	sdelay $0x1  }
0xa1: {  	v5 =	vor.u32 $0xC, v3;
	_ =	sdelay $0x2  }
0xa2: {  	v2 =	vmul.f32 v2, v4;
	_ =	sdelay $0x1  }
0xa3: {  	[tilespmem:v5+s29+$0x0] =	vst.idx.msk $0xffff, v2  }
0xa4: {  	v2 =	vld [tilespmem:s15+$0x280];
	_ =	sdelay $0x1  }
0xa5: {  	v5 =	vor.u32 $0xD, v3;
	_ =	sdelay $0x2  }
0xa6: {  	v2 =	vmul.f32 v2, v4;
	_ =	sdelay $0x1  }
0xa7: {  	[tilespmem:v5+s29+$0x0] =	vst.idx.msk $0xffff, v2  }
0xa8: {  	v2 =	vld [tilespmem:s15+$0x300];
	_ =	sdelay $0x1  }
0xa9: {  	v5 =	vor.u32 $0xE, v3;
	_ =	sdelay $0x2  }
0xaa: {  	v2 =	vmul.f32 v2, v4;
	_ =	sdelay $0x1  }
0xab: {  	[tilespmem:v5+s29+$0x0] =	vst.idx.msk $0xffff, v2  }
0xac: {  	v2 =	vld [tilespmem:s15+$0x380];
	_ =	sdelay $0x1  }
0xad: {  	v3 =	vor.u32 $0xF, v3;
	_ =	sdelay $0x2  }
0xae: {  	v2 =	vmul.f32 v2, v4;
	_ =	sdelay $0x1  }
0xaf: {  	[tilespmem:v3+s29+$0x0] =	vst.idx.msk $0xffff, v2  }
0xb0: {  	s13 =	simm.s32 $0x10;
	v2 =	vld [tilespmem:s25+$0x0]  }
0xb1: {  	v3 =	vmov s13;
	v4 =	vld [tilespmem:s15+$0xFFFFFC10]  }
0xb2: {  	v3 =	vshll.u32 v3, $0x4  }
0xb3: {  	v3 =	vor.u32 v1, v3;
	_ =	sdelay $0x2  }
0xb4: {  	v4 =	vmul.f32 v4, v2;
	_ =	sdelay $0x1  }
0xb5: {  	[tilespmem:v3+s29+$0x0] =	vst.idx.msk $0xffff, v4  }
0xb6: {  	v4 =	vld [tilespmem:s15+$0xFFFFFC90];
	_ =	sdelay $0x1  }
0xb7: {  	v5 =	vor.u32 $0x1, v3;
	_ =	sdelay $0x2  }
0xb8: {  	v4 =	vmul.f32 v4, v2;
	_ =	sdelay $0x1  }
0xb9: {  	[tilespmem:v5+s29+$0x0] =	vst.idx.msk $0xffff, v4  }
0xba: {  	v4 =	vld [tilespmem:s15+$0xFFFFFD10];
	_ =	sdelay $0x1  }
0xbb: {  	v5 =	vor.u32 $0x2, v3;
	_ =	sdelay $0x2  }
0xbc: {  	v4 =	vmul.f32 v4, v2;
	_ =	sdelay $0x1  }
0xbd: {  	[tilespmem:v5+s29+$0x0] =	vst.idx.msk $0xffff, v4  }
0xbe: {  	v4 =	vld [tilespmem:s15+$0xFFFFFD90];
	_ =	sdelay $0x1  }
0xbf: {  	v5 =	vor.u32 $0x3, v3;
	_ =	sdelay $0x2  }
0xc0: {  	v4 =	vmul.f32 v4, v2;
	_ =	sdelay $0x1  }
0xc1: {  	[tilespmem:v5+s29+$0x0] =	vst.idx.msk $0xffff, v4  }
0xc2: {  	v4 =	vld [tilespmem:s15+$0xFFFFFE10];
	_ =	sdelay $0x1  }
0xc3: {  	v5 =	vor.u32 $0x4, v3;
	_ =	sdelay $0x2  }
0xc4: {  	v4 =	vmul.f32 v4, v2;
	_ =	sdelay $0x1  }
0xc5: {  	[tilespmem:v5+s29+$0x0] =	vst.idx.msk $0xffff, v4  }
0xc6: {  	v4 =	vld [tilespmem:s15+$0xFFFFFE90];
	_ =	sdelay $0x1  }
0xc7: {  	v5 =	vor.u32 $0x5, v3;
	_ =	sdelay $0x2  }
0xc8: {  	v4 =	vmul.f32 v4, v2;
	_ =	sdelay $0x1  }
0xc9: {  	[tilespmem:v5+s29+$0x0] =	vst.idx.msk $0xffff, v4  }
0xca: {  	v4 =	vld [tilespmem:s15+$0xFFFFFF10];
	_ =	sdelay $0x1  }
0xcb: {  	v5 =	vor.u32 $0x6, v3;
	_ =	sdelay $0x2  }
0xcc: {  	v4 =	vmul.f32 v4, v2;
	_ =	sdelay $0x1  }
0xcd: {  	[tilespmem:v5+s29+$0x0] =	vst.idx.msk $0xffff, v4  }
0xce: {  	v4 =	vld [tilespmem:s15+$0xFFFFFF90];
	_ =	sdelay $0x1  }
0xcf: {  	v5 =	vor.u32 $0x7, v3;
	_ =	sdelay $0x2  }
0xd0: {  	v4 =	vmul.f32 v4, v2;
	_ =	sdelay $0x1  }
0xd1: {  	[tilespmem:v5+s29+$0x0] =	vst.idx.msk $0xffff, v4  }
0xd2: {  	v4 =	vld [tilespmem:s15+$0x10];
	_ =	sdelay $0x1  }
0xd3: {  	v5 =	vor.u32 $0x8, v3;
	_ =	sdelay $0x2  }
0xd4: {  	v4 =	vmul.f32 v4, v2;
	_ =	sdelay $0x1  }
0xd5: {  	[tilespmem:v5+s29+$0x0] =	vst.idx.msk $0xffff, v4  }
0xd6: {  	v4 =	vld [tilespmem:s15+$0x90];
	_ =	sdelay $0x1  }
0xd7: {  	v5 =	vor.u32 $0x9, v3;
	_ =	sdelay $0x2  }
0xd8: {  	v4 =	vmul.f32 v4, v2;
	_ =	sdelay $0x1  }
0xd9: {  	[tilespmem:v5+s29+$0x0] =	vst.idx.msk $0xffff, v4  }
0xda: {  	v4 =	vld [tilespmem:s15+$0x110];
	_ =	sdelay $0x1  }
0xdb: {  	v5 =	vor.u32 $0xA, v3;
	_ =	sdelay $0x2  }
0xdc: {  	v4 =	vmul.f32 v4, v2;
	_ =	sdelay $0x1  }
0xdd: {  	[tilespmem:v5+s29+$0x0] =	vst.idx.msk $0xffff, v4  }
0xde: {  	v4 =	vld [tilespmem:s15+$0x190];
	_ =	sdelay $0x1  }
0xdf: {  	v5 =	vor.u32 $0xB, v3;
	_ =	sdelay $0x2  }
0xe0: {  	v4 =	vmul.f32 v4, v2;
	_ =	sdelay $0x1  }
0xe1: {  	[tilespmem:v5+s29+$0x0] =	vst.idx.msk $0xffff, v4  }
0xe2: {  	v4 =	vld [tilespmem:s15+$0x210];
	_ =	sdelay $0x1  }
0xe3: {  	v5 =	vor.u32 $0xC, v3;
	_ =	sdelay $0x2  }
0xe4: {  	v4 =	vmul.f32 v4, v2;
	_ =	sdelay $0x1  }
0xe5: {  	[tilespmem:v5+s29+$0x0] =	vst.idx.msk $0xffff, v4  }
0xe6: {  	v4 =	vld [tilespmem:s15+$0x290];
	_ =	sdelay $0x1  }
0xe7: {  	v5 =	vor.u32 $0xD, v3;
	_ =	sdelay $0x2  }
0xe8: {  	v4 =	vmul.f32 v4, v2;
	_ =	sdelay $0x1  }
0xe9: {  	[tilespmem:v5+s29+$0x0] =	vst.idx.msk $0xffff, v4  }
0xea: {  	v4 =	vld [tilespmem:s15+$0x310];
	_ =	sdelay $0x1  }
0xeb: {  	v5 =	vor.u32 $0xE, v3;
	_ =	sdelay $0x2  }
0xec: {  	v4 =	vmul.f32 v4, v2;
	_ =	sdelay $0x1  }
0xed: {  	[tilespmem:v5+s29+$0x0] =	vst.idx.msk $0xffff, v4  }
0xee: {  	v4 =	vld [tilespmem:s15+$0x390];
	_ =	sdelay $0x1  }
0xef: {  	v3 =	vor.u32 $0xF, v3;
	_ =	sdelay $0x2  }
0xf0: {  	s14 =	sadd.s32 $0x20, s25;
	s24 =	smov.u32 s15;
	s13 =	simm.s32 $0x0;
	v2 =	vmul.f32 v4, v2  }
.LBB2_8:
0xf1: {  	s13 =	sadd.s32 $0x2, s13;
	s28 =	sadd.s32 $0x20, s28;
	s24 =	sadd.s32 $0x20, s24  }
0xf2: {  	p1 =	slt.u32 s13, $0x6;
	[tilespmem:v3+s29+$0x0] =	vst.idx.msk $0xffff, v2  }
0xf3: {  	v4 =	vld [tilespmem:s24+$0xFFFFFC00]  }
0xf4: {  	v3 =	vmov s28;
	v2 =	vld [tilespmem:s14+$0xFFFFFFF0]  }
0xf5: {  	v3 =	vshll.u32 v3, $0x4  }
0xf6: {  	v3 =	vor.u32 v1, v3;
	_ =	sdelay $0x2  }
0xf7: {  	v4 =	vmul.f32 v4, v2;
	_ =	sdelay $0x1  }
0xf8: {  	[tilespmem:v3+s29+$0x0] =	vst.idx.msk $0xffff, v4  }
0xf9: {  	v4 =	vld [tilespmem:s24+$0xFFFFFC80];
	_ =	sdelay $0x1  }
0xfa: {  	v5 =	vor.u32 $0x1, v3;
	_ =	sdelay $0x2  }
0xfb: {  	v4 =	vmul.f32 v4, v2;
	_ =	sdelay $0x1  }
0xfc: {  	[tilespmem:v5+s29+$0x0] =	vst.idx.msk $0xffff, v4  }
0xfd: {  	v4 =	vld [tilespmem:s24+$0xFFFFFD00];
	_ =	sdelay $0x1  }
0xfe: {  	v5 =	vor.u32 $0x2, v3;
	_ =	sdelay $0x2  }
0xff: {  	v4 =	vmul.f32 v4, v2;
	_ =	sdelay $0x1  }
0x100: {  	[tilespmem:v5+s29+$0x0] =	vst.idx.msk $0xffff, v4  }
0x101: {  	v4 =	vld [tilespmem:s24+$0xFFFFFD80];
	_ =	sdelay $0x1  }
0x102: {  	v5 =	vor.u32 $0x3, v3;
	_ =	sdelay $0x2  }
0x103: {  	v4 =	vmul.f32 v4, v2;
	_ =	sdelay $0x1  }
0x104: {  	[tilespmem:v5+s29+$0x0] =	vst.idx.msk $0xffff, v4  }
0x105: {  	v4 =	vld [tilespmem:s24+$0xFFFFFE00];
	_ =	sdelay $0x1  }
0x106: {  	v5 =	vor.u32 $0x4, v3;
	_ =	sdelay $0x2  }
0x107: {  	v4 =	vmul.f32 v4, v2;
	_ =	sdelay $0x1  }
0x108: {  	[tilespmem:v5+s29+$0x0] =	vst.idx.msk $0xffff, v4  }
0x109: {  	v4 =	vld [tilespmem:s24+$0xFFFFFE80];
	_ =	sdelay $0x1  }
0x10a: {  	v5 =	vor.u32 $0x5, v3;
	_ =	sdelay $0x2  }
0x10b: {  	v4 =	vmul.f32 v4, v2;
	_ =	sdelay $0x1  }
0x10c: {  	[tilespmem:v5+s29+$0x0] =	vst.idx.msk $0xffff, v4  }
0x10d: {  	v4 =	vld [tilespmem:s24+$0xFFFFFF00];
	_ =	sdelay $0x1  }
0x10e: {  	v5 =	vor.u32 $0x6, v3;
	_ =	sdelay $0x2  }
0x10f: {  	v4 =	vmul.f32 v4, v2;
	_ =	sdelay $0x1  }
0x110: {  	[tilespmem:v5+s29+$0x0] =	vst.idx.msk $0xffff, v4  }
0x111: {  	v4 =	vld [tilespmem:s24+$0xFFFFFF80];
	_ =	sdelay $0x1  }
0x112: {  	v5 =	vor.u32 $0x7, v3;
	_ =	sdelay $0x2  }
0x113: {  	v4 =	vmul.f32 v4, v2;
	_ =	sdelay $0x1  }
0x114: {  	[tilespmem:v5+s29+$0x0] =	vst.idx.msk $0xffff, v4  }
0x115: {  	v4 =	vld [tilespmem:s24+$0x0];
	_ =	sdelay $0x1  }
0x116: {  	v5 =	vor.u32 $0x8, v3;
	_ =	sdelay $0x2  }
0x117: {  	v4 =	vmul.f32 v4, v2;
	_ =	sdelay $0x1  }
0x118: {  	[tilespmem:v5+s29+$0x0] =	vst.idx.msk $0xffff, v4  }
0x119: {  	v4 =	vld [tilespmem:s24+$0x80];
	_ =	sdelay $0x1  }
0x11a: {  	v5 =	vor.u32 $0x9, v3;
	_ =	sdelay $0x2  }
0x11b: {  	v4 =	vmul.f32 v4, v2;
	_ =	sdelay $0x1  }
0x11c: {  	[tilespmem:v5+s29+$0x0] =	vst.idx.msk $0xffff, v4  }
0x11d: {  	v4 =	vld [tilespmem:s24+$0x100];
	_ =	sdelay $0x1  }
0x11e: {  	v5 =	vor.u32 $0xA, v3;
	_ =	sdelay $0x2  }
0x11f: {  	v4 =	vmul.f32 v4, v2;
	_ =	sdelay $0x1  }
0x120: {  	[tilespmem:v5+s29+$0x0] =	vst.idx.msk $0xffff, v4  }
0x121: {  	v4 =	vld [tilespmem:s24+$0x180];
	_ =	sdelay $0x1  }
0x122: {  	v5 =	vor.u32 $0xB, v3;
	_ =	sdelay $0x2  }
0x123: {  	v4 =	vmul.f32 v4, v2;
	_ =	sdelay $0x1  }
0x124: {  	[tilespmem:v5+s29+$0x0] =	vst.idx.msk $0xffff, v4  }
0x125: {  	v4 =	vld [tilespmem:s24+$0x200];
	_ =	sdelay $0x1  }
0x126: {  	v5 =	vor.u32 $0xC, v3;
	_ =	sdelay $0x2  }
0x127: {  	v4 =	vmul.f32 v4, v2;
	_ =	sdelay $0x1  }
0x128: {  	[tilespmem:v5+s29+$0x0] =	vst.idx.msk $0xffff, v4  }
0x129: {  	v4 =	vld [tilespmem:s24+$0x280];
	_ =	sdelay $0x1  }
0x12a: {  	v5 =	vor.u32 $0xD, v3;
	_ =	sdelay $0x2  }
0x12b: {  	v4 =	vmul.f32 v4, v2;
	_ =	sdelay $0x1  }
0x12c: {  	[tilespmem:v5+s29+$0x0] =	vst.idx.msk $0xffff, v4  }
0x12d: {  	v4 =	vld [tilespmem:s24+$0x300];
	_ =	sdelay $0x1  }
0x12e: {  	v5 =	vor.u32 $0xE, v3;
	_ =	sdelay $0x2  }
0x12f: {  	v4 =	vmul.f32 v4, v2;
	_ =	sdelay $0x1  }
0x130: {  	[tilespmem:v5+s29+$0x0] =	vst.idx.msk $0xffff, v4  }
0x131: {  	v4 =	vld [tilespmem:s24+$0x380];
	_ =	sdelay $0x1  }
0x132: {  	v3 =	vor.u32 $0xF, v3;
	_ =	sdelay $0x2  }
0x133: {  	v2 =	vmul.f32 v4, v2;
	_ =	sdelay $0x1  }
0x134: {  	s16 =	sadd.s32 $0x10, s28;
	[tilespmem:v3+s29+$0x0] =	vst.idx.msk $0xffff, v2  }
0x135: {  	v3 =	vmov s16;
	v2 =	vld [tilespmem:s14+$0x0]  }
0x136: {  	v3 =	vshll.u32 v3, $0x4;
	v4 =	vld [tilespmem:s24+$0xFFFFFC10]  }
0x137: {  	v3 =	vor.u32 v1, v3;
	_ =	sdelay $0x3  }
0x138: {  	v4 =	vmul.f32 v4, v2;
	_ =	sdelay $0x1  }
0x139: {  	[tilespmem:v3+s29+$0x0] =	vst.idx.msk $0xffff, v4  }
0x13a: {  	v4 =	vld [tilespmem:s24+$0xFFFFFC90]  }
0x13b: {  	v5 =	vor.u32 $0x1, v3;
	_ =	sdelay $0x3  }
0x13c: {  	v4 =	vmul.f32 v4, v2;
	_ =	sdelay $0x1  }
0x13d: {  	[tilespmem:v5+s29+$0x0] =	vst.idx.msk $0xffff, v4  }
0x13e: {  	v4 =	vld [tilespmem:s24+$0xFFFFFD10]  }
0x13f: {  	v5 =	vor.u32 $0x2, v3;
	_ =	sdelay $0x3  }
0x140: {  	v4 =	vmul.f32 v4, v2;
	_ =	sdelay $0x1  }
0x141: {  	[tilespmem:v5+s29+$0x0] =	vst.idx.msk $0xffff, v4  }
0x142: {  	v4 =	vld [tilespmem:s24+$0xFFFFFD90]  }
0x143: {  	v5 =	vor.u32 $0x3, v3;
	_ =	sdelay $0x3  }
0x144: {  	v4 =	vmul.f32 v4, v2;
	_ =	sdelay $0x1  }
0x145: {  	[tilespmem:v5+s29+$0x0] =	vst.idx.msk $0xffff, v4  }
0x146: {  	v4 =	vld [tilespmem:s24+$0xFFFFFE10]  }
0x147: {  	v5 =	vor.u32 $0x4, v3;
	_ =	sdelay $0x3  }
0x148: {  	v4 =	vmul.f32 v4, v2;
	_ =	sdelay $0x1  }
0x149: {  	[tilespmem:v5+s29+$0x0] =	vst.idx.msk $0xffff, v4  }
0x14a: {  	v4 =	vld [tilespmem:s24+$0xFFFFFE90]  }
0x14b: {  	v5 =	vor.u32 $0x5, v3;
	_ =	sdelay $0x3  }
0x14c: {  	v4 =	vmul.f32 v4, v2;
	_ =	sdelay $0x1  }
0x14d: {  	[tilespmem:v5+s29+$0x0] =	vst.idx.msk $0xffff, v4  }
0x14e: {  	v4 =	vld [tilespmem:s24+$0xFFFFFF10]  }
0x14f: {  	v5 =	vor.u32 $0x6, v3;
	_ =	sdelay $0x3  }
0x150: {  	v4 =	vmul.f32 v4, v2;
	_ =	sdelay $0x1  }
0x151: {  	[tilespmem:v5+s29+$0x0] =	vst.idx.msk $0xffff, v4  }
0x152: {  	v4 =	vld [tilespmem:s24+$0xFFFFFF90]  }
0x153: {  	v5 =	vor.u32 $0x7, v3;
	_ =	sdelay $0x3  }
0x154: {  	v4 =	vmul.f32 v4, v2;
	_ =	sdelay $0x1  }
0x155: {  	[tilespmem:v5+s29+$0x0] =	vst.idx.msk $0xffff, v4  }
0x156: {  	v4 =	vld [tilespmem:s24+$0x10]  }
0x157: {  	v5 =	vor.u32 $0x8, v3;
	_ =	sdelay $0x3  }
0x158: {  	v4 =	vmul.f32 v4, v2;
	_ =	sdelay $0x1  }
0x159: {  	[tilespmem:v5+s29+$0x0] =	vst.idx.msk $0xffff, v4  }
0x15a: {  	v4 =	vld [tilespmem:s24+$0x90]  }
0x15b: {  	v5 =	vor.u32 $0x9, v3;
	_ =	sdelay $0x3  }
0x15c: {  	v4 =	vmul.f32 v4, v2;
	_ =	sdelay $0x1  }
0x15d: {  	[tilespmem:v5+s29+$0x0] =	vst.idx.msk $0xffff, v4  }
0x15e: {  	v4 =	vld [tilespmem:s24+$0x110]  }
0x15f: {  	v5 =	vor.u32 $0xA, v3;
	_ =	sdelay $0x3  }
0x160: {  	v4 =	vmul.f32 v4, v2;
	_ =	sdelay $0x1  }
0x161: {  	[tilespmem:v5+s29+$0x0] =	vst.idx.msk $0xffff, v4  }
0x162: {  	v4 =	vld [tilespmem:s24+$0x190]  }
0x163: {  	v5 =	vor.u32 $0xB, v3;
	_ =	sdelay $0x3  }
0x164: {  	v4 =	vmul.f32 v4, v2;
	_ =	sdelay $0x1  }
0x165: {  	[tilespmem:v5+s29+$0x0] =	vst.idx.msk $0xffff, v4  }
0x166: {  	v4 =	vld [tilespmem:s24+$0x210]  }
0x167: {  	v5 =	vor.u32 $0xC, v3;
	_ =	sdelay $0x3  }
0x168: {  	v4 =	vmul.f32 v4, v2;
	_ =	sdelay $0x1  }
0x169: {  	[tilespmem:v5+s29+$0x0] =	vst.idx.msk $0xffff, v4  }
0x16a: {  	v4 =	vld [tilespmem:s24+$0x290]  }
0x16b: {  	v5 =	vor.u32 $0xD, v3;
	_ =	sdelay $0x3  }
0x16c: {  	v4 =	vmul.f32 v4, v2;
	_ =	sdelay $0x1  }
0x16d: {  	[tilespmem:v5+s29+$0x0] =	vst.idx.msk $0xffff, v4  }
0x16e: {  	v4 =	vld [tilespmem:s24+$0x310]  }
0x16f: {  	v5 =	vor.u32 $0xE, v3;
	_ =	sdelay $0x3  }
0x170: {  	v4 =	vmul.f32 v4, v2;
	_ =	sdelay $0x1  }
0x171: {  	[tilespmem:v5+s29+$0x0] =	vst.idx.msk $0xffff, v4  }
0x172: {  	v4 =	vld [tilespmem:s24+$0x390]  }
.Ltmp4:
0x173: {  	v3 =	vor.u32 $0xF, v3;
	(pc) =	sbr.rel @p1 .LBB2_8-.Ltmp4, $2  }
0x174: {  	_ =	sdelay $0x2  }
0x175: {  	s14 =	sadd.s32 $0x20, s14;
	v2 =	vmul.f32 v4, v2  }
0x176: {  	s13 =	sshll.u32 s26, $0x8;
	s26 =	sadd.s32 $0x1, s26  }
0x177: {  	p1 =	sne.s32 s26, $0x4  }
.Ltmp5:
0x178: {  	_ = 	snop;
	(pc) =	sbr.rel @p1 .LBB2_7-.Ltmp5, $4  }
0x179: {  	s4 =	sand.u32 $0x3FFFF800, s4  }
0x17a: {  	s15 =	sadd.s32 $0x800, s15;
	s13 =	sand.u32 $0x3FFFFF00, s13  }
0x17b: {  	s25 =	sadd.s32 $0x80, s25;
	[tilespmem:v3+s29+$0x0] =	vst.idx.msk $0xffff, v2;
	s4 =	sadd.s32 $0x4C00, s4;
	s13 =	sadd.s32 $0x4480, s13  }
0x17c: {  	[spmem:s5] =	stream.indirect.scatter.add.f32 [tilespmem:s4], [sflag:$0x3], $0x10, s13, s31, $0xb8;
	[tilespmem:$0x1F2A0] =	vst v63  }
0x17d: {  	_ =	swait.ge [sflag:s0], $0x800  }
0x17e: {  	[sflag:s0] =	ssyncset.done $0x0  }
0x17f: {  	[sflag:s0] =	ssyncadd.s32 $0xFFFFF800  }
0x180: {  	_ =	swait.ge [sflag:s0], $0x800  }
0x181: {  	[sflag:s0] =	ssyncset.done $0x0  }
0x182: {  	[sflag:s0] =	ssyncadd.s32 $0xFFFFF800  }
0x183: {  	_ =	swait.ge [sflag:s0], $0x800  }
.Ltmp6:
0x184: {  	[sflag:s0] =	ssyncset.done $0x0;
	(pc) =	sbr.rel @p0 .LBB2_16-.Ltmp6, $4  }
0x185: {  	[sflag:s0] =	ssyncadd.s32 $0xFFFFF800  }
0x186: {  	_ =	swait.ge [sflag:s0], $0x800  }
0x187: {  	[sflag:s0] =	ssyncset.done $0x0  }
0x188: {  	[sflag:s0] =	ssyncadd.s32 $0xFFFFF800  }
0x189: {  	_ =	swait.ge [sflag:s20], $0x1000  }
0x18a: {  	[sflag:s20] =	ssyncset.done $0x0  }
0x18b: {  	[sflag:s20] =	ssyncadd.s32 $0xFFFFF000  }
0x18c: {  	_ =	swait.ge [sflag:s20], $0x1000  }
0x18d: {  	[sflag:s20] =	ssyncset.done $0x0  }
0x18e: {  	[sflag:s20] =	ssyncadd.s32 $0xFFFFF000  }
0x18f: {  	_ =	swait.ge [sflag:s20], $0x200  }
0x190: {  	[sflag:s20] =	ssyncset.done $0x0  }
0x191: {  	[sflag:s20] =	ssyncadd.s32 $0xFFFFFE00  }
0x192: {  	s4 =	sadd.s32 $0x40, s22;
	p0 =	sgt.u32 s23, $0x1849;
	_ =	swait.ge [sflag:s20], $0x400  }
0x193: {  	s13 =	sshll.u32 @!p0 s4, $0x9;
	[sflag:s20] =	ssyncset.done $0x0  }
0x194: {  	s15 =	simm.s32 @!p0 $0x0;
	s14 =	sadd.s32 @!p0 s1, s13;
	[sflag:s20] =	ssyncadd.s32 $0xFFFFFC00  }
0x195: {  	[tilespmem:s15], [sflag:$0x1] =	stream.linear.gather @!p0 [hbm4b:s14+s15], $0x400, $0x38;
	[tilespmem:$0x1F2A0] =	vst v63  }
0x196: {  	s22 =	simm.s32 @!p0 $0x800;
	s16 =	sadd.s32 @!p0 $0x80, s14  }
0x197: {  	[tilespmem:s22], [sflag:$0x1] =	stream.linear.gather @!p0 [hbm4b:s16+s15], $0x400, $0x38;
	[tilespmem:$0x1F2A0] =	vst v63  }
0x198: {  	s16 =	sadd.s32 @!p0 $0x100, s14;
	s22 =	simm.s32 @!p0 $0x1000  }
0x199: {  	[tilespmem:s22], [sflag:$0x1] =	stream.linear.gather @!p0 [hbm4b:s16+s15], $0x400, $0x38;
	[tilespmem:$0x1F2A0] =	vst v63  }
0x19a: {  	s14 =	sadd.s32 @!p0 $0x180, s14;
	s16 =	simm.s32 @!p0 $0x1800  }
0x19b: {  	[tilespmem:s16], [sflag:$0x1] =	stream.linear.gather @!p0 [hbm4b:s14+s15], $0x400, $0x38;
	[tilespmem:$0x1F2A0] =	vst v63  }
0x19c: {  	s13 =	sadd.s32 @!p0 s13, s10;
	s14 =	simm.s32 @!p0 $0x400  }
0x19d: {  	[tilespmem:s14], [sflag:$0x1] =	stream.linear.gather @!p0 [hbm4b:s13+s15], $0x400, $0x38;
	[tilespmem:$0x1F2A0] =	vst v63  }
0x19e: {  	s16 =	simm.s32 @!p0 $0xC00;
	s14 =	sadd.s32 @!p0 $0x80, s13  }
0x19f: {  	[tilespmem:s16], [sflag:$0x1] =	stream.linear.gather @!p0 [hbm4b:s14+s15], $0x400, $0x38;
	[tilespmem:$0x1F2A0] =	vst v63  }
0x1a0: {  	s14 =	sadd.s32 @!p0 $0x100, s13;
	s16 =	simm.s32 @!p0 $0x1400  }
0x1a1: {  	[tilespmem:s16], [sflag:$0x1] =	stream.linear.gather @!p0 [hbm4b:s14+s15], $0x400, $0x38;
	[tilespmem:$0x1F2A0] =	vst v63  }
0x1a2: {  	s23 =	simm.s32 $0x2790;
	s13 =	sadd.s32 @!p0 $0x180, s13;
	s14 =	simm.s32 @!p0 $0x1C00  }
0x1a3: {  	[tilespmem:s14], [sflag:$0x1] =	stream.linear.gather @!p0 [hbm4b:s13+s15], $0x400, $0x38;
	[tilespmem:$0x1F2A0] =	vst v63  }
0x1a4: {  	s24 =	simm.s32 $0x4210;
	s25 =	simm.s32 $0x0;
	s13 =	sshll.u32 @!p0 s4, $0x6  }
0x1a5: {  	s14 =	simm.s32 @!p0 $0x4000;
	s4 =	sshll.u32 @!p0 s4, $0x7;
	s13 =	sadd.s32 @!p0 s2, s13  }
0x1a6: {  	[tilespmem:s14], [sflag:$0x1] =	stream.linear.gather @!p0 [hbm4b:s13+s15], $0x200, $0x38;
	[tilespmem:$0x1F2A0] =	vst v63  }
0x1a7: {  	s22 =	simm.s32 $0x0;
	s4 =	sadd.s32 @!p0 s3, s4;
	s13 =	simm.s32 @!p0 $0x4400  }
0x1a8: {  	[tilespmem:s13], [sflag:$0x1] =	stream.linear.gather @!p0 [hbm4b:s4+s15], $0x400, $0x38;
	[tilespmem:$0x1F2A0] =	vst v63  }
.LBB2_12:
0x1a9: {  	v2 =	vld [tilespmem:s23+$0xFFFFF870]  }
0x1aa: {  	v3 =	vmov s22;
	v4 =	vld [tilespmem:s24+$0xFFFFFFF0]  }
0x1ab: {  	v3 =	vshll.u32 v3, $0x4  }
0x1ac: {  	v3 =	vor.u32 v1, v3;
	_ =	sdelay $0x2  }
0x1ad: {  	s28 =	sshll.u32 s25, $0xB;
	v2 =	vmul.f32 v2, v4  }
0x1ae: {  	s26 =	sadd.s32 $0x4C00, s28  }
0x1af: {  	[tilespmem:v3+s26+$0x0] =	vst.idx.msk $0xffff, v2  }
0x1b0: {  	v2 =	vld [tilespmem:s23+$0xFFFFF8F0];
	_ =	sdelay $0x1  }
0x1b1: {  	v5 =	vor.u32 $0x1, v3;
	_ =	sdelay $0x2  }
0x1b2: {  	v2 =	vmul.f32 v2, v4;
	_ =	sdelay $0x1  }
0x1b3: {  	[tilespmem:v5+s26+$0x0] =	vst.idx.msk $0xffff, v2  }
0x1b4: {  	v2 =	vld [tilespmem:s23+$0xFFFFF970];
	_ =	sdelay $0x1  }
0x1b5: {  	v5 =	vor.u32 $0x2, v3;
	_ =	sdelay $0x2  }
0x1b6: {  	v2 =	vmul.f32 v2, v4;
	_ =	sdelay $0x1  }
0x1b7: {  	[tilespmem:v5+s26+$0x0] =	vst.idx.msk $0xffff, v2  }
0x1b8: {  	v2 =	vld [tilespmem:s23+$0xFFFFF9F0];
	_ =	sdelay $0x1  }
0x1b9: {  	v5 =	vor.u32 $0x3, v3;
	_ =	sdelay $0x2  }
0x1ba: {  	v2 =	vmul.f32 v2, v4;
	_ =	sdelay $0x1  }
0x1bb: {  	[tilespmem:v5+s26+$0x0] =	vst.idx.msk $0xffff, v2  }
0x1bc: {  	v2 =	vld [tilespmem:s23+$0xFFFFFA70];
	_ =	sdelay $0x1  }
0x1bd: {  	v5 =	vor.u32 $0x4, v3;
	_ =	sdelay $0x2  }
0x1be: {  	v2 =	vmul.f32 v2, v4;
	_ =	sdelay $0x1  }
0x1bf: {  	[tilespmem:v5+s26+$0x0] =	vst.idx.msk $0xffff, v2  }
0x1c0: {  	v2 =	vld [tilespmem:s23+$0xFFFFFAF0];
	_ =	sdelay $0x1  }
0x1c1: {  	v5 =	vor.u32 $0x5, v3;
	_ =	sdelay $0x2  }
0x1c2: {  	v2 =	vmul.f32 v2, v4;
	_ =	sdelay $0x1  }
0x1c3: {  	[tilespmem:v5+s26+$0x0] =	vst.idx.msk $0xffff, v2  }
0x1c4: {  	v2 =	vld [tilespmem:s23+$0xFFFFFB70];
	_ =	sdelay $0x1  }
0x1c5: {  	v5 =	vor.u32 $0x6, v3;
	_ =	sdelay $0x2  }
0x1c6: {  	v2 =	vmul.f32 v2, v4;
	_ =	sdelay $0x1  }
0x1c7: {  	[tilespmem:v5+s26+$0x0] =	vst.idx.msk $0xffff, v2  }
0x1c8: {  	v2 =	vld [tilespmem:s23+$0xFFFFFBF0];
	_ =	sdelay $0x1  }
0x1c9: {  	v5 =	vor.u32 $0x7, v3;
	_ =	sdelay $0x2  }
0x1ca: {  	v2 =	vmul.f32 v2, v4;
	_ =	sdelay $0x1  }
0x1cb: {  	[tilespmem:v5+s26+$0x0] =	vst.idx.msk $0xffff, v2  }
0x1cc: {  	v2 =	vld [tilespmem:s23+$0xFFFFFC70];
	_ =	sdelay $0x1  }
0x1cd: {  	v5 =	vor.u32 $0x8, v3;
	_ =	sdelay $0x2  }
0x1ce: {  	v2 =	vmul.f32 v2, v4;
	_ =	sdelay $0x1  }
0x1cf: {  	[tilespmem:v5+s26+$0x0] =	vst.idx.msk $0xffff, v2  }
0x1d0: {  	v2 =	vld [tilespmem:s23+$0xFFFFFCF0];
	_ =	sdelay $0x1  }
0x1d1: {  	v5 =	vor.u32 $0x9, v3;
	_ =	sdelay $0x2  }
0x1d2: {  	v2 =	vmul.f32 v2, v4;
	_ =	sdelay $0x1  }
0x1d3: {  	[tilespmem:v5+s26+$0x0] =	vst.idx.msk $0xffff, v2  }
0x1d4: {  	v2 =	vld [tilespmem:s23+$0xFFFFFD70];
	_ =	sdelay $0x1  }
0x1d5: {  	v5 =	vor.u32 $0xA, v3;
	_ =	sdelay $0x2  }
0x1d6: {  	v2 =	vmul.f32 v2, v4;
	_ =	sdelay $0x1  }
0x1d7: {  	[tilespmem:v5+s26+$0x0] =	vst.idx.msk $0xffff, v2  }
0x1d8: {  	v2 =	vld [tilespmem:s23+$0xFFFFFDF0];
	_ =	sdelay $0x1  }
0x1d9: {  	v5 =	vor.u32 $0xB, v3;
	_ =	sdelay $0x2  }
0x1da: {  	v2 =	vmul.f32 v2, v4;
	_ =	sdelay $0x1  }
0x1db: {  	[tilespmem:v5+s26+$0x0] =	vst.idx.msk $0xffff, v2  }
0x1dc: {  	v2 =	vld [tilespmem:s23+$0xFFFFFE70];
	_ =	sdelay $0x1  }
0x1dd: {  	v5 =	vor.u32 $0xC, v3;
	_ =	sdelay $0x2  }
0x1de: {  	v2 =	vmul.f32 v2, v4;
	_ =	sdelay $0x1  }
0x1df: {  	[tilespmem:v5+s26+$0x0] =	vst.idx.msk $0xffff, v2  }
0x1e0: {  	v2 =	vld [tilespmem:s23+$0xFFFFFEF0];
	_ =	sdelay $0x1  }
0x1e1: {  	v5 =	vor.u32 $0xD, v3;
	_ =	sdelay $0x2  }
0x1e2: {  	v2 =	vmul.f32 v2, v4;
	_ =	sdelay $0x1  }
0x1e3: {  	[tilespmem:v5+s26+$0x0] =	vst.idx.msk $0xffff, v2  }
0x1e4: {  	v2 =	vld [tilespmem:s23+$0xFFFFFF70];
	_ =	sdelay $0x1  }
0x1e5: {  	v5 =	vor.u32 $0xE, v3;
	_ =	sdelay $0x2  }
0x1e6: {  	v2 =	vmul.f32 v2, v4;
	_ =	sdelay $0x1  }
0x1e7: {  	[tilespmem:v5+s26+$0x0] =	vst.idx.msk $0xffff, v2  }
0x1e8: {  	v2 =	vld [tilespmem:s23+$0xFFFFFFF0];
	_ =	sdelay $0x1  }
0x1e9: {  	v3 =	vor.u32 $0xF, v3;
	_ =	sdelay $0x2  }
0x1ea: {  	v2 =	vmul.f32 v2, v4;
	_ =	sdelay $0x1  }
0x1eb: {  	[tilespmem:v3+s26+$0x0] =	vst.idx.msk $0xffff, v2  }
0x1ec: {  	s4 =	simm.s32 $0x10;
	v2 =	vld [tilespmem:s24+$0x0]  }
0x1ed: {  	v3 =	vmov s4;
	v4 =	vld [tilespmem:s23+$0xFFFFF880]  }
0x1ee: {  	v3 =	vshll.u32 v3, $0x4  }
0x1ef: {  	v3 =	vor.u32 v1, v3;
	_ =	sdelay $0x2  }
0x1f0: {  	v4 =	vmul.f32 v4, v2;
	_ =	sdelay $0x1  }
0x1f1: {  	[tilespmem:v3+s26+$0x0] =	vst.idx.msk $0xffff, v4  }
0x1f2: {  	v4 =	vld [tilespmem:s23+$0xFFFFF900];
	_ =	sdelay $0x1  }
0x1f3: {  	v5 =	vor.u32 $0x1, v3;
	_ =	sdelay $0x2  }
0x1f4: {  	v4 =	vmul.f32 v4, v2;
	_ =	sdelay $0x1  }
0x1f5: {  	[tilespmem:v5+s26+$0x0] =	vst.idx.msk $0xffff, v4  }
0x1f6: {  	v4 =	vld [tilespmem:s23+$0xFFFFF980];
	_ =	sdelay $0x1  }
0x1f7: {  	v5 =	vor.u32 $0x2, v3;
	_ =	sdelay $0x2  }
0x1f8: {  	v4 =	vmul.f32 v4, v2;
	_ =	sdelay $0x1  }
0x1f9: {  	[tilespmem:v5+s26+$0x0] =	vst.idx.msk $0xffff, v4  }
0x1fa: {  	v4 =	vld [tilespmem:s23+$0xFFFFFA00];
	_ =	sdelay $0x1  }
0x1fb: {  	v5 =	vor.u32 $0x3, v3;
	_ =	sdelay $0x2  }
0x1fc: {  	v4 =	vmul.f32 v4, v2;
	_ =	sdelay $0x1  }
0x1fd: {  	[tilespmem:v5+s26+$0x0] =	vst.idx.msk $0xffff, v4  }
0x1fe: {  	v4 =	vld [tilespmem:s23+$0xFFFFFA80];
	_ =	sdelay $0x1  }
0x1ff: {  	v5 =	vor.u32 $0x4, v3;
	_ =	sdelay $0x2  }
0x200: {  	v4 =	vmul.f32 v4, v2;
	_ =	sdelay $0x1  }
0x201: {  	[tilespmem:v5+s26+$0x0] =	vst.idx.msk $0xffff, v4  }
0x202: {  	v4 =	vld [tilespmem:s23+$0xFFFFFB00];
	_ =	sdelay $0x1  }
0x203: {  	v5 =	vor.u32 $0x5, v3;
	_ =	sdelay $0x2  }
0x204: {  	v4 =	vmul.f32 v4, v2;
	_ =	sdelay $0x1  }
0x205: {  	[tilespmem:v5+s26+$0x0] =	vst.idx.msk $0xffff, v4  }
0x206: {  	v4 =	vld [tilespmem:s23+$0xFFFFFB80];
	_ =	sdelay $0x1  }
0x207: {  	v5 =	vor.u32 $0x6, v3;
	_ =	sdelay $0x2  }
0x208: {  	v4 =	vmul.f32 v4, v2;
	_ =	sdelay $0x1  }
0x209: {  	[tilespmem:v5+s26+$0x0] =	vst.idx.msk $0xffff, v4  }
0x20a: {  	v4 =	vld [tilespmem:s23+$0xFFFFFC00];
	_ =	sdelay $0x1  }
0x20b: {  	v5 =	vor.u32 $0x7, v3;
	_ =	sdelay $0x2  }
0x20c: {  	v4 =	vmul.f32 v4, v2;
	_ =	sdelay $0x1  }
0x20d: {  	[tilespmem:v5+s26+$0x0] =	vst.idx.msk $0xffff, v4  }
0x20e: {  	v4 =	vld [tilespmem:s23+$0xFFFFFC80];
	_ =	sdelay $0x1  }
0x20f: {  	v5 =	vor.u32 $0x8, v3;
	_ =	sdelay $0x2  }
0x210: {  	v4 =	vmul.f32 v4, v2;
	_ =	sdelay $0x1  }
0x211: {  	[tilespmem:v5+s26+$0x0] =	vst.idx.msk $0xffff, v4  }
0x212: {  	v4 =	vld [tilespmem:s23+$0xFFFFFD00];
	_ =	sdelay $0x1  }
0x213: {  	v5 =	vor.u32 $0x9, v3;
	_ =	sdelay $0x2  }
0x214: {  	v4 =	vmul.f32 v4, v2;
	_ =	sdelay $0x1  }
0x215: {  	[tilespmem:v5+s26+$0x0] =	vst.idx.msk $0xffff, v4  }
0x216: {  	v4 =	vld [tilespmem:s23+$0xFFFFFD80];
	_ =	sdelay $0x1  }
0x217: {  	v5 =	vor.u32 $0xA, v3;
	_ =	sdelay $0x2  }
0x218: {  	v4 =	vmul.f32 v4, v2;
	_ =	sdelay $0x1  }
0x219: {  	[tilespmem:v5+s26+$0x0] =	vst.idx.msk $0xffff, v4  }
0x21a: {  	v4 =	vld [tilespmem:s23+$0xFFFFFE00];
	_ =	sdelay $0x1  }
0x21b: {  	v5 =	vor.u32 $0xB, v3;
	_ =	sdelay $0x2  }
0x21c: {  	v4 =	vmul.f32 v4, v2;
	_ =	sdelay $0x1  }
0x21d: {  	[tilespmem:v5+s26+$0x0] =	vst.idx.msk $0xffff, v4  }
0x21e: {  	v4 =	vld [tilespmem:s23+$0xFFFFFE80];
	_ =	sdelay $0x1  }
0x21f: {  	v5 =	vor.u32 $0xC, v3;
	_ =	sdelay $0x2  }
0x220: {  	v4 =	vmul.f32 v4, v2;
	_ =	sdelay $0x1  }
0x221: {  	[tilespmem:v5+s26+$0x0] =	vst.idx.msk $0xffff, v4  }
0x222: {  	v4 =	vld [tilespmem:s23+$0xFFFFFF00];
	_ =	sdelay $0x1  }
0x223: {  	v5 =	vor.u32 $0xD, v3;
	_ =	sdelay $0x2  }
0x224: {  	v4 =	vmul.f32 v4, v2;
	_ =	sdelay $0x1  }
0x225: {  	[tilespmem:v5+s26+$0x0] =	vst.idx.msk $0xffff, v4  }
0x226: {  	v4 =	vld [tilespmem:s23+$0xFFFFFF80];
	_ =	sdelay $0x1  }
0x227: {  	v5 =	vor.u32 $0xE, v3;
	_ =	sdelay $0x2  }
0x228: {  	v4 =	vmul.f32 v4, v2;
	_ =	sdelay $0x1  }
0x229: {  	[tilespmem:v5+s26+$0x0] =	vst.idx.msk $0xffff, v4  }
0x22a: {  	v4 =	vld [tilespmem:s23+$0x0];
	_ =	sdelay $0x1  }
0x22b: {  	v3 =	vor.u32 $0xF, v3;
	_ =	sdelay $0x1  }
0x22c: {  	s13 =	sadd.s32 $0x20, s24  }
0x22d: {  	s14 =	simm.s32 $0x0;
	s15 =	smov.u32 s23;
	s4 =	simm.s32 $0x0;
	v2 =	vmul.f32 v4, v2  }
.LBB2_13:
0x22e: {  	s4 =	sadd.s32 $0x2, s4;
	s14 =	sadd.s32 $0x20, s14;
	s15 =	sadd.s32 $0x20, s15  }
0x22f: {  	p0 =	slt.u32 s4, $0x6;
	[tilespmem:v3+s26+$0x0] =	vst.idx.msk $0xffff, v2  }
0x230: {  	v4 =	vld [tilespmem:s15+$0xFFFFF870]  }
0x231: {  	v3 =	vmov s14;
	v2 =	vld [tilespmem:s13+$0xFFFFFFF0]  }
0x232: {  	v3 =	vshll.u32 v3, $0x4  }
0x233: {  	v3 =	vor.u32 v1, v3;
	_ =	sdelay $0x2  }
0x234: {  	v4 =	vmul.f32 v4, v2;
	_ =	sdelay $0x1  }
0x235: {  	[tilespmem:v3+s26+$0x0] =	vst.idx.msk $0xffff, v4  }
0x236: {  	v4 =	vld [tilespmem:s15+$0xFFFFF8F0];
	_ =	sdelay $0x1  }
0x237: {  	v5 =	vor.u32 $0x1, v3;
	_ =	sdelay $0x2  }
0x238: {  	v4 =	vmul.f32 v4, v2;
	_ =	sdelay $0x1  }
0x239: {  	[tilespmem:v5+s26+$0x0] =	vst.idx.msk $0xffff, v4  }
0x23a: {  	v4 =	vld [tilespmem:s15+$0xFFFFF970];
	_ =	sdelay $0x1  }
0x23b: {  	v5 =	vor.u32 $0x2, v3;
	_ =	sdelay $0x2  }
0x23c: {  	v4 =	vmul.f32 v4, v2;
	_ =	sdelay $0x1  }
0x23d: {  	[tilespmem:v5+s26+$0x0] =	vst.idx.msk $0xffff, v4  }
0x23e: {  	v4 =	vld [tilespmem:s15+$0xFFFFF9F0];
	_ =	sdelay $0x1  }
0x23f: {  	v5 =	vor.u32 $0x3, v3;
	_ =	sdelay $0x2  }
0x240: {  	v4 =	vmul.f32 v4, v2;
	_ =	sdelay $0x1  }
0x241: {  	[tilespmem:v5+s26+$0x0] =	vst.idx.msk $0xffff, v4  }
0x242: {  	v4 =	vld [tilespmem:s15+$0xFFFFFA70];
	_ =	sdelay $0x1  }
0x243: {  	v5 =	vor.u32 $0x4, v3;
	_ =	sdelay $0x2  }
0x244: {  	v4 =	vmul.f32 v4, v2;
	_ =	sdelay $0x1  }
0x245: {  	[tilespmem:v5+s26+$0x0] =	vst.idx.msk $0xffff, v4  }
0x246: {  	v4 =	vld [tilespmem:s15+$0xFFFFFAF0];
	_ =	sdelay $0x1  }
0x247: {  	v5 =	vor.u32 $0x5, v3;
	_ =	sdelay $0x2  }
0x248: {  	v4 =	vmul.f32 v4, v2;
	_ =	sdelay $0x1  }
0x249: {  	[tilespmem:v5+s26+$0x0] =	vst.idx.msk $0xffff, v4  }
0x24a: {  	v4 =	vld [tilespmem:s15+$0xFFFFFB70];
	_ =	sdelay $0x1  }
0x24b: {  	v5 =	vor.u32 $0x6, v3;
	_ =	sdelay $0x2  }
0x24c: {  	v4 =	vmul.f32 v4, v2;
	_ =	sdelay $0x1  }
0x24d: {  	[tilespmem:v5+s26+$0x0] =	vst.idx.msk $0xffff, v4  }
0x24e: {  	v4 =	vld [tilespmem:s15+$0xFFFFFBF0];
	_ =	sdelay $0x1  }
0x24f: {  	v5 =	vor.u32 $0x7, v3;
	_ =	sdelay $0x2  }
0x250: {  	v4 =	vmul.f32 v4, v2;
	_ =	sdelay $0x1  }
0x251: {  	[tilespmem:v5+s26+$0x0] =	vst.idx.msk $0xffff, v4  }
0x252: {  	v4 =	vld [tilespmem:s15+$0xFFFFFC70];
	_ =	sdelay $0x1  }
0x253: {  	v5 =	vor.u32 $0x8, v3;
	_ =	sdelay $0x2  }
0x254: {  	v4 =	vmul.f32 v4, v2;
	_ =	sdelay $0x1  }
0x255: {  	[tilespmem:v5+s26+$0x0] =	vst.idx.msk $0xffff, v4  }
0x256: {  	v4 =	vld [tilespmem:s15+$0xFFFFFCF0];
	_ =	sdelay $0x1  }
0x257: {  	v5 =	vor.u32 $0x9, v3;
	_ =	sdelay $0x2  }
0x258: {  	v4 =	vmul.f32 v4, v2;
	_ =	sdelay $0x1  }
0x259: {  	[tilespmem:v5+s26+$0x0] =	vst.idx.msk $0xffff, v4  }
0x25a: {  	v4 =	vld [tilespmem:s15+$0xFFFFFD70];
	_ =	sdelay $0x1  }
0x25b: {  	v5 =	vor.u32 $0xA, v3;
	_ =	sdelay $0x2  }
0x25c: {  	v4 =	vmul.f32 v4, v2;
	_ =	sdelay $0x1  }
0x25d: {  	[tilespmem:v5+s26+$0x0] =	vst.idx.msk $0xffff, v4  }
0x25e: {  	v4 =	vld [tilespmem:s15+$0xFFFFFDF0];
	_ =	sdelay $0x1  }
0x25f: {  	v5 =	vor.u32 $0xB, v3;
	_ =	sdelay $0x2  }
0x260: {  	v4 =	vmul.f32 v4, v2;
	_ =	sdelay $0x1  }
0x261: {  	[tilespmem:v5+s26+$0x0] =	vst.idx.msk $0xffff, v4  }
0x262: {  	v4 =	vld [tilespmem:s15+$0xFFFFFE70];
	_ =	sdelay $0x1  }
0x263: {  	v5 =	vor.u32 $0xC, v3;
	_ =	sdelay $0x2  }
0x264: {  	v4 =	vmul.f32 v4, v2;
	_ =	sdelay $0x1  }
0x265: {  	[tilespmem:v5+s26+$0x0] =	vst.idx.msk $0xffff, v4  }
0x266: {  	v4 =	vld [tilespmem:s15+$0xFFFFFEF0];
	_ =	sdelay $0x1  }
0x267: {  	v5 =	vor.u32 $0xD, v3;
	_ =	sdelay $0x2  }
0x268: {  	v4 =	vmul.f32 v4, v2;
	_ =	sdelay $0x1  }
0x269: {  	[tilespmem:v5+s26+$0x0] =	vst.idx.msk $0xffff, v4  }
0x26a: {  	v4 =	vld [tilespmem:s15+$0xFFFFFF70];
	_ =	sdelay $0x1  }
0x26b: {  	v5 =	vor.u32 $0xE, v3;
	_ =	sdelay $0x2  }
0x26c: {  	v4 =	vmul.f32 v4, v2;
	_ =	sdelay $0x1  }
0x26d: {  	[tilespmem:v5+s26+$0x0] =	vst.idx.msk $0xffff, v4  }
0x26e: {  	v4 =	vld [tilespmem:s15+$0xFFFFFFF0];
	_ =	sdelay $0x1  }
0x26f: {  	v3 =	vor.u32 $0xF, v3;
	_ =	sdelay $0x2  }
0x270: {  	v2 =	vmul.f32 v4, v2;
	_ =	sdelay $0x1  }
0x271: {  	s16 =	sadd.s32 $0x10, s14;
	[tilespmem:v3+s26+$0x0] =	vst.idx.msk $0xffff, v2  }
0x272: {  	v3 =	vmov s16;
	v2 =	vld [tilespmem:s13+$0x0]  }
0x273: {  	v3 =	vshll.u32 v3, $0x4;
	v4 =	vld [tilespmem:s15+$0xFFFFF880]  }
0x274: {  	v3 =	vor.u32 v1, v3;
	_ =	sdelay $0x3  }
0x275: {  	v4 =	vmul.f32 v4, v2;
	_ =	sdelay $0x1  }
0x276: {  	[tilespmem:v3+s26+$0x0] =	vst.idx.msk $0xffff, v4  }
0x277: {  	v4 =	vld [tilespmem:s15+$0xFFFFF900]  }
0x278: {  	v5 =	vor.u32 $0x1, v3;
	_ =	sdelay $0x3  }
0x279: {  	v4 =	vmul.f32 v4, v2;
	_ =	sdelay $0x1  }
0x27a: {  	[tilespmem:v5+s26+$0x0] =	vst.idx.msk $0xffff, v4  }
0x27b: {  	v4 =	vld [tilespmem:s15+$0xFFFFF980]  }
0x27c: {  	v5 =	vor.u32 $0x2, v3;
	_ =	sdelay $0x3  }
0x27d: {  	v4 =	vmul.f32 v4, v2;
	_ =	sdelay $0x1  }
0x27e: {  	[tilespmem:v5+s26+$0x0] =	vst.idx.msk $0xffff, v4  }
0x27f: {  	v4 =	vld [tilespmem:s15+$0xFFFFFA00]  }
0x280: {  	v5 =	vor.u32 $0x3, v3;
	_ =	sdelay $0x3  }
0x281: {  	v4 =	vmul.f32 v4, v2;
	_ =	sdelay $0x1  }
0x282: {  	[tilespmem:v5+s26+$0x0] =	vst.idx.msk $0xffff, v4  }
0x283: {  	v4 =	vld [tilespmem:s15+$0xFFFFFA80]  }
0x284: {  	v5 =	vor.u32 $0x4, v3;
	_ =	sdelay $0x3  }
0x285: {  	v4 =	vmul.f32 v4, v2;
	_ =	sdelay $0x1  }
0x286: {  	[tilespmem:v5+s26+$0x0] =	vst.idx.msk $0xffff, v4  }
0x287: {  	v4 =	vld [tilespmem:s15+$0xFFFFFB00]  }
0x288: {  	v5 =	vor.u32 $0x5, v3;
	_ =	sdelay $0x3  }
0x289: {  	v4 =	vmul.f32 v4, v2;
	_ =	sdelay $0x1  }
0x28a: {  	[tilespmem:v5+s26+$0x0] =	vst.idx.msk $0xffff, v4  }
0x28b: {  	v4 =	vld [tilespmem:s15+$0xFFFFFB80]  }
0x28c: {  	v5 =	vor.u32 $0x6, v3;
	_ =	sdelay $0x3  }
0x28d: {  	v4 =	vmul.f32 v4, v2;
	_ =	sdelay $0x1  }
0x28e: {  	[tilespmem:v5+s26+$0x0] =	vst.idx.msk $0xffff, v4  }
0x28f: {  	v4 =	vld [tilespmem:s15+$0xFFFFFC00]  }
0x290: {  	v5 =	vor.u32 $0x7, v3;
	_ =	sdelay $0x3  }
0x291: {  	v4 =	vmul.f32 v4, v2;
	_ =	sdelay $0x1  }
0x292: {  	[tilespmem:v5+s26+$0x0] =	vst.idx.msk $0xffff, v4  }
0x293: {  	v4 =	vld [tilespmem:s15+$0xFFFFFC80]  }
0x294: {  	v5 =	vor.u32 $0x8, v3;
	_ =	sdelay $0x3  }
0x295: {  	v4 =	vmul.f32 v4, v2;
	_ =	sdelay $0x1  }
0x296: {  	[tilespmem:v5+s26+$0x0] =	vst.idx.msk $0xffff, v4  }
0x297: {  	v4 =	vld [tilespmem:s15+$0xFFFFFD00]  }
0x298: {  	v5 =	vor.u32 $0x9, v3;
	_ =	sdelay $0x3  }
0x299: {  	v4 =	vmul.f32 v4, v2;
	_ =	sdelay $0x1  }
0x29a: {  	[tilespmem:v5+s26+$0x0] =	vst.idx.msk $0xffff, v4  }
0x29b: {  	v4 =	vld [tilespmem:s15+$0xFFFFFD80]  }
0x29c: {  	v5 =	vor.u32 $0xA, v3;
	_ =	sdelay $0x3  }
0x29d: {  	v4 =	vmul.f32 v4, v2;
	_ =	sdelay $0x1  }
0x29e: {  	[tilespmem:v5+s26+$0x0] =	vst.idx.msk $0xffff, v4  }
0x29f: {  	v4 =	vld [tilespmem:s15+$0xFFFFFE00]  }
0x2a0: {  	v5 =	vor.u32 $0xB, v3;
	_ =	sdelay $0x3  }
0x2a1: {  	v4 =	vmul.f32 v4, v2;
	_ =	sdelay $0x1  }
0x2a2: {  	[tilespmem:v5+s26+$0x0] =	vst.idx.msk $0xffff, v4  }
0x2a3: {  	v4 =	vld [tilespmem:s15+$0xFFFFFE80]  }
0x2a4: {  	v5 =	vor.u32 $0xC, v3;
	_ =	sdelay $0x3  }
0x2a5: {  	v4 =	vmul.f32 v4, v2;
	_ =	sdelay $0x1  }
0x2a6: {  	[tilespmem:v5+s26+$0x0] =	vst.idx.msk $0xffff, v4  }
0x2a7: {  	v4 =	vld [tilespmem:s15+$0xFFFFFF00]  }
0x2a8: {  	v5 =	vor.u32 $0xD, v3;
	_ =	sdelay $0x3  }
0x2a9: {  	v4 =	vmul.f32 v4, v2;
	_ =	sdelay $0x1  }
0x2aa: {  	[tilespmem:v5+s26+$0x0] =	vst.idx.msk $0xffff, v4  }
0x2ab: {  	v4 =	vld [tilespmem:s15+$0xFFFFFF80]  }
0x2ac: {  	v5 =	vor.u32 $0xE, v3;
	_ =	sdelay $0x3  }
0x2ad: {  	v4 =	vmul.f32 v4, v2;
	_ =	sdelay $0x1  }
0x2ae: {  	[tilespmem:v5+s26+$0x0] =	vst.idx.msk $0xffff, v4  }
0x2af: {  	v4 =	vld [tilespmem:s15+$0x0]  }
.Ltmp7:
0x2b0: {  	v3 =	vor.u32 $0xF, v3;
	(pc) =	sbr.rel @p0 .LBB2_13-.Ltmp7, $2  }
0x2b1: {  	_ =	sdelay $0x2  }
0x2b2: {  	s13 =	sadd.s32 $0x20, s13;
	v2 =	vmul.f32 v4, v2  }
0x2b3: {  	s4 =	sshll.u32 s25, $0x8;
	s25 =	sadd.s32 $0x1, s25  }
0x2b4: {  	p0 =	sne.s32 s25, $0x4  }
.Ltmp8:
0x2b5: {  	_ = 	snop;
	(pc) =	sbr.rel @p0 .LBB2_12-.Ltmp8, $4  }
0x2b6: {  	s13 =	sand.u32 $0x3FFFF800, s28  }
0x2b7: {  	s23 =	sadd.s32 $0x800, s23;
	s4 =	sand.u32 $0x3FFFFF00, s4  }
0x2b8: {  	s24 =	sadd.s32 $0x80, s24;
	[tilespmem:v3+s26+$0x0] =	vst.idx.msk $0xffff, v2;
	s13 =	sadd.s32 $0x4C00, s13;
	s4 =	sadd.s32 $0x4880, s4  }
0x2b9: {  	[spmem:s5] =	stream.indirect.scatter.add.f32 [tilespmem:s13], [sflag:$0x3], $0x10, s4, s31, $0xb8;
	[tilespmem:$0x1F2A0] =	vst v63  }
0x2ba: {  	_ =	swait.ge [sflag:s0], $0x800  }
0x2bb: {  	[sflag:s0] =	ssyncset.done $0x0  }
0x2bc: {  	[sflag:s0] =	ssyncadd.s32 $0xFFFFF800  }
0x2bd: {  	_ =	swait.ge [sflag:s0], $0x800  }
0x2be: {  	[sflag:s0] =	ssyncset.done $0x0  }
0x2bf: {  	[sflag:s0] =	ssyncadd.s32 $0xFFFFF800  }
0x2c0: {  	_ =	swait.ge [sflag:s0], $0x800  }
.Ltmp9:
0x2c1: {  	[sflag:s0] =	ssyncset.done $0x0;
	(pc) =	sbr.rel .LBB2_16-.Ltmp9, $4  }
0x2c2: {  	[sflag:s0] =	ssyncadd.s32 $0xFFFFF800  }
0x2c3: {  	_ =	swait.ge [sflag:s0], $0x800  }
0x2c4: {  	[sflag:s0] =	ssyncset.done $0x0  }
0x2c5: {  	[sflag:s0] =	ssyncadd.s32 $0xFFFFF800  }
.LBB2_17:
0x2c6: {  	s4 =	stileid.u32  }
0x2c7: {  	[bflag:$0x0] =	sbarrier.arrive $0xFFFF;
	s4 =	sshll.u32 s4, $0x6  }
0x2c8: {  	s13 =	sadd.s32 $0x0, s17;
	s14 =	sshrl.u32 s8, $0x3;
	s4 =	sor.u32 $0x1C04, s4  }
0x2c9: {  	[hbm:s13], [sflag:s4] =	dma.local [spmem:s14], $0x200  }
0x2ca: {  	s13 =	simm.s32 $0x200;
	s14 =	sadd.s32 $0x1000, s8;
	_ =	swait.ge [sflag:s19], $0x200  }
.LBB2_18:
0x2cb: {  	s15 =	sadd.s32 s13, s17;
	[sflag:s19] =	ssyncset.done $0x0;
	p0 =	sne.s32 s13, $0x2E00  }
.Ltmp10:
0x2cc: {  	s16 =	sshrl.u32 s14, $0x3;
	[sflag:s19] =	ssyncadd.s32 $0xFFFFFE00;
	(pc) =	sbr.rel @p0 .LBB2_18-.Ltmp10, $3  }
0x2cd: {  	[hbm:s15], [sflag:s4] =	dma.local [spmem:s16], $0x200  }
0x2ce: {  	s13 =	sadd.s32 $0x200, s13;
	_ =	sdelay $0x1  }
0x2cf: {  	s14 =	sadd.s32 $0x1000, s14;
	_ =	swait.ge [sflag:s19], $0x200  }
0x2d0: {  	[sflag:s19] =	ssyncset.done $0x0  }
0x2d1: {  	s13 =	sshrl.u32 s9, $0x3;
	s14 =	rddreg [dreg:$0x8];
	[sflag:s19] =	ssyncadd.s32 $0xFFFFFE00  }
0x2d2: {  	[hbm:s14], [sflag:s4] =	dma.local [spmem:s13], $0xE0  }
0x2d3: {  	_ =	swait.ge [sflag:s19], $0xE0  }
0x2d4: {  	s6 =	sadd.s32 $0x1, s6;
	s29 =	rddreg [dreg:$0x9]  }
0x2d5: {  	p0 =	sne.s32 s6, s29  }
.Ltmp11:
0x2d6: {  	_ = 	snop;
	(pc) =	sbr.rel @p0 .LBB2_1-.Ltmp11, $3  }
0x2d7: {  	_ =	sdelay $0x1  }
0x2d8: {  	[sflag:s19] =	ssyncset.done $0x0  }
0x2d9: {  	[sflag:s19] =	ssyncadd.s32 $0xFFFFFF20  }
0x2da: {  	_ =	sfence.sel $0x180000  }
0x2db: {  	[bflag:$0x0] =	sbarrier.arrive $0xFFFF  }
0x2dc: {  	_ =	strace $0x90000047  }
0x2dd: {  	s0 =	stileid.u32;
	[bflag:$0x2] =	sbarrier.arrive $0xFFFF  }
0x2de: {  	p0 =	sne.s32 s0, $0x0;
	s0 =	rddreg [dreg:$0x5]  }
0x2df: {  	s0 =	sadd.s32 @!p0 $0x100000, s0  }
0x2e0: {  	[sflag:s0] =	ssyncadd.tile.s32 @!p0 $0x1;
	_ =	shalt  }
.Lfunc_end2:
_tile_overlayer_lowered:
.L_overlay_start_2:
0x2e1: {  	(tag) =	ssettag $0x2  }
0x2e2: {  	s0 =	rddreg [dreg:$0x0];
	s2 =	stileid.u32  }
0x2e3: {  	s1 =	rddreg [dreg:$0x1];
	p0 =	sne.s32 s2, $0x0  }
0x2e4: {  	s3 =	rddreg [dreg:$0x2];
	[bflag:$0x3] =	sbarrier.arrive $0xFFFF;
	s2 =	simm.s32 @!p0 $0x1C04  }
0x2e5: {  	[timem:s3], [sflag:s2] =	dma.local @!p0 [hbm:s0], s1  }
0x2e6: {  	s0 =	simm.s32 @!p0 $0x4  }
0x2e7: {  	_ =	swait.ge @!p0 [sflag:s0], s1  }
0x2e8: {  	s1 =	ssub.s32 @!p0 $0x0, s1;
	[sflag:s0] =	ssyncset.done @!p0 $0x0  }
0x2e9: {  	[sflag:s0] =	ssyncadd.s32 @!p0 s1  }
0x2ea: {  	[bflag:$0x3] =	sbarrier.arrive $0xFFFF  }
0x2eb: {  	_ =	shalt  }

</sc_bundles>
